<compile_context>
chip_gen: v7x
topology: tpu7x:2x2x1
jax: 0.10.2.dev20260603
libtpu: 0.0.44.dev20260713+nightly
codegen_flags: <defaults>
</compile_context>

<pallas_src>
import functools

import jax
import jax.numpy as jnp
import numpy as np
from jax import lax
from jax.experimental import pallas as pl
from jax.experimental.pallas import tpu as pltpu
from jax.experimental.pallas import tpu_sc as plsc

_N = 500
_NP = 512
_E = 16000
_NT = _N * (_N + 1) // 2
_NTP = 125312
_AFLAT = _NP * _NP

_EW = 800
_NWORK = _E // _EW


def _adj_body(edges, zeros, out, src_v, dst_v, idx_v, val_v, a_sh):
    c = lax.axis_index("c")
    s = lax.axis_index("s")
    wid = s * 2 + c
    sl = _AFLAT // 16
    pltpu.sync_copy(zeros, a_sh.at[pl.ds(s * sl, sl)])
    plsc.subcore_barrier()

    @pl.when(wid < _NWORK)
    def _scatter():
        base = wid * _EW
        pltpu.sync_copy(edges.at[pl.ds(base, _EW)], src_v)
        pltpu.sync_copy(edges.at[pl.ds(_E + base, _EW)], dst_v)
        for k in range(56):
            o = k * 16
            r, cc = divmod(o, 128)
            if o < _EW:
                sv = src_v[pl.ds(o, 16)]
                dv = dst_v[pl.ds(o, 16)]
                idx_v[r, pl.ds(cc, 16)] = dv * _NP + sv
                val_v[r, pl.ds(cc, 16)] = jnp.full((16,), 1.0, jnp.float32)
            else:
                idx_v[r, pl.ds(cc, 16)] = jnp.full((16,), _AFLAT - 1, jnp.int32)
                val_v[r, pl.ds(cc, 16)] = jnp.zeros((16,), jnp.float32)
        for r in range(7):
            pltpu.sync_copy(val_v.at[r], a_sh.at[idx_v.at[r]], add=True)

    plsc.subcore_barrier()
    sl = _AFLAT // 16
    pltpu.sync_copy(a_sh.at[pl.ds(s * sl, sl)],
                    out.at[pl.ds((c * 16 + s) * sl, sl)])


def _adj_call(edges, zeros):
    return pl.kernel(
        _adj_body,
        out_type=jax.ShapeDtypeStruct((2 * _AFLAT,), jnp.float32),
        mesh=plsc.VectorSubcoreMesh(core_axis_name="c", subcore_axis_name="s"),
        scratch_types=[
            pltpu.VMEM((_EW,), jnp.int32),
            pltpu.VMEM((_EW,), jnp.int32),
            pltpu.VMEM((7, 128), jnp.int32),
            pltpu.VMEM((7, 128), jnp.float32),
            pltpu.VMEM_SHARED((_AFLAT,), jnp.float32),
        ],
    )(edges, zeros)



def _abuild_body(l_hbm, out, idx_v, vals_v, sem):
    c = lax.axis_index("c")
    s = lax.axis_index("s")
    wid = s * 2 + c
    lanes = lax.iota(jnp.int32, 16)

    def fire(ch, carry):
        for u in range(8):
            t = ch * 8 + u
            rr = lax.shift_right_logical(t, 5)
            cc = jnp.bitwise_and(t, 31)
            i = wid * 16 + rr
            j = cc * 16 + lanes
            mi = jnp.minimum(i, j)
            ma = jnp.maximum(i, j)
            off = mi * _N - lax.shift_right_logical(mi * (mi - 1), 1)
            idx_v[pl.ds(t * 16, 16)] = jnp.minimum(off + ma - mi, _NT - 1)
        pltpu.async_copy(l_hbm.at[idx_v.at[pl.ds(ch * 128, 128)]],
                         vals_v.at[pl.ds(ch * 128, 128)], sem)
        return carry

    lax.fori_loop(0, 64, fire, 0)

    def drain(ch, carry):
        pltpu.make_async_copy(l_hbm.at[idx_v.at[pl.ds(ch * 128, 128)]],
                              vals_v.at[pl.ds(ch * 128, 128)], sem).wait()
        return carry

    lax.fori_loop(0, 64, drain, 0)

    def row_out(rr, carry):
        i = wid * 16 + rr
        pltpu.async_copy(vals_v.at[pl.ds(rr * _NP, _NP)],
                         out.at[pl.ds(i * _NP, _NP)], sem)
        return carry

    lax.fori_loop(0, 16, row_out, 0)

    def row_drain(rr, carry):
        i = wid * 16 + rr
        pltpu.make_async_copy(vals_v.at[pl.ds(rr * _NP, _NP)],
                              out.at[pl.ds(i * _NP, _NP)], sem).wait()
        return carry

    lax.fori_loop(0, 16, row_drain, 0)


def _abuild_call(l_pad):
    return pl.kernel(
        _abuild_body,
        out_type=jax.ShapeDtypeStruct((_AFLAT,), jnp.float32),
        mesh=plsc.VectorSubcoreMesh(core_axis_name="c", subcore_axis_name="s"),
        scratch_types=[
            pltpu.VMEM((8192,), jnp.int32),
            pltpu.VMEM((8192,), jnp.float32),
            pltpu.SemaphoreType.DMA,
        ],
    )(l_pad)



def _softplus(v):
    return jnp.maximum(v, 0.0) + jnp.log(1.0 + jnp.exp(-jnp.abs(v)))


def _sigmoid(v):
    return 1.0 / (1.0 + jnp.exp(-v))


def _softmax2(v):
    m = jnp.max(v, axis=1, keepdims=True)
    e = jnp.exp(v - m)
    return e / jnp.sum(e, axis=1, keepdims=True)


def _dense_body(x_ref, y_ref, acnt_ref, eps_s_ref, eps_y_ref,
                ws1, bs1, wsmu, bsmu, wslog, bslog,
                wy1, by1, wymu, bymu, wylog, bylog,
                wsd1, bsd1, wsd2, bsd2, wx1, bx1, wx2, bx2,
                wyd1, byd1, wyd2, byd2, wp1, bp1, wp2, bp2,
                xp_ref, yp_ref, ypr_ref, sp_ref, feat_ref):
    f32 = jnp.float32
    a = acnt_ref[0, :_N, :_N] + acnt_ref[1, :_N, :_N]
    a = a + jnp.eye(_N, dtype=f32)
    deg = jnp.sum(a, axis=1, keepdims=True)
    dinv = lax.rsqrt(jnp.maximum(deg, 1.0))

    def agg(t, b):
        return jnp.dot(a, t * dinv, preferred_element_type=f32) * dinv + b[...]

    def gcn(h, w, b):
        return agg(jnp.dot(h, w[...], preferred_element_type=f32), b)

    def gcn_t(h, wt, b):
        t = lax.dot_general(h, wt[...], (((1,), (1,)), ((), ())),
                            preferred_element_type=f32)
        return agg(t, b)

    x = x_ref[...]
    relu = lambda v: jnp.maximum(v, 0.0)
    h1 = relu(gcn(x, ws1, bs1))
    mu_s = gcn_t(h1, wsmu, bsmu)
    lv_s = _softplus(gcn_t(h1, wslog, bslog))
    wy1v = wy1[...]
    t2 = (jnp.dot(jnp.abs(x), wy1v[:128], preferred_element_type=f32)
          + jnp.abs(y_ref[...]) * wy1v[128:129])
    h2 = relu(agg(t2, by1))
    mu_y = gcn_t(h2, wymu, bymu)
    lv_y = _softplus(gcn_t(h2, wylog, bylog))
    u_s = eps_s_ref[...] * jnp.exp(0.5 * lv_s) + mu_s
    u_y = eps_y_ref[...] * jnp.exp(0.5 * lv_y) + mu_y
    s1 = relu(gcn(jnp.abs(u_s), wsd1, bsd1))
    sp_ref[...] = _sigmoid(relu(gcn_t(s1, wsd2, bsd2)))
    lat = jnp.abs(jnp.concatenate([u_s, u_y], axis=1))
    x1 = relu(gcn(lat, wx1, bx1))
    xp = gcn(x1, wx2, bx2)
    xp_ref[...] = xp
    feat_ref[...] = jnp.concatenate([u_s, u_y], axis=1)
    wyd1v = wyd1[...]
    t3 = (jnp.dot(u_y, wyd1v[:16], preferred_element_type=f32)
          + jnp.dot(xp, wyd1v[16:], preferred_element_type=f32))
    y1 = relu(agg(t3, byd1))
    yp_ref[...] = _softmax2(gcn_t(y1, wyd2, byd2))
    yp1 = relu(gcn(xp, wp1, bp1))
    ypr_ref[...] = _softmax2(gcn_t(yp1, wp2, bp2))




def _al_body(f_ref, w1_ref, ba1_ref, wt_ref, ba2_ref, o_ref, sig_ref,
             acc_ref):
    k = pl.program_id(0)

    @pl.when(k == 0)
    def _():
        acc_ref[...] = jnp.zeros_like(acc_ref)

    @pl.when(k < 8)
    def _():
        acc_ref[...] += jnp.dot(f_ref[pl.ds(k, 1), :], w1_ref[...],
                                preferred_element_type=jnp.float32)

    @pl.when(k >= 8)
    def _():
        act = jnp.maximum(acc_ref[...] + ba1_ref[...], 0.0)
        prod = lax.dot_general(act, wt_ref[...], (((1,), (1,)), ((), ())),
                               preferred_element_type=jnp.float32)
        lv = prod.reshape(_LBN) + ba2_ref[...]
        o_ref[...] = lv
        sig_ref[...] = _sigmoid(lv)


_LBN = 4096


def _eps_draw():
    e_s = jax.random.normal(jax.random.key(101), (_N, 16), jnp.float32)
    e_y = jax.random.normal(jax.random.key(102), (_N, 16), jnp.float32)
    return e_s, e_y


@functools.lru_cache(maxsize=None)
def _eps_eager():
    cpu = jax.devices("cpu")[0]
    with jax.ensure_compile_time_eval(), jax.default_device(cpu):
        e_s, e_y = _eps_draw()
        return np.asarray(e_s), np.asarray(e_y)


def _eps_consts():
    try:
        return _eps_eager()
    except Exception:
        return _eps_draw()


def kernel(x, edge_index, Y, params):
    p = params
    f32 = jnp.float32
    eps_s, eps_y = _eps_consts()

    edges = edge_index.reshape(-1)
    zeros = jnp.zeros((_AFLAT // 16,), f32)
    acnt = _adj_call(edges, zeros).reshape(2, _NP, _NP)

    _r = lambda b: b.reshape(1, -1)
    ins = [x, Y, acnt, eps_s, eps_y,
           p['Ws1'], _r(p['bs1']), p['Wsmu'].T, _r(p['bsmu']),
           p['Wslog'].T, _r(p['bslog']),
           p['Wy1'], _r(p['by1']),
           p['Wymu'].T, _r(p['bymu']), p['Wylog'].T, _r(p['bylog']),
           p['Wsd1'], _r(p['bsd1']), p['Wsd2'].T, _r(p['bsd2']),
           p['Wx1'], _r(p['bx1']), p['Wx2'], _r(p['bx2']),
           p['Wyd1'], _r(p['byd1']),
           p['Wyd2'].T, _r(p['byd2']),
           p['Wp1'], _r(p['bp1']), p['Wp2'].T, _r(p['bp2'])]
    xp, yp, ypr, sp, feat = pl.pallas_call(
        _dense_body,
        out_shape=[
            jax.ShapeDtypeStruct((_N, 128), f32),
            jax.ShapeDtypeStruct((_N, 2), f32),
            jax.ShapeDtypeStruct((_N, 2), f32),
            jax.ShapeDtypeStruct((_N, 1), f32),
            jax.ShapeDtypeStruct((_N, 32), f32),
        ],
    )(*ins)

    feat_flat = feat.reshape(8, _E // 8)
    nblk = pl.cdiv(_NT, _LBN)
    l_pad, sig_pad = pl.pallas_call(
        _al_body,
        grid=(8 + nblk,),
        in_specs=[pl.BlockSpec((8, _E // 8), lambda k: (0, 0)),
                  pl.BlockSpec((_E // 8, 512), lambda k: (jnp.minimum(k, 7), 0)),
                  pl.BlockSpec((1, 512), lambda k: (0, 0)),
                  pl.BlockSpec((_LBN, 512),
                               lambda k: (jnp.maximum(k - 8, 0), 0)),
                  pl.BlockSpec((_LBN,), lambda k: (jnp.maximum(k - 8, 0),))],
        out_specs=[pl.BlockSpec((_LBN,), lambda k: (jnp.maximum(k - 8, 0),)),
                   pl.BlockSpec((_LBN,), lambda k: (jnp.maximum(k - 8, 0),))],
        out_shape=[jax.ShapeDtypeStruct((_NTP,), f32),
                   jax.ShapeDtypeStruct((_NTP,), f32)],
        scratch_shapes=[pltpu.VMEM((1, 512), f32)],
    )(feat_flat, p['Wa1'], _r(p['ba1']), p['Wa2'].T, p['ba2'])
    l = l_pad[:_NT]

    aflat = _abuild_call(sig_pad)
    A = aflat.reshape(_NP, _NP)[:_N, :_N]

    return (xp, A, l, yp, ypr, sp)

# --- scband reference (transcript-rebuilt; emitter-appended) ---
"""Pipeline reference for scband-graph-vae-5583457485497 (READ-ONLY COPY).

The authoritative reference and input builder live on the scoring server;
editing this copy changes nothing except your own understanding.
"""

import jax, jax.numpy as jnp
import numpy as np

N = 500
F_IN = 128
H = 256
LS = 16
LY = 16
E = 16000
NT = N * (N + 1) // 2

def _glorot(key, fan_in, fan_out):
    lim = (6.0 / (fan_in + fan_out)) ** 0.5
    return jax.random.uniform(key, (fan_in, fan_out), minval=-lim, maxval=lim, dtype=jnp.float32)

def setup_inputs(seed: int = 0):
    key = jax.random.key(seed)
    ks = jax.random.split(key, 24)
    x = jax.random.normal(ks[0], (N, F_IN), dtype=jnp.float32)
    edge_index = jax.random.randint(ks[1], (2, E), 0, N, dtype=jnp.int32)
    Y = jax.random.uniform(ks[2], (N, 1), dtype=jnp.float32)
    params = {
        'Ws1': _glorot(ks[3], F_IN, H), 'bs1': jnp.zeros((H,), jnp.float32),
        'Wsmu': _glorot(ks[4], H, LS), 'bsmu': jnp.zeros((LS,), jnp.float32),
        'Wslog': _glorot(ks[5], H, LS), 'bslog': jnp.zeros((LS,), jnp.float32),
        'Wy1': _glorot(ks[6], F_IN + 1, H), 'by1': jnp.zeros((H,), jnp.float32),
        'Wymu': _glorot(ks[7], H, LY), 'bymu': jnp.zeros((LY,), jnp.float32),
        'Wylog': _glorot(ks[8], H, LY), 'bylog': jnp.zeros((LY,), jnp.float32),
        'Wsd1': _glorot(ks[9], LS, H), 'bsd1': jnp.zeros((H,), jnp.float32),
        'Wsd2': _glorot(ks[10], H, 1), 'bsd2': jnp.zeros((1,), jnp.float32),
        'Wx1': _glorot(ks[11], LS + LY, H), 'bx1': jnp.zeros((H,), jnp.float32),
        'Wx2': _glorot(ks[12], H, F_IN), 'bx2': jnp.zeros((F_IN,), jnp.float32),
        'Wa1': _glorot(ks[13], N * (LS + LY), 512), 'ba1': jnp.zeros((512,), jnp.float32),
        'Wa2': _glorot(ks[14], 512, NT), 'ba2': jnp.zeros((NT,), jnp.float32),
        'Wyd1': _glorot(ks[15], F_IN + LY, 512), 'byd1': jnp.zeros((512,), jnp.float32),
        'Wyd2': _glorot(ks[16], 512, 2), 'byd2': jnp.zeros((2,), jnp.float32),
        'Wp1': _glorot(ks[17], F_IN, 512), 'bp1': jnp.zeros((512,), jnp.float32),
        'Wp2': _glorot(ks[18], 512, 2), 'bp2': jnp.zeros((2,), jnp.float32),
    }
    return {'x': x, 'edge_index': edge_index, 'Y': Y, 'params': params}

def _forward(x, Y, params, edge_index):
    src = jnp.concatenate([edge_index[0], jnp.arange(N, dtype=edge_index.dtype)])
    dst = jnp.concatenate([edge_index[1], jnp.arange(N, dtype=edge_index.dtype)])
    deg = jnp.zeros((N,), jnp.float32).at[dst].add(1.0)
    dinv = 1.0 / jnp.sqrt(jnp.maximum(deg, 1.0))
    enorm = (dinv[src] * dinv[dst])[:, None]
    def gcn(h, W, b):
        h = h @ W
        agg = jnp.zeros((N, W.shape[1]), h.dtype).at[dst].add(h[src] * enorm)
        return agg + b
    p = params
    # U_S_encoder
    h = jax.nn.relu(gcn(x, p['Ws1'], p['bs1']))
    mu_S = gcn(h, p['Wsmu'], p['bsmu'])
    logvar_S = jax.nn.softplus(gcn(h, p['Wslog'], p['bslog']))
    # U_Y_encoder
    xy = jnp.abs(jnp.concatenate([x, Y], axis=1))
    h2 = jax.nn.relu(gcn(xy, p['Wy1'], p['by1']))
    mu_Y = gcn(h2, p['Wymu'], p['bymu'])
    logvar_Y = jax.nn.softplus(gcn(h2, p['Wylog'], p['bylog']))
    # reparameterize (fixed eps for determinism)
    eps_S = jax.random.normal(jax.random.key(101), mu_S.shape, dtype=jnp.float32)
    eps_Y = jax.random.normal(jax.random.key(102), mu_Y.shape, dtype=jnp.float32)
    u_S = eps_S * jnp.exp(0.5 * logvar_S) + mu_S
    u_Y = eps_Y * jnp.exp(0.5 * logvar_Y) + mu_Y
    # S_decoder
    s1 = jax.nn.relu(gcn(jnp.abs(u_S), p['Wsd1'], p['bsd1']))
    S_pred = jax.nn.sigmoid(jax.nn.relu(gcn(s1, p['Wsd2'], p['bsd2'])))
    # X_decoder
    lat = jnp.abs(jnp.concatenate([u_S, u_Y], axis=1))
    x1 = jax.nn.relu(gcn(lat, p['Wx1'], p['bx1']))
    X_pred = gcn(x1, p['Wx2'], p['bx2'])
    # A_decoder
    feat = jnp.concatenate([u_S, u_Y], axis=1).reshape(-1)
    a1 = jax.nn.relu(feat @ p['Wa1'] + p['ba1'])
    l = a1 @ p['Wa2'] + p['ba2']
    sig_l = jax.nn.sigmoid(l)
    iu = jnp.triu_indices(N)
    A = jnp.zeros((N, N), jnp.float32).at[iu].set(sig_l)
    A = A + A.T - jnp.diag(jnp.diag(A))
    # Y_decoder
    lat2 = jnp.concatenate([u_Y, X_pred], axis=1)
    y1 = jax.nn.relu(gcn(lat2, p['Wyd1'], p['byd1']))
    Y_pred = jax.nn.softmax(gcn(y1, p['Wyd2'], p['byd2']), axis=1)
    # Y_prime_decoder
    yp1 = jax.nn.relu(gcn(X_pred, p['Wp1'], p['bp1']))
    Y_prime = jax.nn.softmax(gcn(yp1, p['Wp2'], p['bp2']), axis=1)
    return (X_pred, A, l, Y_pred, Y_prime, S_pred)

def reference(x, edge_index, Y, params):
    return _forward(x, Y, params, edge_index)

if __name__ == "__main__":
    import jax
    _d = setup_inputs()
    print(jax.jit(kernel)(*tuple(_d.values())))

</pallas_src>

<mosaic_0001>
#map = affine_map<(d0, d1) -> (0)>
module attributes {stable_mosaic.version = 14 : i64} {
  func.func @_abuild_body(%arg0: i32, %arg1: i32, %arg2: memref<125312xf32, #tpu.memory_space<hbm>>, %arg3: memref<262144xf32, #tpu.memory_space<hbm>>, %arg4: memref<8192xi32, #tpu.memory_space<vmem>>, %arg5: memref<8192xf32, #tpu.memory_space<vmem>>, %arg6: memref<!tpu.dma_semaphore, #tpu.memory_space<semaphore_mem>>) attributes {dimension_semantics = [#tpu.dimension_semantics<core_parallel>, #tpu.dimension_semantics<subcore_parallel>], iteration_bounds = array<i64: 2, 16>, scalar_prefetch = 0 : i64, scratch_operands = 3 : i64, tpu.core_type = #tpu.core_type<sc_vector_subcore>, window_params = [{transform_indices = #map}, {transform_indices = #map}]} {
    %mul3A = arith.constant 2 : i32
    %mul3A_0 = arith.muli %arg1, %mul3A : i32
    %add3A = arith.addi %mul3A_0, %arg0 : i32
    %iota3A = tpu.iota {dimensions = array<i32: 0>} : vector<16xi32>
    %scan3A = arith.constant 0 : i32
    %scan3A_1 = arith.constant 0 : i32
    %scan3A_2 = arith.constant 64 : i32
    %scan3A_3 = arith.addi %scan3A_1, %scan3A_2 : i32
    %scan3A_4 = arith.constant 1 : i32
    scf.for %scan3A_24 = %scan3A_1 to %scan3A_3 step %scan3A_4  : i32 {
      %mul3A_25 = arith.constant 8 : i32
      %mul3A_26 = arith.muli %scan3A_24, %mul3A_25 : i32
      %add3A_27 = arith.constant 0 : i32
      %add3A_28 = arith.addi %mul3A_26, %add3A_27 : i32
      %shift_right_logical3A = arith.constant 5 : i32
      %shift_right_logical3A_29 = arith.shrui %add3A_28, %shift_right_logical3A : i32
      %and3A = arith.constant 31 : i32
      %and3A_30 = arith.andi %add3A_28, %and3A : i32
      %mul3A_31 = arith.constant 16 : i32
      %mul3A_32 = arith.muli %add3A, %mul3A_31 : i32
      %add3A_33 = arith.addi %mul3A_32, %shift_right_logical3A_29 : i32
      %mul3A_34 = arith.constant 16 : i32
      %mul3A_35 = arith.muli %and3A_30, %mul3A_34 : i32
      %add3A_36 = vector.broadcast %mul3A_35 : i32 to vector<16xi32>
      %add3A_37 = arith.addi %add3A_36, %iota3A : vector<16xi32>
      %min3A = vector.broadcast %add3A_33 : i32 to vector<16xi32>
      %min3A_38 = arith.minsi %min3A, %add3A_37 : vector<16xi32>
      %max3A = vector.broadcast %add3A_33 : i32 to vector<16xi32>
      %max3A_39 = arith.maxsi %max3A, %add3A_37 : vector<16xi32>
      %mul3A_40 = arith.constant 500 : i32
      %mul3A_41 = vector.broadcast %mul3A_40 : i32 to vector<16xi32>
      %mul3A_42 = arith.muli %min3A_38, %mul3A_41 : vector<16xi32>
      %sub3A = arith.constant 1 : i32
      %sub3A_43 = vector.broadcast %sub3A : i32 to vector<16xi32>
      %sub3A_44 = arith.subi %min3A_38, %sub3A_43 : vector<16xi32>
      %mul3A_45 = arith.muli %min3A_38, %sub3A_44 : vector<16xi32>
      %shift_right_logical3A_46 = arith.constant 1 : i32
      %shift_right_logical3A_47 = vector.broadcast %shift_right_logical3A_46 : i32 to vector<16xi32>
      %shift_right_logical3A_48 = arith.shrui %mul3A_45, %shift_right_logical3A_47 : vector<16xi32>
      %sub3A_49 = arith.subi %mul3A_42, %shift_right_logical3A_48 : vector<16xi32>
      %add3A_50 = arith.addi %sub3A_49, %max3A_39 : vector<16xi32>
      %sub3A_51 = arith.subi %add3A_50, %min3A_38 : vector<16xi32>
      %min3A_52 = arith.constant 125249 : i32
      %min3A_53 = vector.broadcast %min3A_52 : i32 to vector<16xi32>
      %min3A_54 = arith.minsi %sub3A_51, %min3A_53 : vector<16xi32>
      %mul3A_55 = arith.constant 16 : i32
      %mul3A_56 = arith.muli %add3A_28, %mul3A_55 : i32
      %swap3A = arith.index_cast %mul3A_56 : i32 to index
      %swap3A_57 = tpu.vector_load %arg4[%swap3A] {strides = array<i32>} : memref<8192xi32, #tpu.memory_space<vmem>>, vector<16xi32>,
      %swap3A_58 = vector.shape_cast %swap3A_57 : vector<16xi32> to vector<16xi32>
      %swap3A_59 = vector.shape_cast %min3A_54 : vector<16xi32> to vector<16xi32>
      tpu.vector_store %arg4[%swap3A], %swap3A_59 {strides = array<i32>} : memref<8192xi32, #tpu.memory_space<vmem>>, vector<16xi32>,
      %mul3A_60 = arith.constant 8 : i32
      %mul3A_61 = arith.muli %scan3A_24, %mul3A_60 : i32
      %add3A_62 = arith.constant 1 : i32
      %add3A_63 = arith.addi %mul3A_61, %add3A_62 : i32
      %shift_right_logical3A_64 = arith.constant 5 : i32
      %shift_right_logical3A_65 = arith.shrui %add3A_63, %shift_right_logical3A_64 : i32
      %and3A_66 = arith.constant 31 : i32
      %and3A_67 = arith.andi %add3A_63, %and3A_66 : i32
      %mul3A_68 = arith.constant 16 : i32
      %mul3A_69 = arith.muli %add3A, %mul3A_68 : i32
      %add3A_70 = arith.addi %mul3A_69, %shift_right_logical3A_65 : i32
      %mul3A_71 = arith.constant 16 : i32
      %mul3A_72 = arith.muli %and3A_67, %mul3A_71 : i32
      %add3A_73 = vector.broadcast %mul3A_72 : i32 to vector<16xi32>
      %add3A_74 = arith.addi %add3A_73, %iota3A : vector<16xi32>
      %min3A_75 = vector.broadcast %add3A_70 : i32 to vector<16xi32>
      %min3A_76 = arith.minsi %min3A_75, %add3A_74 : vector<16xi32>
      %max3A_77 = vector.broadcast %add3A_70 : i32 to vector<16xi32>
      %max3A_78 = arith.maxsi %max3A_77, %add3A_74 : vector<16xi32>
      %mul3A_79 = arith.constant 500 : i32
      %mul3A_80 = vector.broadcast %mul3A_79 : i32 to vector<16xi32>
      %mul3A_81 = arith.muli %min3A_76, %mul3A_80 : vector<16xi32>
      %sub3A_82 = arith.constant 1 : i32
      %sub3A_83 = vector.broadcast %sub3A_82 : i32 to vector<16xi32>
      %sub3A_84 = arith.subi %min3A_76, %sub3A_83 : vector<16xi32>
      %mul3A_85 = arith.muli %min3A_76, %sub3A_84 : vector<16xi32>
      %shift_right_logical3A_86 = arith.constant 1 : i32
      %shift_right_logical3A_87 = vector.broadcast %shift_right_logical3A_86 : i32 to vector<16xi32>
      %shift_right_logical3A_88 = arith.shrui %mul3A_85, %shift_right_logical3A_87 : vector<16xi32>
      %sub3A_89 = arith.subi %mul3A_81, %shift_right_logical3A_88 : vector<16xi32>
      %add3A_90 = arith.addi %sub3A_89, %max3A_78 : vector<16xi32>
      %sub3A_91 = arith.subi %add3A_90, %min3A_76 : vector<16xi32>
      %min3A_92 = arith.constant 125249 : i32
      %min3A_93 = vector.broadcast %min3A_92 : i32 to vector<16xi32>
      %min3A_94 = arith.minsi %sub3A_91, %min3A_93 : vector<16xi32>
      %mul3A_95 = arith.constant 16 : i32
      %mul3A_96 = arith.muli %add3A_63, %mul3A_95 : i32
      %swap3A_97 = arith.index_cast %mul3A_96 : i32 to index
      %swap3A_98 = tpu.vector_load %arg4[%swap3A_97] {strides = array<i32>} : memref<8192xi32, #tpu.memory_space<vmem>>, vector<16xi32>,
      %swap3A_99 = vector.shape_cast %swap3A_98 : vector<16xi32> to vector<16xi32>
      %swap3A_100 = vector.shape_cast %min3A_94 : vector<16xi32> to vector<16xi32>
      tpu.vector_store %arg4[%swap3A_97], %swap3A_100 {strides = array<i32>} : memref<8192xi32, #tpu.memory_space<vmem>>, vector<16xi32>,
      %mul3A_101 = arith.constant 8 : i32
      %mul3A_102 = arith.muli %scan3A_24, %mul3A_101 : i32
      %add3A_103 = arith.constant 2 : i32
      %add3A_104 = arith.addi %mul3A_102, %add3A_103 : i32
      %shift_right_logical3A_105 = arith.constant 5 : i32
      %shift_right_logical3A_106 = arith.shrui %add3A_104, %shift_right_logical3A_105 : i32
      %and3A_107 = arith.constant 31 : i32
      %and3A_108 = arith.andi %add3A_104, %and3A_107 : i32
      %mul3A_109 = arith.constant 16 : i32
      %mul3A_110 = arith.muli %add3A, %mul3A_109 : i32
      %add3A_111 = arith.addi %mul3A_110, %shift_right_logical3A_106 : i32
      %mul3A_112 = arith.constant 16 : i32
      %mul3A_113 = arith.muli %and3A_108, %mul3A_112 : i32
      %add3A_114 = vector.broadcast %mul3A_113 : i32 to vector<16xi32>
      %add3A_115 = arith.addi %add3A_114, %iota3A : vector<16xi32>
      %min3A_116 = vector.broadcast %add3A_111 : i32 to vector<16xi32>
      %min3A_117 = arith.minsi %min3A_116, %add3A_115 : vector<16xi32>
      %max3A_118 = vector.broadcast %add3A_111 : i32 to vector<16xi32>
      %max3A_119 = arith.maxsi %max3A_118, %add3A_115 : vector<16xi32>
      %mul3A_120 = arith.constant 500 : i32
      %mul3A_121 = vector.broadcast %mul3A_120 : i32 to vector<16xi32>
      %mul3A_122 = arith.muli %min3A_117, %mul3A_121 : vector<16xi32>
      %sub3A_123 = arith.constant 1 : i32
      %sub3A_124 = vector.broadcast %sub3A_123 : i32 to vector<16xi32>
      %sub3A_125 = arith.subi %min3A_117, %sub3A_124 : vector<16xi32>
      %mul3A_126 = arith.muli %min3A_117, %sub3A_125 : vector<16xi32>
      %shift_right_logical3A_127 = arith.constant 1 : i32
      %shift_right_logical3A_128 = vector.broadcast %shift_right_logical3A_127 : i32 to vector<16xi32>
      %shift_right_logical3A_129 = arith.shrui %mul3A_126, %shift_right_logical3A_128 : vector<16xi32>
      %sub3A_130 = arith.subi %mul3A_122, %shift_right_logical3A_129 : vector<16xi32>
      %add3A_131 = arith.addi %sub3A_130, %max3A_119 : vector<16xi32>
      %sub3A_132 = arith.subi %add3A_131, %min3A_117 : vector<16xi32>
      %min3A_133 = arith.constant 125249 : i32
      %min3A_134 = vector.broadcast %min3A_133 : i32 to vector<16xi32>
      %min3A_135 = arith.minsi %sub3A_132, %min3A_134 : vector<16xi32>
      %mul3A_136 = arith.constant 16 : i32
      %mul3A_137 = arith.muli %add3A_104, %mul3A_136 : i32
      %swap3A_138 = arith.index_cast %mul3A_137 : i32 to index
      %swap3A_139 = tpu.vector_load %arg4[%swap3A_138] {strides = array<i32>} : memref<8192xi32, #tpu.memory_space<vmem>>, vector<16xi32>,
      %swap3A_140 = vector.shape_cast %swap3A_139 : vector<16xi32> to vector<16xi32>
      %swap3A_141 = vector.shape_cast %min3A_135 : vector<16xi32> to vector<16xi32>
      tpu.vector_store %arg4[%swap3A_138], %swap3A_141 {strides = array<i32>} : memref<8192xi32, #tpu.memory_space<vmem>>, vector<16xi32>,
      %mul3A_142 = arith.constant 8 : i32
      %mul3A_143 = arith.muli %scan3A_24, %mul3A_142 : i32
      %add3A_144 = arith.constant 3 : i32
      %add3A_145 = arith.addi %mul3A_143, %add3A_144 : i32
      %shift_right_logical3A_146 = arith.constant 5 : i32
      %shift_right_logical3A_147 = arith.shrui %add3A_145, %shift_right_logical3A_146 : i32
      %and3A_148 = arith.constant 31 : i32
      %and3A_149 = arith.andi %add3A_145, %and3A_148 : i32
      %mul3A_150 = arith.constant 16 : i32
      %mul3A_151 = arith.muli %add3A, %mul3A_150 : i32
      %add3A_152 = arith.addi %mul3A_151, %shift_right_logical3A_147 : i32
      %mul3A_153 = arith.constant 16 : i32
      %mul3A_154 = arith.muli %and3A_149, %mul3A_153 : i32
      %add3A_155 = vector.broadcast %mul3A_154 : i32 to vector<16xi32>
      %add3A_156 = arith.addi %add3A_155, %iota3A : vector<16xi32>
      %min3A_157 = vector.broadcast %add3A_152 : i32 to vector<16xi32>
      %min3A_158 = arith.minsi %min3A_157, %add3A_156 : vector<16xi32>
      %max3A_159 = vector.broadcast %add3A_152 : i32 to vector<16xi32>
      %max3A_160 = arith.maxsi %max3A_159, %add3A_156 : vector<16xi32>
      %mul3A_161 = arith.constant 500 : i32
      %mul3A_162 = vector.broadcast %mul3A_161 : i32 to vector<16xi32>
      %mul3A_163 = arith.muli %min3A_158, %mul3A_162 : vector<16xi32>
      %sub3A_164 = arith.constant 1 : i32
      %sub3A_165 = vector.broadcast %sub3A_164 : i32 to vector<16xi32>
      %sub3A_166 = arith.subi %min3A_158, %sub3A_165 : vector<16xi32>
      %mul3A_167 = arith.muli %min3A_158, %sub3A_166 : vector<16xi32>
      %shift_right_logical3A_168 = arith.constant 1 : i32
      %shift_right_logical3A_169 = vector.broadcast %shift_right_logical3A_168 : i32 to vector<16xi32>
      %shift_right_logical3A_170 = arith.shrui %mul3A_167, %shift_right_logical3A_169 : vector<16xi32>
      %sub3A_171 = arith.subi %mul3A_163, %shift_right_logical3A_170 : vector<16xi32>
      %add3A_172 = arith.addi %sub3A_171, %max3A_160 : vector<16xi32>
      %sub3A_173 = arith.subi %add3A_172, %min3A_158 : vector<16xi32>
      %min3A_174 = arith.constant 125249 : i32
      %min3A_175 = vector.broadcast %min3A_174 : i32 to vector<16xi32>
      %min3A_176 = arith.minsi %sub3A_173, %min3A_175 : vector<16xi32>
      %mul3A_177 = arith.constant 16 : i32
      %mul3A_178 = arith.muli %add3A_145, %mul3A_177 : i32
      %swap3A_179 = arith.index_cast %mul3A_178 : i32 to index
      %swap3A_180 = tpu.vector_load %arg4[%swap3A_179] {strides = array<i32>} : memref<8192xi32, #tpu.memory_space<vmem>>, vector<16xi32>,
      %swap3A_181 = vector.shape_cast %swap3A_180 : vector<16xi32> to vector<16xi32>
      %swap3A_182 = vector.shape_cast %min3A_176 : vector<16xi32> to vector<16xi32>
      tpu.vector_store %arg4[%swap3A_179], %swap3A_182 {strides = array<i32>} : memref<8192xi32, #tpu.memory_space<vmem>>, vector<16xi32>,
      %mul3A_183 = arith.constant 8 : i32
      %mul3A_184 = arith.muli %scan3A_24, %mul3A_183 : i32
      %add3A_185 = arith.constant 4 : i32
      %add3A_186 = arith.addi %mul3A_184, %add3A_185 : i32
      %shift_right_logical3A_187 = arith.constant 5 : i32
      %shift_right_logical3A_188 = arith.shrui %add3A_186, %shift_right_logical3A_187 : i32
      %and3A_189 = arith.constant 31 : i32
      %and3A_190 = arith.andi %add3A_186, %and3A_189 : i32
      %mul3A_191 = arith.constant 16 : i32
      %mul3A_192 = arith.muli %add3A, %mul3A_191 : i32
      %add3A_193 = arith.addi %mul3A_192, %shift_right_logical3A_188 : i32
      %mul3A_194 = arith.constant 16 : i32
      %mul3A_195 = arith.muli %and3A_190, %mul3A_194 : i32
      %add3A_196 = vector.broadcast %mul3A_195 : i32 to vector<16xi32>
      %add3A_197 = arith.addi %add3A_196, %iota3A : vector<16xi32>
      %min3A_198 = vector.broadcast %add3A_193 : i32 to vector<16xi32>
      %min3A_199 = arith.minsi %min3A_198, %add3A_197 : vector<16xi32>
      %max3A_200 = vector.broadcast %add3A_193 : i32 to vector<16xi32>
      %max3A_201 = arith.maxsi %max3A_200, %add3A_197 : vector<16xi32>
      %mul3A_202 = arith.constant 500 : i32
      %mul3A_203 = vector.broadcast %mul3A_202 : i32 to vector<16xi32>
      %mul3A_204 = arith.muli %min3A_199, %mul3A_203 : vector<16xi32>
      %sub3A_205 = arith.constant 1 : i32
      %sub3A_206 = vector.broadcast %sub3A_205 : i32 to vector<16xi32>
      %sub3A_207 = arith.subi %min3A_199, %sub3A_206 : vector<16xi32>
      %mul3A_208 = arith.muli %min3A_199, %sub3A_207 : vector<16xi32>
      %shift_right_logical3A_209 = arith.constant 1 : i32
      %shift_right_logical3A_210 = vector.broadcast %shift_right_logical3A_209 : i32 to vector<16xi32>
      %shift_right_logical3A_211 = arith.shrui %mul3A_208, %shift_right_logical3A_210 : vector<16xi32>
      %sub3A_212 = arith.subi %mul3A_204, %shift_right_logical3A_211 : vector<16xi32>
      %add3A_213 = arith.addi %sub3A_212, %max3A_201 : vector<16xi32>
      %sub3A_214 = arith.subi %add3A_213, %min3A_199 : vector<16xi32>
      %min3A_215 = arith.constant 125249 : i32
      %min3A_216 = vector.broadcast %min3A_215 : i32 to vector<16xi32>
      %min3A_217 = arith.minsi %sub3A_214, %min3A_216 : vector<16xi32>
      %mul3A_218 = arith.constant 16 : i32
      %mul3A_219 = arith.muli %add3A_186, %mul3A_218 : i32
      %swap3A_220 = arith.index_cast %mul3A_219 : i32 to index
      %swap3A_221 = tpu.vector_load %arg4[%swap3A_220] {strides = array<i32>} : memref<8192xi32, #tpu.memory_space<vmem>>, vector<16xi32>,
      %swap3A_222 = vector.shape_cast %swap3A_221 : vector<16xi32> to vector<16xi32>
      %swap3A_223 = vector.shape_cast %min3A_217 : vector<16xi32> to vector<16xi32>
      tpu.vector_store %arg4[%swap3A_220], %swap3A_223 {strides = array<i32>} : memref<8192xi32, #tpu.memory_space<vmem>>, vector<16xi32>,
      %mul3A_224 = arith.constant 8 : i32
      %mul3A_225 = arith.muli %scan3A_24, %mul3A_224 : i32
      %add3A_226 = arith.constant 5 : i32
      %add3A_227 = arith.addi %mul3A_225, %add3A_226 : i32
      %shift_right_logical3A_228 = arith.constant 5 : i32
      %shift_right_logical3A_229 = arith.shrui %add3A_227, %shift_right_logical3A_228 : i32
      %and3A_230 = arith.constant 31 : i32
      %and3A_231 = arith.andi %add3A_227, %and3A_230 : i32
      %mul3A_232 = arith.constant 16 : i32
      %mul3A_233 = arith.muli %add3A, %mul3A_232 : i32
      %add3A_234 = arith.addi %mul3A_233, %shift_right_logical3A_229 : i32
      %mul3A_235 = arith.constant 16 : i32
      %mul3A_236 = arith.muli %and3A_231, %mul3A_235 : i32
      %add3A_237 = vector.broadcast %mul3A_236 : i32 to vector<16xi32>
      %add3A_238 = arith.addi %add3A_237, %iota3A : vector<16xi32>
      %min3A_239 = vector.broadcast %add3A_234 : i32 to vector<16xi32>
      %min3A_240 = arith.minsi %min3A_239, %add3A_238 : vector<16xi32>
      %max3A_241 = vector.broadcast %add3A_234 : i32 to vector<16xi32>
      %max3A_242 = arith.maxsi %max3A_241, %add3A_238 : vector<16xi32>
      %mul3A_243 = arith.constant 500 : i32
      %mul3A_244 = vector.broadcast %mul3A_243 : i32 to vector<16xi32>
      %mul3A_245 = arith.muli %min3A_240, %mul3A_244 : vector<16xi32>
      %sub3A_246 = arith.constant 1 : i32
      %sub3A_247 = vector.broadcast %sub3A_246 : i32 to vector<16xi32>
      %sub3A_248 = arith.subi %min3A_240, %sub3A_247 : vector<16xi32>
      %mul3A_249 = arith.muli %min3A_240, %sub3A_248 : vector<16xi32>
      %shift_right_logical3A_250 = arith.constant 1 : i32
      %shift_right_logical3A_251 = vector.broadcast %shift_right_logical3A_250 : i32 to vector<16xi32>
      %shift_right_logical3A_252 = arith.shrui %mul3A_249, %shift_right_logical3A_251 : vector<16xi32>
      %sub3A_253 = arith.subi %mul3A_245, %shift_right_logical3A_252 : vector<16xi32>
      %add3A_254 = arith.addi %sub3A_253, %max3A_242 : vector<16xi32>
      %sub3A_255 = arith.subi %add3A_254, %min3A_240 : vector<16xi32>
      %min3A_256 = arith.constant 125249 : i32
      %min3A_257 = vector.broadcast %min3A_256 : i32 to vector<16xi32>
      %min3A_258 = arith.minsi %sub3A_255, %min3A_257 : vector<16xi32>
      %mul3A_259 = arith.constant 16 : i32
      %mul3A_260 = arith.muli %add3A_227, %mul3A_259 : i32
      %swap3A_261 = arith.index_cast %mul3A_260 : i32 to index
      %swap3A_262 = tpu.vector_load %arg4[%swap3A_261] {strides = array<i32>} : memref<8192xi32, #tpu.memory_space<vmem>>, vector<16xi32>,
      %swap3A_263 = vector.shape_cast %swap3A_262 : vector<16xi32> to vector<16xi32>
      %swap3A_264 = vector.shape_cast %min3A_258 : vector<16xi32> to vector<16xi32>
      tpu.vector_store %arg4[%swap3A_261], %swap3A_264 {strides = array<i32>} : memref<8192xi32, #tpu.memory_space<vmem>>, vector<16xi32>,
      %mul3A_265 = arith.constant 8 : i32
      %mul3A_266 = arith.muli %scan3A_24, %mul3A_265 : i32
      %add3A_267 = arith.constant 6 : i32
      %add3A_268 = arith.addi %mul3A_266, %add3A_267 : i32
      %shift_right_logical3A_269 = arith.constant 5 : i32
      %shift_right_logical3A_270 = arith.shrui %add3A_268, %shift_right_logical3A_269 : i32
      %and3A_271 = arith.constant 31 : i32
      %and3A_272 = arith.andi %add3A_268, %and3A_271 : i32
      %mul3A_273 = arith.constant 16 : i32
      %mul3A_274 = arith.muli %add3A, %mul3A_273 : i32
      %add3A_275 = arith.addi %mul3A_274, %shift_right_logical3A_270 : i32
      %mul3A_276 = arith.constant 16 : i32
      %mul3A_277 = arith.muli %and3A_272, %mul3A_276 : i32
      %add3A_278 = vector.broadcast %mul3A_277 : i32 to vector<16xi32>
      %add3A_279 = arith.addi %add3A_278, %iota3A : vector<16xi32>
      %min3A_280 = vector.broadcast %add3A_275 : i32 to vector<16xi32>
      %min3A_281 = arith.minsi %min3A_280, %add3A_279 : vector<16xi32>
      %max3A_282 = vector.broadcast %add3A_275 : i32 to vector<16xi32>
      %max3A_283 = arith.maxsi %max3A_282, %add3A_279 : vector<16xi32>
      %mul3A_284 = arith.constant 500 : i32
      %mul3A_285 = vector.broadcast %mul3A_284 : i32 to vector<16xi32>
      %mul3A_286 = arith.muli %min3A_281, %mul3A_285 : vector<16xi32>
      %sub3A_287 = arith.constant 1 : i32
      %sub3A_288 = vector.broadcast %sub3A_287 : i32 to vector<16xi32>
      %sub3A_289 = arith.subi %min3A_281, %sub3A_288 : vector<16xi32>
      %mul3A_290 = arith.muli %min3A_281, %sub3A_289 : vector<16xi32>
      %shift_right_logical3A_291 = arith.constant 1 : i32
      %shift_right_logical3A_292 = vector.broadcast %shift_right_logical3A_291 : i32 to vector<16xi32>
      %shift_right_logical3A_293 = arith.shrui %mul3A_290, %shift_right_logical3A_292 : vector<16xi32>
      %sub3A_294 = arith.subi %mul3A_286, %shift_right_logical3A_293 : vector<16xi32>
      %add3A_295 = arith.addi %sub3A_294, %max3A_283 : vector<16xi32>
      %sub3A_296 = arith.subi %add3A_295, %min3A_281 : vector<16xi32>
      %min3A_297 = arith.constant 125249 : i32
      %min3A_298 = vector.broadcast %min3A_297 : i32 to vector<16xi32>
      %min3A_299 = arith.minsi %sub3A_296, %min3A_298 : vector<16xi32>
      %mul3A_300 = arith.constant 16 : i32
      %mul3A_301 = arith.muli %add3A_268, %mul3A_300 : i32
      %swap3A_302 = arith.index_cast %mul3A_301 : i32 to index
      %swap3A_303 = tpu.vector_load %arg4[%swap3A_302] {strides = array<i32>} : memref<8192xi32, #tpu.memory_space<vmem>>, vector<16xi32>,
      %swap3A_304 = vector.shape_cast %swap3A_303 : vector<16xi32> to vector<16xi32>
      %swap3A_305 = vector.shape_cast %min3A_299 : vector<16xi32> to vector<16xi32>
      tpu.vector_store %arg4[%swap3A_302], %swap3A_305 {strides = array<i32>} : memref<8192xi32, #tpu.memory_space<vmem>>, vector<16xi32>,
      %mul3A_306 = arith.constant 8 : i32
      %mul3A_307 = arith.muli %scan3A_24, %mul3A_306 : i32
      %add3A_308 = arith.constant 7 : i32
      %add3A_309 = arith.addi %mul3A_307, %add3A_308 : i32
      %shift_right_logical3A_310 = arith.constant 5 : i32
      %shift_right_logical3A_311 = arith.shrui %add3A_309, %shift_right_logical3A_310 : i32
      %and3A_312 = arith.constant 31 : i32
      %and3A_313 = arith.andi %add3A_309, %and3A_312 : i32
      %mul3A_314 = arith.constant 16 : i32
      %mul3A_315 = arith.muli %add3A, %mul3A_314 : i32
      %add3A_316 = arith.addi %mul3A_315, %shift_right_logical3A_311 : i32
      %mul3A_317 = arith.constant 16 : i32
      %mul3A_318 = arith.muli %and3A_313, %mul3A_317 : i32
      %add3A_319 = vector.broadcast %mul3A_318 : i32 to vector<16xi32>
      %add3A_320 = arith.addi %add3A_319, %iota3A : vector<16xi32>
      %min3A_321 = vector.broadcast %add3A_316 : i32 to vector<16xi32>
      %min3A_322 = arith.minsi %min3A_321, %add3A_320 : vector<16xi32>
      %max3A_323 = vector.broadcast %add3A_316 : i32 to vector<16xi32>
      %max3A_324 = arith.maxsi %max3A_323, %add3A_320 : vector<16xi32>
      %mul3A_325 = arith.constant 500 : i32
      %mul3A_326 = vector.broadcast %mul3A_325 : i32 to vector<16xi32>
      %mul3A_327 = arith.muli %min3A_322, %mul3A_326 : vector<16xi32>
      %sub3A_328 = arith.constant 1 : i32
      %sub3A_329 = vector.broadcast %sub3A_328 : i32 to vector<16xi32>
      %sub3A_330 = arith.subi %min3A_322, %sub3A_329 : vector<16xi32>
      %mul3A_331 = arith.muli %min3A_322, %sub3A_330 : vector<16xi32>
      %shift_right_logical3A_332 = arith.constant 1 : i32
      %shift_right_logical3A_333 = vector.broadcast %shift_right_logical3A_332 : i32 to vector<16xi32>
      %shift_right_logical3A_334 = arith.shrui %mul3A_331, %shift_right_logical3A_333 : vector<16xi32>
      %sub3A_335 = arith.subi %mul3A_327, %shift_right_logical3A_334 : vector<16xi32>
      %add3A_336 = arith.addi %sub3A_335, %max3A_324 : vector<16xi32>
      %sub3A_337 = arith.subi %add3A_336, %min3A_322 : vector<16xi32>
      %min3A_338 = arith.constant 125249 : i32
      %min3A_339 = vector.broadcast %min3A_338 : i32 to vector<16xi32>
      %min3A_340 = arith.minsi %sub3A_337, %min3A_339 : vector<16xi32>
      %mul3A_341 = arith.constant 16 : i32
      %mul3A_342 = arith.muli %add3A_309, %mul3A_341 : i32
      %swap3A_343 = arith.index_cast %mul3A_342 : i32 to index
      %swap3A_344 = tpu.vector_load %arg4[%swap3A_343] {strides = array<i32>} : memref<8192xi32, #tpu.memory_space<vmem>>, vector<16xi32>,
      %swap3A_345 = vector.shape_cast %swap3A_344 : vector<16xi32> to vector<16xi32>
      %swap3A_346 = vector.shape_cast %min3A_340 : vector<16xi32> to vector<16xi32>
      tpu.vector_store %arg4[%swap3A_343], %swap3A_346 {strides = array<i32>} : memref<8192xi32, #tpu.memory_space<vmem>>, vector<16xi32>,
      %mul3A_347 = arith.constant 128 : i32
      %mul3A_348 = arith.muli %scan3A_24, %mul3A_347 : i32
      %mul3A_349 = arith.constant 128 : i32
      %mul3A_350 = arith.muli %scan3A_24, %mul3A_349 : i32
      %dma_start3A = tpu.memref_slice %arg5[%mul3A_350] : memref<8192xf32, #tpu.memory_space<vmem>> -> memref<128xf32, #tpu.memory_space<vmem>>
      %dma_start3A_351 = tpu.memref_slice %arg4[%mul3A_348] : memref<8192xi32, #tpu.memory_space<vmem>> -> memref<128xi32, #tpu.memory_space<vmem>>
      %dma_start3A_352 = arith.constant 0 : i32
      %dma_start3A_353 = tpu.memref_slice %arg2[%dma_start3A_352] : memref<125312xf32, #tpu.memory_space<hbm>> -> memref<125312xf32, #tpu.memory_space<hbm>>
      tpu.enqueue_indirect_dma source(%dma_start3A_353 : memref<125312xf32, #tpu.memory_space<hbm>>) target(%dma_start3A : memref<128xf32, #tpu.memory_space<vmem>>) offsets(%dma_start3A_351 : memref<128xi32, #tpu.memory_space<vmem>>) semaphore(%arg6 : memref<!tpu.dma_semaphore, #tpu.memory_space<semaphore_mem>>)
    }
    %scan3A_5 = arith.constant 64 : i32
    %scan3A_6 = arith.constant 0 : i32
    %scan3A_7 = arith.constant 0 : i32
    %scan3A_8 = arith.constant 64 : i32
    %scan3A_9 = arith.addi %scan3A_7, %scan3A_8 : i32
    %scan3A_10 = arith.constant 1 : i32
    scf.for %scan3A_24 = %scan3A_7 to %scan3A_9 step %scan3A_10  : i32 {
      %mul3A_25 = arith.constant 128 : i32
      %mul3A_26 = arith.muli %scan3A_24, %mul3A_25 : i32
      %mul3A_27 = arith.constant 128 : i32
      %mul3A_28 = arith.muli %scan3A_24, %mul3A_27 : i32
      %dma_wait3A = tpu.memref_slice %arg5[%mul3A_28] : memref<8192xf32, #tpu.memory_space<vmem>> -> memref<128xf32, #tpu.memory_space<vmem>>
      %dma_wait3A_29 = tpu.memref_slice %arg4[%mul3A_26] : memref<8192xi32, #tpu.memory_space<vmem>> -> memref<128xi32, #tpu.memory_space<vmem>>
      %dma_wait3A_30 = arith.constant 0 : i32
      %dma_wait3A_31 = tpu.memref_slice %arg2[%dma_wait3A_30] : memref<125312xf32, #tpu.memory_space<hbm>> -> memref<125312xf32, #tpu.memory_space<hbm>>
      tpu.wait_indirect_dma semaphore(%arg6 : memref<!tpu.dma_semaphore, #tpu.memory_space<semaphore_mem>>) src(%dma_wait3A_31 : memref<125312xf32, #tpu.memory_space<hbm>>) dst(%dma_wait3A : memref<128xf32, #tpu.memory_space<vmem>>)
    }
    %scan3A_11 = arith.constant 64 : i32
    %scan3A_12 = arith.constant 0 : i32
    %scan3A_13 = arith.constant 0 : i32
    %scan3A_14 = arith.constant 16 : i32
    %scan3A_15 = arith.addi %scan3A_13, %scan3A_14 : i32
    %scan3A_16 = arith.constant 1 : i32
    scf.for %scan3A_24 = %scan3A_13 to %scan3A_15 step %scan3A_16  : i32 {
      %mul3A_25 = arith.constant 16 : i32
      %mul3A_26 = arith.muli %add3A, %mul3A_25 : i32
      %add3A_27 = arith.addi %mul3A_26, %scan3A_24 : i32
      %mul3A_28 = arith.constant 512 : i32
      %mul3A_29 = arith.muli %scan3A_24, %mul3A_28 : i32
      %mul3A_30 = arith.constant 512 : i32
      %mul3A_31 = arith.muli %add3A_27, %mul3A_30 : i32
      %dma_start3A = tpu.memref_slice %arg5[%mul3A_29] : memref<8192xf32, #tpu.memory_space<vmem>> -> memref<512xf32, #tpu.memory_space<vmem>>
      %dma_start3A_32 = tpu.memref_slice %arg3[%mul3A_31] : memref<262144xf32, #tpu.memory_space<hbm>> -> memref<512xf32, #tpu.memory_space<hbm>>
      %dma_start3A_33 = tpu.memref_slice %arg3[%mul3A_31] : memref<262144xf32, #tpu.memory_space<hbm>> -> memref<512xf32, #tpu.memory_space<hbm>>
      %dma_start3A_34 = tpu.memref_slice %arg5[%mul3A_29] : memref<8192xf32, #tpu.memory_space<vmem>> -> memref<512xf32, #tpu.memory_space<vmem>>
      tpu.enqueue_dma source(%dma_start3A_34 : memref<512xf32, #tpu.memory_space<vmem>>) target(%dma_start3A_33 : memref<512xf32, #tpu.memory_space<hbm>>) target_semaphore(%arg6 : memref<!tpu.dma_semaphore, #tpu.memory_space<semaphore_mem>>)
    }
    %scan3A_17 = arith.constant 16 : i32
    %scan3A_18 = arith.constant 0 : i32
    %scan3A_19 = arith.constant 0 : i32
    %scan3A_20 = arith.constant 16 : i32
    %scan3A_21 = arith.addi %scan3A_19, %scan3A_20 : i32
    %scan3A_22 = arith.constant 1 : i32
    scf.for %scan3A_24 = %scan3A_19 to %scan3A_21 step %scan3A_22  : i32 {
      %mul3A_25 = arith.constant 16 : i32
      %mul3A_26 = arith.muli %add3A, %mul3A_25 : i32
      %add3A_27 = arith.addi %mul3A_26, %scan3A_24 : i32
      %mul3A_28 = arith.constant 512 : i32
      %mul3A_29 = arith.muli %scan3A_24, %mul3A_28 : i32
      %mul3A_30 = arith.constant 512 : i32
      %mul3A_31 = arith.muli %add3A_27, %mul3A_30 : i32
      %dma_wait3A = tpu.memref_slice %arg5[%mul3A_29] : memref<8192xf32, #tpu.memory_space<vmem>> -> memref<512xf32, #tpu.memory_space<vmem>>
      %dma_wait3A_32 = tpu.memref_slice %arg3[%mul3A_31] : memref<262144xf32, #tpu.memory_space<hbm>> -> memref<512xf32, #tpu.memory_space<hbm>>
      %dma_wait3A_33 = tpu.memref_slice %arg3[%mul3A_31] : memref<262144xf32, #tpu.memory_space<hbm>> -> memref<512xf32, #tpu.memory_space<hbm>>
      %dma_wait3A_34 = tpu.memref_slice %arg5[%mul3A_29] : memref<8192xf32, #tpu.memory_space<vmem>> -> memref<512xf32, #tpu.memory_space<vmem>>
      tpu.wait_dma2 semaphore(%arg6 : memref<!tpu.dma_semaphore, #tpu.memory_space<semaphore_mem>>) src(%dma_wait3A_34 : memref<512xf32, #tpu.memory_space<vmem>>) dst(%dma_wait3A_33 : memref<512xf32, #tpu.memory_space<hbm>>)
    }
    %scan3A_23 = arith.constant 16 : i32
    return
  }
}

#map = affine_map<(d0, d1) -> (0)>
module attributes {stable_mosaic.version = 14 : i64} {
  func.func @_adj_body(%arg0: i32, %arg1: i32, %arg2: memref<32000xi32, #tpu.memory_space<hbm>>, %arg3: memref<16384xf32, #tpu.memory_space<hbm>>, %arg4: memref<524288xf32, #tpu.memory_space<hbm>>, %arg5: memref<800xi32, #tpu.memory_space<vmem>>, %arg6: memref<800xi32, #tpu.memory_space<vmem>>, %arg7: memref<7x128xi32, #tpu.memory_space<vmem>>, %arg8: memref<7x128xf32, #tpu.memory_space<vmem>>, %arg9: memref<262144xf32, #tpu.memory_space<vmem_shared>>) attributes {dimension_semantics = [#tpu.dimension_semantics<core_parallel>, #tpu.dimension_semantics<subcore_parallel>], iteration_bounds = array<i64: 2, 16>, scalar_prefetch = 0 : i64, scratch_operands = 5 : i64, tpu.core_type = #tpu.core_type<sc_vector_subcore>, window_params = [{transform_indices = #map}, {transform_indices = #map}, {transform_indices = #map}]} {
    %mul3A = arith.constant 2 : i32
    %mul3A_0 = arith.muli %arg1, %mul3A : i32
    %add3A = arith.addi %mul3A_0, %arg0 : i32
    %mul3A_1 = arith.constant 16384 : i32
    %mul3A_2 = arith.muli %arg1, %mul3A_1 : i32
    "tpu.region"() ({
      %run_scoped3A = tpu.sem_alloc : memref<!tpu.dma_semaphore, #tpu.memory_space<semaphore_mem>>
      %dma_start3A = tpu.memref_slice %arg9[%mul3A_2] : memref<262144xf32, #tpu.memory_space<vmem_shared>> -> memref<16384xf32, #tpu.memory_space<vmem_shared>>
      tpu.enqueue_dma source(%arg3 : memref<16384xf32, #tpu.memory_space<hbm>>) target(%dma_start3A : memref<16384xf32, #tpu.memory_space<vmem_shared>>) target_semaphore(%run_scoped3A : memref<!tpu.dma_semaphore, #tpu.memory_space<semaphore_mem>>)
      %dma_wait3A = tpu.memref_slice %arg9[%mul3A_2] : memref<262144xf32, #tpu.memory_space<vmem_shared>> -> memref<16384xf32, #tpu.memory_space<vmem_shared>>
      tpu.wait_dma2 semaphore(%run_scoped3A : memref<!tpu.dma_semaphore, #tpu.memory_space<semaphore_mem>>) src(%arg3 : memref<16384xf32, #tpu.memory_space<hbm>>) dst(%dma_wait3A : memref<16384xf32, #tpu.memory_space<vmem_shared>>)
      tpu.yield
    }) : () -> ()
    %barrier3A = arith.constant 0 : index
    tpu.barrier barrier_id(%barrier3A)
    %lt3A = arith.constant 20 : i32
    %lt3A_3 = arith.cmpi slt, %add3A, %lt3A : i32
    %convert_element_type3A = arith.extui %lt3A_3 : i1 to i32
    %cond3A = arith.constant 0 : i32
    %cond3A_4 = arith.cmpi ne, %convert_element_type3A, %cond3A : i32
    scf.if %cond3A_4 {
      %mul3A_13 = arith.constant 800 : i32
      %mul3A_14 = arith.muli %add3A, %mul3A_13 : i32
      "tpu.region"() ({
        %run_scoped3A_1323 = tpu.sem_alloc : memref<!tpu.dma_semaphore, #tpu.memory_space<semaphore_mem>>
        %dma_start3A = tpu.memref_slice %arg2[%mul3A_14] : memref<32000xi32, #tpu.memory_space<hbm>> -> memref<800xi32, #tpu.memory_space<hbm>>
        %dma_start3A_1324 = tpu.memref_slice %arg2[%mul3A_14] : memref<32000xi32, #tpu.memory_space<hbm>> -> memref<800xi32, #tpu.memory_space<hbm>>
        tpu.enqueue_dma source(%dma_start3A_1324 : memref<800xi32, #tpu.memory_space<hbm>>) target(%arg5 : memref<800xi32, #tpu.memory_space<vmem>>) target_semaphore(%run_scoped3A_1323 : memref<!tpu.dma_semaphore, #tpu.memory_space<semaphore_mem>>)
        %dma_wait3A = tpu.memref_slice %arg2[%mul3A_14] : memref<32000xi32, #tpu.memory_space<hbm>> -> memref<800xi32, #tpu.memory_space<hbm>>
        %dma_wait3A_1325 = tpu.memref_slice %arg2[%mul3A_14] : memref<32000xi32, #tpu.memory_space<hbm>> -> memref<800xi32, #tpu.memory_space<hbm>>
        tpu.wait_dma2 semaphore(%run_scoped3A_1323 : memref<!tpu.dma_semaphore, #tpu.memory_space<semaphore_mem>>) src(%dma_wait3A_1325 : memref<800xi32, #tpu.memory_space<hbm>>) dst(%arg5 : memref<800xi32, #tpu.memory_space<vmem>>)
        tpu.yield
      }) : () -> ()
      %add3A_15 = arith.constant 16000 : i32
      %add3A_16 = arith.addi %add3A_15, %mul3A_14 : i32
      "tpu.region"() ({
        %run_scoped3A_1323 = tpu.sem_alloc : memref<!tpu.dma_semaphore, #tpu.memory_space<semaphore_mem>>
        %dma_start3A = tpu.memref_slice %arg2[%add3A_16] : memref<32000xi32, #tpu.memory_space<hbm>> -> memref<800xi32, #tpu.memory_space<hbm>>
        %dma_start3A_1324 = tpu.memref_slice %arg2[%add3A_16] : memref<32000xi32, #tpu.memory_space<hbm>> -> memref<800xi32, #tpu.memory_space<hbm>>
        tpu.enqueue_dma source(%dma_start3A_1324 : memref<800xi32, #tpu.memory_space<hbm>>) target(%arg6 : memref<800xi32, #tpu.memory_space<vmem>>) target_semaphore(%run_scoped3A_1323 : memref<!tpu.dma_semaphore, #tpu.memory_space<semaphore_mem>>)
        %dma_wait3A = tpu.memref_slice %arg2[%add3A_16] : memref<32000xi32, #tpu.memory_space<hbm>> -> memref<800xi32, #tpu.memory_space<hbm>>
        %dma_wait3A_1325 = tpu.memref_slice %arg2[%add3A_16] : memref<32000xi32, #tpu.memory_space<hbm>> -> memref<800xi32, #tpu.memory_space<hbm>>
        tpu.wait_dma2 semaphore(%run_scoped3A_1323 : memref<!tpu.dma_semaphore, #tpu.memory_space<semaphore_mem>>) src(%dma_wait3A_1325 : memref<800xi32, #tpu.memory_space<hbm>>) dst(%arg6 : memref<800xi32, #tpu.memory_space<vmem>>)
        tpu.yield
      }) : () -> ()
      %get3A = arith.constant 0 : index
      %get3A_17 = tpu.vector_load %arg5[%get3A] {strides = array<i32>} : memref<800xi32, #tpu.memory_space<vmem>>, vector<16xi32>,
      %get3A_18 = vector.shape_cast %get3A_17 : vector<16xi32> to vector<16xi32>
      %get3A_19 = arith.constant 0 : index
      %get3A_20 = tpu.vector_load %arg6[%get3A_19] {strides = array<i32>} : memref<800xi32, #tpu.memory_space<vmem>>, vector<16xi32>,
      %get3A_21 = vector.shape_cast %get3A_20 : vector<16xi32> to vector<16xi32>
      %mul3A_22 = arith.constant 512 : i32
      %mul3A_23 = vector.broadcast %mul3A_22 : i32 to vector<16xi32>
      %mul3A_24 = arith.muli %get3A_21, %mul3A_23 : vector<16xi32>
      %add3A_25 = arith.addi %mul3A_24, %get3A_18 : vector<16xi32>
      %swap3A = arith.constant 0 : i32
      %swap3A_26 = arith.index_cast %swap3A : i32 to index
      %swap3A_27 = arith.constant 0 : index
      %swap3A_28 = tpu.vector_load %arg7[%swap3A_26, %swap3A_27] {strides = array<i32>} : memref<7x128xi32, #tpu.memory_space<vmem>>, vector<1x16xi32>,
      %swap3A_29 = vector.shape_cast %swap3A_28 : vector<1x16xi32> to vector<16xi32>
      %swap3A_30 = vector.shape_cast %add3A_25 : vector<16xi32> to vector<1x16xi32>
      tpu.vector_store %arg7[%swap3A_26, %swap3A_27], %swap3A_30 {strides = array<i32>} : memref<7x128xi32, #tpu.memory_space<vmem>>, vector<1x16xi32>,
      %broadcast_in_dim3A = arith.constant 1.000000e+00 : f32
      %broadcast_in_dim3A_31 = vector.broadcast %broadcast_in_dim3A : f32 to vector<16xf32>
      %swap3A_32 = arith.constant 0 : i32
      %swap3A_33 = arith.index_cast %swap3A_32 : i32 to index
      %swap3A_34 = arith.constant 0 : index
      %swap3A_35 = tpu.vector_load %arg8[%swap3A_33, %swap3A_34] {strides = array<i32>} : memref<7x128xf32, #tpu.memory_space<vmem>>, vector<1x16xf32>,
      %swap3A_36 = vector.shape_cast %swap3A_35 : vector<1x16xf32> to vector<16xf32>
      %swap3A_37 = vector.shape_cast %broadcast_in_dim3A_31 : vector<16xf32> to vector<1x16xf32>
      tpu.vector_store %arg8[%swap3A_33, %swap3A_34], %swap3A_37 {strides = array<i32>} : memref<7x128xf32, #tpu.memory_space<vmem>>, vector<1x16xf32>,
      %get3A_38 = arith.constant 16 : index
      %get3A_39 = tpu.vector_load %arg5[%get3A_38] {strides = array<i32>} : memref<800xi32, #tpu.memory_space<vmem>>, vector<16xi32>,
      %get3A_40 = vector.shape_cast %get3A_39 : vector<16xi32> to vector<16xi32>
      %get3A_41 = arith.constant 16 : index
      %get3A_42 = tpu.vector_load %arg6[%get3A_41] {strides = array<i32>} : memref<800xi32, #tpu.memory_space<vmem>>, vector<16xi32>,
      %get3A_43 = vector.shape_cast %get3A_42 : vector<16xi32> to vector<16xi32>
      %mul3A_44 = arith.constant 512 : i32
      %mul3A_45 = vector.broadcast %mul3A_44 : i32 to vector<16xi32>
      %mul3A_46 = arith.muli %get3A_43, %mul3A_45 : vector<16xi32>
      %add3A_47 = arith.addi %mul3A_46, %get3A_40 : vector<16xi32>
      %swap3A_48 = arith.constant 0 : i32
      %swap3A_49 = arith.index_cast %swap3A_48 : i32 to index
      %swap3A_50 = arith.constant 16 : index
      %swap3A_51 = tpu.vector_load %arg7[%swap3A_49, %swap3A_50] {strides = array<i32>} : memref<7x128xi32, #tpu.memory_space<vmem>>, vector<1x16xi32>,
      %swap3A_52 = vector.shape_cast %swap3A_51 : vector<1x16xi32> to vector<16xi32>
      %swap3A_53 = vector.shape_cast %add3A_47 : vector<16xi32> to vector<1x16xi32>
      tpu.vector_store %arg7[%swap3A_49, %swap3A_50], %swap3A_53 {strides = array<i32>} : memref<7x128xi32, #tpu.memory_space<vmem>>, vector<1x16xi32>,
      %broadcast_in_dim3A_54 = arith.constant 1.000000e+00 : f32
      %broadcast_in_dim3A_55 = vector.broadcast %broadcast_in_dim3A_54 : f32 to vector<16xf32>
      %swap3A_56 = arith.constant 0 : i32
      %swap3A_57 = arith.index_cast %swap3A_56 : i32 to index
      %swap3A_58 = arith.constant 16 : index
      %swap3A_59 = tpu.vector_load %arg8[%swap3A_57, %swap3A_58] {strides = array<i32>} : memref<7x128xf32, #tpu.memory_space<vmem>>, vector<1x16xf32>,
      %swap3A_60 = vector.shape_cast %swap3A_59 : vector<1x16xf32> to vector<16xf32>
      %swap3A_61 = vector.shape_cast %broadcast_in_dim3A_55 : vector<16xf32> to vector<1x16xf32>
      tpu.vector_store %arg8[%swap3A_57, %swap3A_58], %swap3A_61 {strides = array<i32>} : memref<7x128xf32, #tpu.memory_space<vmem>>, vector<1x16xf32>,
      %get3A_62 = arith.constant 32 : index
      %get3A_63 = tpu.vector_load %arg5[%get3A_62] {strides = array<i32>} : memref<800xi32, #tpu.memory_space<vmem>>, vector<16xi32>,
      %get3A_64 = vector.shape_cast %get3A_63 : vector<16xi32> to vector<16xi32>
      %get3A_65 = arith.constant 32 : index
      %get3A_66 = tpu.vector_load %arg6[%get3A_65] {strides = array<i32>} : memref<800xi32, #tpu.memory_space<vmem>>, vector<16xi32>,
      %get3A_67 = vector.shape_cast %get3A_66 : vector<16xi32> to vector<16xi32>
      %mul3A_68 = arith.constant 512 : i32
      %mul3A_69 = vector.broadcast %mul3A_68 : i32 to vector<16xi32>
      %mul3A_70 = arith.muli %get3A_67, %mul3A_69 : vector<16xi32>
      %add3A_71 = arith.addi %mul3A_70, %get3A_64 : vector<16xi32>
      %swap3A_72 = arith.constant 0 : i32
      %swap3A_73 = arith.index_cast %swap3A_72 : i32 to index
      %swap3A_74 = arith.constant 32 : index
      %swap3A_75 = tpu.vector_load %arg7[%swap3A_73, %swap3A_74] {strides = array<i32>} : memref<7x128xi32, #tpu.memory_space<vmem>>, vector<1x16xi32>,
      %swap3A_76 = vector.shape_cast %swap3A_75 : vector<1x16xi32> to vector<16xi32>
      %swap3A_77 = vector.shape_cast %add3A_71 : vector<16xi32> to vector<1x16xi32>
      tpu.vector_store %arg7[%swap3A_73, %swap3A_74], %swap3A_77 {strides = array<i32>} : memref<7x128xi32, #tpu.memory_space<vmem>>, vector<1x16xi32>,
      %broadcast_in_dim3A_78 = arith.constant 1.000000e+00 : f32
      %broadcast_in_dim3A_79 = vector.broadcast %broadcast_in_dim3A_78 : f32 to vector<16xf32>
      %swap3A_80 = arith.constant 0 : i32
      %swap3A_81 = arith.index_cast %swap3A_80 : i32 to index
      %swap3A_82 = arith.constant 32 : index
      %swap3A_83 = tpu.vector_load %arg8[%swap3A_81, %swap3A_82] {strides = array<i32>} : memref<7x128xf32, #tpu.memory_space<vmem>>, vector<1x16xf32>,
      %swap3A_84 = vector.shape_cast %swap3A_83 : vector<1x16xf32> to vector<16xf32>
      %swap3A_85 = vector.shape_cast %broadcast_in_dim3A_79 : vector<16xf32> to vector<1x16xf32>
      tpu.vector_store %arg8[%swap3A_81, %swap3A_82], %swap3A_85 {strides = array<i32>} : memref<7x128xf32, #tpu.memory_space<vmem>>, vector<1x16xf32>,
      %get3A_86 = arith.constant 48 : index
      %get3A_87 = tpu.vector_load %arg5[%get3A_86] {strides = array<i32>} : memref<800xi32, #tpu.memory_space<vmem>>, vector<16xi32>,
      %get3A_88 = vector.shape_cast %get3A_87 : vector<16xi32> to vector<16xi32>
      %get3A_89 = arith.constant 48 : index
      %get3A_90 = tpu.vector_load %arg6[%get3A_89] {strides = array<i32>} : memref<800xi32, #tpu.memory_space<vmem>>, vector<16xi32>,
      %get3A_91 = vector.shape_cast %get3A_90 : vector<16xi32> to vector<16xi32>
      %mul3A_92 = arith.constant 512 : i32
      %mul3A_93 = vector.broadcast %mul3A_92 : i32 to vector<16xi32>
      %mul3A_94 = arith.muli %get3A_91, %mul3A_93 : vector<16xi32>
      %add3A_95 = arith.addi %mul3A_94, %get3A_88 : vector<16xi32>
      %swap3A_96 = arith.constant 0 : i32
      %swap3A_97 = arith.index_cast %swap3A_96 : i32 to index
      %swap3A_98 = arith.constant 48 : index
      %swap3A_99 = tpu.vector_load %arg7[%swap3A_97, %swap3A_98] {strides = array<i32>} : memref<7x128xi32, #tpu.memory_space<vmem>>, vector<1x16xi32>,
      %swap3A_100 = vector.shape_cast %swap3A_99 : vector<1x16xi32> to vector<16xi32>
      %swap3A_101 = vector.shape_cast %add3A_95 : vector<16xi32> to vector<1x16xi32>
      tpu.vector_store %arg7[%swap3A_97, %swap3A_98], %swap3A_101 {strides = array<i32>} : memref<7x128xi32, #tpu.memory_space<vmem>>, vector<1x16xi32>,
      %broadcast_in_dim3A_102 = arith.constant 1.000000e+00 : f32
      %broadcast_in_dim3A_103 = vector.broadcast %broadcast_in_dim3A_102 : f32 to vector<16xf32>
      %swap3A_104 = arith.constant 0 : i32
      %swap3A_105 = arith.index_cast %swap3A_104 : i32 to index
      %swap3A_106 = arith.constant 48 : index
      %swap3A_107 = tpu.vector_load %arg8[%swap3A_105, %swap3A_106] {strides = array<i32>} : memref<7x128xf32, #tpu.memory_space<vmem>>, vector<1x16xf32>,
      %swap3A_108 = vector.shape_cast %swap3A_107 : vector<1x16xf32> to vector<16xf32>
      %swap3A_109 = vector.shape_cast %broadcast_in_dim3A_103 : vector<16xf32> to vector<1x16xf32>
      tpu.vector_store %arg8[%swap3A_105, %swap3A_106], %swap3A_109 {strides = array<i32>} : memref<7x128xf32, #tpu.memory_space<vmem>>, vector<1x16xf32>,
      %get3A_110 = arith.constant 64 : index
      %get3A_111 = tpu.vector_load %arg5[%get3A_110] {strides = array<i32>} : memref<800xi32, #tpu.memory_space<vmem>>, vector<16xi32>,
      %get3A_112 = vector.shape_cast %get3A_111 : vector<16xi32> to vector<16xi32>
      %get3A_113 = arith.constant 64 : index
      %get3A_114 = tpu.vector_load %arg6[%get3A_113] {strides = array<i32>} : memref<800xi32, #tpu.memory_space<vmem>>, vector<16xi32>,
      %get3A_115 = vector.shape_cast %get3A_114 : vector<16xi32> to vector<16xi32>
      %mul3A_116 = arith.constant 512 : i32
      %mul3A_117 = vector.broadcast %mul3A_116 : i32 to vector<16xi32>
      %mul3A_118 = arith.muli %get3A_115, %mul3A_117 : vector<16xi32>
      %add3A_119 = arith.addi %mul3A_118, %get3A_112 : vector<16xi32>
      %swap3A_120 = arith.constant 0 : i32
      %swap3A_121 = arith.index_cast %swap3A_120 : i32 to index
      %swap3A_122 = arith.constant 64 : index
      %swap3A_123 = tpu.vector_load %arg7[%swap3A_121, %swap3A_122] {strides = array<i32>} : memref<7x128xi32, #tpu.memory_space<vmem>>, vector<1x16xi32>,
      %swap3A_124 = vector.shape_cast %swap3A_123 : vector<1x16xi32> to vector<16xi32>
      %swap3A_125 = vector.shape_cast %add3A_119 : vector<16xi32> to vector<1x16xi32>
      tpu.vector_store %arg7[%swap3A_121, %swap3A_122], %swap3A_125 {strides = array<i32>} : memref<7x128xi32, #tpu.memory_space<vmem>>, vector<1x16xi32>,
      %broadcast_in_dim3A_126 = arith.constant 1.000000e+00 : f32
      %broadcast_in_dim3A_127 = vector.broadcast %broadcast_in_dim3A_126 : f32 to vector<16xf32>
      %swap3A_128 = arith.constant 0 : i32
      %swap3A_129 = arith.index_cast %swap3A_128 : i32 to index
      %swap3A_130 = arith.constant 64 : index
      %swap3A_131 = tpu.vector_load %arg8[%swap3A_129, %swap3A_130] {strides = array<i32>} : memref<7x128xf32, #tpu.memory_space<vmem>>, vector<1x16xf32>,
      %swap3A_132 = vector.shape_cast %swap3A_131 : vector<1x16xf32> to vector<16xf32>
      %swap3A_133 = vector.shape_cast %broadcast_in_dim3A_127 : vector<16xf32> to vector<1x16xf32>
      tpu.vector_store %arg8[%swap3A_129, %swap3A_130], %swap3A_133 {strides = array<i32>} : memref<7x128xf32, #tpu.memory_space<vmem>>, vector<1x16xf32>,
      %get3A_134 = arith.constant 80 : index
      %get3A_135 = tpu.vector_load %arg5[%get3A_134] {strides = array<i32>} : memref<800xi32, #tpu.memory_space<vmem>>, vector<16xi32>,
      %get3A_136 = vector.shape_cast %get3A_135 : vector<16xi32> to vector<16xi32>
      %get3A_137 = arith.constant 80 : index
      %get3A_138 = tpu.vector_load %arg6[%get3A_137] {strides = array<i32>} : memref<800xi32, #tpu.memory_space<vmem>>, vector<16xi32>,
      %get3A_139 = vector.shape_cast %get3A_138 : vector<16xi32> to vector<16xi32>
      %mul3A_140 = arith.constant 512 : i32
      %mul3A_141 = vector.broadcast %mul3A_140 : i32 to vector<16xi32>
      %mul3A_142 = arith.muli %get3A_139, %mul3A_141 : vector<16xi32>
      %add3A_143 = arith.addi %mul3A_142, %get3A_136 : vector<16xi32>
      %swap3A_144 = arith.constant 0 : i32
      %swap3A_145 = arith.index_cast %swap3A_144 : i32 to index
      %swap3A_146 = arith.constant 80 : index
      %swap3A_147 = tpu.vector_load %arg7[%swap3A_145, %swap3A_146] {strides = array<i32>} : memref<7x128xi32, #tpu.memory_space<vmem>>, vector<1x16xi32>,
      %swap3A_148 = vector.shape_cast %swap3A_147 : vector<1x16xi32> to vector<16xi32>
      %swap3A_149 = vector.shape_cast %add3A_143 : vector<16xi32> to vector<1x16xi32>
      tpu.vector_store %arg7[%swap3A_145, %swap3A_146], %swap3A_149 {strides = array<i32>} : memref<7x128xi32, #tpu.memory_space<vmem>>, vector<1x16xi32>,
      %broadcast_in_dim3A_150 = arith.constant 1.000000e+00 : f32
      %broadcast_in_dim3A_151 = vector.broadcast %broadcast_in_dim3A_150 : f32 to vector<16xf32>
      %swap3A_152 = arith.constant 0 : i32
      %swap3A_153 = arith.index_cast %swap3A_152 : i32 to index
      %swap3A_154 = arith.constant 80 : index
      %swap3A_155 = tpu.vector_load %arg8[%swap3A_153, %swap3A_154] {strides = array<i32>} : memref<7x128xf32, #tpu.memory_space<vmem>>, vector<1x16xf32>,
      %swap3A_156 = vector.shape_cast %swap3A_155 : vector<1x16xf32> to vector<16xf32>
      %swap3A_157 = vector.shape_cast %broadcast_in_dim3A_151 : vector<16xf32> to vector<1x16xf32>
      tpu.vector_store %arg8[%swap3A_153, %swap3A_154], %swap3A_157 {strides = array<i32>} : memref<7x128xf32, #tpu.memory_space<vmem>>, vector<1x16xf32>,
      %get3A_158 = arith.constant 96 : index
      %get3A_159 = tpu.vector_load %arg5[%get3A_158] {strides = array<i32>} : memref<800xi32, #tpu.memory_space<vmem>>, vector<16xi32>,
      %get3A_160 = vector.shape_cast %get3A_159 : vector<16xi32> to vector<16xi32>
      %get3A_161 = arith.constant 96 : index
      %get3A_162 = tpu.vector_load %arg6[%get3A_161] {strides = array<i32>} : memref<800xi32, #tpu.memory_space<vmem>>, vector<16xi32>,
      %get3A_163 = vector.shape_cast %get3A_162 : vector<16xi32> to vector<16xi32>
      %mul3A_164 = arith.constant 512 : i32
      %mul3A_165 = vector.broadcast %mul3A_164 : i32 to vector<16xi32>
      %mul3A_166 = arith.muli %get3A_163, %mul3A_165 : vector<16xi32>
      %add3A_167 = arith.addi %mul3A_166, %get3A_160 : vector<16xi32>
      %swap3A_168 = arith.constant 0 : i32
      %swap3A_169 = arith.index_cast %swap3A_168 : i32 to index
      %swap3A_170 = arith.constant 96 : index
      %swap3A_171 = tpu.vector_load %arg7[%swap3A_169, %swap3A_170] {strides = array<i32>} : memref<7x128xi32, #tpu.memory_space<vmem>>, vector<1x16xi32>,
      %swap3A_172 = vector.shape_cast %swap3A_171 : vector<1x16xi32> to vector<16xi32>
      %swap3A_173 = vector.shape_cast %add3A_167 : vector<16xi32> to vector<1x16xi32>
      tpu.vector_store %arg7[%swap3A_169, %swap3A_170], %swap3A_173 {strides = array<i32>} : memref<7x128xi32, #tpu.memory_space<vmem>>, vector<1x16xi32>,
      %broadcast_in_dim3A_174 = arith.constant 1.000000e+00 : f32
      %broadcast_in_dim3A_175 = vector.broadcast %broadcast_in_dim3A_174 : f32 to vector<16xf32>
      %swap3A_176 = arith.constant 0 : i32
      %swap3A_177 = arith.index_cast %swap3A_176 : i32 to index
      %swap3A_178 = arith.constant 96 : index
      %swap3A_179 = tpu.vector_load %arg8[%swap3A_177, %swap3A_178] {strides = array<i32>} : memref<7x128xf32, #tpu.memory_space<vmem>>, vector<1x16xf32>,
      %swap3A_180 = vector.shape_cast %swap3A_179 : vector<1x16xf32> to vector<16xf32>
      %swap3A_181 = vector.shape_cast %broadcast_in_dim3A_175 : vector<16xf32> to vector<1x16xf32>
      tpu.vector_store %arg8[%swap3A_177, %swap3A_178], %swap3A_181 {strides = array<i32>} : memref<7x128xf32, #tpu.memory_space<vmem>>, vector<1x16xf32>,
      %get3A_182 = arith.constant 112 : index
      %get3A_183 = tpu.vector_load %arg5[%get3A_182] {strides = array<i32>} : memref<800xi32, #tpu.memory_space<vmem>>, vector<16xi32>,
      %get3A_184 = vector.shape_cast %get3A_183 : vector<16xi32> to vector<16xi32>
      %get3A_185 = arith.constant 112 : index
      %get3A_186 = tpu.vector_load %arg6[%get3A_185] {strides = array<i32>} : memref<800xi32, #tpu.memory_space<vmem>>, vector<16xi32>,
      %get3A_187 = vector.shape_cast %get3A_186 : vector<16xi32> to vector<16xi32>
      %mul3A_188 = arith.constant 512 : i32
      %mul3A_189 = vector.broadcast %mul3A_188 : i32 to vector<16xi32>
      %mul3A_190 = arith.muli %get3A_187, %mul3A_189 : vector<16xi32>
      %add3A_191 = arith.addi %mul3A_190, %get3A_184 : vector<16xi32>
      %swap3A_192 = arith.constant 0 : i32
      %swap3A_193 = arith.index_cast %swap3A_192 : i32 to index
      %swap3A_194 = arith.constant 112 : index
      %swap3A_195 = tpu.vector_load %arg7[%swap3A_193, %swap3A_194] {strides = array<i32>} : memref<7x128xi32, #tpu.memory_space<vmem>>, vector<1x16xi32>,
      %swap3A_196 = vector.shape_cast %swap3A_195 : vector<1x16xi32> to vector<16xi32>
      %swap3A_197 = vector.shape_cast %add3A_191 : vector<16xi32> to vector<1x16xi32>
      tpu.vector_store %arg7[%swap3A_193, %swap3A_194], %swap3A_197 {strides = array<i32>} : memref<7x128xi32, #tpu.memory_space<vmem>>, vector<1x16xi32>,
      %broadcast_in_dim3A_198 = arith.constant 1.000000e+00 : f32
      %broadcast_in_dim3A_199 = vector.broadcast %broadcast_in_dim3A_198 : f32 to vector<16xf32>
      %swap3A_200 = arith.constant 0 : i32
      %swap3A_201 = arith.index_cast %swap3A_200 : i32 to index
      %swap3A_202 = arith.constant 112 : index
      %swap3A_203 = tpu.vector_load %arg8[%swap3A_201, %swap3A_202] {strides = array<i32>} : memref<7x128xf32, #tpu.memory_space<vmem>>, vector<1x16xf32>,
      %swap3A_204 = vector.shape_cast %swap3A_203 : vector<1x16xf32> to vector<16xf32>
      %swap3A_205 = vector.shape_cast %broadcast_in_dim3A_199 : vector<16xf32> to vector<1x16xf32>
      tpu.vector_store %arg8[%swap3A_201, %swap3A_202], %swap3A_205 {strides = array<i32>} : memref<7x128xf32, #tpu.memory_space<vmem>>, vector<1x16xf32>,
      %get3A_206 = arith.constant 128 : index
      %get3A_207 = tpu.vector_load %arg5[%get3A_206] {strides = array<i32>} : memref<800xi32, #tpu.memory_space<vmem>>, vector<16xi32>,
      %get3A_208 = vector.shape_cast %get3A_207 : vector<16xi32> to vector<16xi32>
      %get3A_209 = arith.constant 128 : index
      %get3A_210 = tpu.vector_load %arg6[%get3A_209] {strides = array<i32>} : memref<800xi32, #tpu.memory_space<vmem>>, vector<16xi32>,
      %get3A_211 = vector.shape_cast %get3A_210 : vector<16xi32> to vector<16xi32>
      %mul3A_212 = arith.constant 512 : i32
      %mul3A_213 = vector.broadcast %mul3A_212 : i32 to vector<16xi32>
      %mul3A_214 = arith.muli %get3A_211, %mul3A_213 : vector<16xi32>
      %add3A_215 = arith.addi %mul3A_214, %get3A_208 : vector<16xi32>
      %swap3A_216 = arith.constant 1 : i32
      %swap3A_217 = arith.index_cast %swap3A_216 : i32 to index
      %swap3A_218 = arith.constant 0 : index
      %swap3A_219 = tpu.vector_load %arg7[%swap3A_217, %swap3A_218] {strides = array<i32>} : memref<7x128xi32, #tpu.memory_space<vmem>>, vector<1x16xi32>,
      %swap3A_220 = vector.shape_cast %swap3A_219 : vector<1x16xi32> to vector<16xi32>
      %swap3A_221 = vector.shape_cast %add3A_215 : vector<16xi32> to vector<1x16xi32>
      tpu.vector_store %arg7[%swap3A_217, %swap3A_218], %swap3A_221 {strides = array<i32>} : memref<7x128xi32, #tpu.memory_space<vmem>>, vector<1x16xi32>,
      %broadcast_in_dim3A_222 = arith.constant 1.000000e+00 : f32
      %broadcast_in_dim3A_223 = vector.broadcast %broadcast_in_dim3A_222 : f32 to vector<16xf32>
      %swap3A_224 = arith.constant 1 : i32
      %swap3A_225 = arith.index_cast %swap3A_224 : i32 to index
      %swap3A_226 = arith.constant 0 : index
      %swap3A_227 = tpu.vector_load %arg8[%swap3A_225, %swap3A_226] {strides = array<i32>} : memref<7x128xf32, #tpu.memory_space<vmem>>, vector<1x16xf32>,
      %swap3A_228 = vector.shape_cast %swap3A_227 : vector<1x16xf32> to vector<16xf32>
      %swap3A_229 = vector.shape_cast %broadcast_in_dim3A_223 : vector<16xf32> to vector<1x16xf32>
      tpu.vector_store %arg8[%swap3A_225, %swap3A_226], %swap3A_229 {strides = array<i32>} : memref<7x128xf32, #tpu.memory_space<vmem>>, vector<1x16xf32>,
      %get3A_230 = arith.constant 144 : index
      %get3A_231 = tpu.vector_load %arg5[%get3A_230] {strides = array<i32>} : memref<800xi32, #tpu.memory_space<vmem>>, vector<16xi32>,
      %get3A_232 = vector.shape_cast %get3A_231 : vector<16xi32> to vector<16xi32>
      %get3A_233 = arith.constant 144 : index
      %get3A_234 = tpu.vector_load %arg6[%get3A_233] {strides = array<i32>} : memref<800xi32, #tpu.memory_space<vmem>>, vector<16xi32>,
      %get3A_235 = vector.shape_cast %get3A_234 : vector<16xi32> to vector<16xi32>
      %mul3A_236 = arith.constant 512 : i32
      %mul3A_237 = vector.broadcast %mul3A_236 : i32 to vector<16xi32>
      %mul3A_238 = arith.muli %get3A_235, %mul3A_237 : vector<16xi32>
      %add3A_239 = arith.addi %mul3A_238, %get3A_232 : vector<16xi32>
      %swap3A_240 = arith.constant 1 : i32
      %swap3A_241 = arith.index_cast %swap3A_240 : i32 to index
      %swap3A_242 = arith.constant 16 : index
      %swap3A_243 = tpu.vector_load %arg7[%swap3A_241, %swap3A_242] {strides = array<i32>} : memref<7x128xi32, #tpu.memory_space<vmem>>, vector<1x16xi32>,
      %swap3A_244 = vector.shape_cast %swap3A_243 : vector<1x16xi32> to vector<16xi32>
      %swap3A_245 = vector.shape_cast %add3A_239 : vector<16xi32> to vector<1x16xi32>
      tpu.vector_store %arg7[%swap3A_241, %swap3A_242], %swap3A_245 {strides = array<i32>} : memref<7x128xi32, #tpu.memory_space<vmem>>, vector<1x16xi32>,
      %broadcast_in_dim3A_246 = arith.constant 1.000000e+00 : f32
      %broadcast_in_dim3A_247 = vector.broadcast %broadcast_in_dim3A_246 : f32 to vector<16xf32>
      %swap3A_248 = arith.constant 1 : i32
      %swap3A_249 = arith.index_cast %swap3A_248 : i32 to index
      %swap3A_250 = arith.constant 16 : index
      %swap3A_251 = tpu.vector_load %arg8[%swap3A_249, %swap3A_250] {strides = array<i32>} : memref<7x128xf32, #tpu.memory_space<vmem>>, vector<1x16xf32>,
      %swap3A_252 = vector.shape_cast %swap3A_251 : vector<1x16xf32> to vector<16xf32>
      %swap3A_253 = vector.shape_cast %broadcast_in_dim3A_247 : vector<16xf32> to vector<1x16xf32>
      tpu.vector_store %arg8[%swap3A_249, %swap3A_250], %swap3A_253 {strides = array<i32>} : memref<7x128xf32, #tpu.memory_space<vmem>>, vector<1x16xf32>,
      %get3A_254 = arith.constant 160 : index
      %get3A_255 = tpu.vector_load %arg5[%get3A_254] {strides = array<i32>} : memref<800xi32, #tpu.memory_space<vmem>>, vector<16xi32>,
      %get3A_256 = vector.shape_cast %get3A_255 : vector<16xi32> to vector<16xi32>
      %get3A_257 = arith.constant 160 : index
      %get3A_258 = tpu.vector_load %arg6[%get3A_257] {strides = array<i32>} : memref<800xi32, #tpu.memory_space<vmem>>, vector<16xi32>,
      %get3A_259 = vector.shape_cast %get3A_258 : vector<16xi32> to vector<16xi32>
      %mul3A_260 = arith.constant 512 : i32
      %mul3A_261 = vector.broadcast %mul3A_260 : i32 to vector<16xi32>
      %mul3A_262 = arith.muli %get3A_259, %mul3A_261 : vector<16xi32>
      %add3A_263 = arith.addi %mul3A_262, %get3A_256 : vector<16xi32>
      %swap3A_264 = arith.constant 1 : i32
      %swap3A_265 = arith.index_cast %swap3A_264 : i32 to index
      %swap3A_266 = arith.constant 32 : index
      %swap3A_267 = tpu.vector_load %arg7[%swap3A_265, %swap3A_266] {strides = array<i32>} : memref<7x128xi32, #tpu.memory_space<vmem>>, vector<1x16xi32>,
      %swap3A_268 = vector.shape_cast %swap3A_267 : vector<1x16xi32> to vector<16xi32>
      %swap3A_269 = vector.shape_cast %add3A_263 : vector<16xi32> to vector<1x16xi32>
      tpu.vector_store %arg7[%swap3A_265, %swap3A_266], %swap3A_269 {strides = array<i32>} : memref<7x128xi32, #tpu.memory_space<vmem>>, vector<1x16xi32>,
      %broadcast_in_dim3A_270 = arith.constant 1.000000e+00 : f32
      %broadcast_in_dim3A_271 = vector.broadcast %broadcast_in_dim3A_270 : f32 to vector<16xf32>
      %swap3A_272 = arith.constant 1 : i32
      %swap3A_273 = arith.index_cast %swap3A_272 : i32 to index
      %swap3A_274 = arith.constant 32 : index
      %swap3A_275 = tpu.vector_load %arg8[%swap3A_273, %swap3A_274] {strides = array<i32>} : memref<7x128xf32, #tpu.memory_space<vmem>>, vector<1x16xf32>,
      %swap3A_276 = vector.shape_cast %swap3A_275 : vector<1x16xf32> to vector<16xf32>
      %swap3A_277 = vector.shape_cast %broadcast_in_dim3A_271 : vector<16xf32> to vector<1x16xf32>
      tpu.vector_store %arg8[%swap3A_273, %swap3A_274], %swap3A_277 {strides = array<i32>} : memref<7x128xf32, #tpu.memory_space<vmem>>, vector<1x16xf32>,
      %get3A_278 = arith.constant 176 : index
      %get3A_279 = tpu.vector_load %arg5[%get3A_278] {strides = array<i32>} : memref<800xi32, #tpu.memory_space<vmem>>, vector<16xi32>,
      %get3A_280 = vector.shape_cast %get3A_279 : vector<16xi32> to vector<16xi32>
      %get3A_281 = arith.constant 176 : index
      %get3A_282 = tpu.vector_load %arg6[%get3A_281] {strides = array<i32>} : memref<800xi32, #tpu.memory_space<vmem>>, vector<16xi32>,
      %get3A_283 = vector.shape_cast %get3A_282 : vector<16xi32> to vector<16xi32>
      %mul3A_284 = arith.constant 512 : i32
      %mul3A_285 = vector.broadcast %mul3A_284 : i32 to vector<16xi32>
      %mul3A_286 = arith.muli %get3A_283, %mul3A_285 : vector<16xi32>
      %add3A_287 = arith.addi %mul3A_286, %get3A_280 : vector<16xi32>
      %swap3A_288 = arith.constant 1 : i32
      %swap3A_289 = arith.index_cast %swap3A_288 : i32 to index
      %swap3A_290 = arith.constant 48 : index
      %swap3A_291 = tpu.vector_load %arg7[%swap3A_289, %swap3A_290] {strides = array<i32>} : memref<7x128xi32, #tpu.memory_space<vmem>>, vector<1x16xi32>,
      %swap3A_292 = vector.shape_cast %swap3A_291 : vector<1x16xi32> to vector<16xi32>
      %swap3A_293 = vector.shape_cast %add3A_287 : vector<16xi32> to vector<1x16xi32>
      tpu.vector_store %arg7[%swap3A_289, %swap3A_290], %swap3A_293 {strides = array<i32>} : memref<7x128xi32, #tpu.memory_space<vmem>>, vector<1x16xi32>,
      %broadcast_in_dim3A_294 = arith.constant 1.000000e+00 : f32
      %broadcast_in_dim3A_295 = vector.broadcast %broadcast_in_dim3A_294 : f32 to vector<16xf32>
      %swap3A_296 = arith.constant 1 : i32
      %swap3A_297 = arith.index_cast %swap3A_296 : i32 to index
      %swap3A_298 = arith.constant 48 : index
      %swap3A_299 = tpu.vector_load %arg8[%swap3A_297, %swap3A_298] {strides = array<i32>} : memref<7x128xf32, #tpu.memory_space<vmem>>, vector<1x16xf32>,
      %swap3A_300 = vector.shape_cast %swap3A_299 : vector<1x16xf32> to vector<16xf32>
      %swap3A_301 = vector.shape_cast %broadcast_in_dim3A_295 : vector<16xf32> to vector<1x16xf32>
      tpu.vector_store %arg8[%swap3A_297, %swap3A_298], %swap3A_301 {strides = array<i32>} : memref<7x128xf32, #tpu.memory_space<vmem>>, vector<1x16xf32>,
      %get3A_302 = arith.constant 192 : index
      %get3A_303 = tpu.vector_load %arg5[%get3A_302] {strides = array<i32>} : memref<800xi32, #tpu.memory_space<vmem>>, vector<16xi32>,
      %get3A_304 = vector.shape_cast %get3A_303 : vector<16xi32> to vector<16xi32>
      %get3A_305 = arith.constant 192 : index
      %get3A_306 = tpu.vector_load %arg6[%get3A_305] {strides = array<i32>} : memref<800xi32, #tpu.memory_space<vmem>>, vector<16xi32>,
      %get3A_307 = vector.shape_cast %get3A_306 : vector<16xi32> to vector<16xi32>
      %mul3A_308 = arith.constant 512 : i32
      %mul3A_309 = vector.broadcast %mul3A_308 : i32 to vector<16xi32>
      %mul3A_310 = arith.muli %get3A_307, %mul3A_309 : vector<16xi32>
      %add3A_311 = arith.addi %mul3A_310, %get3A_304 : vector<16xi32>
      %swap3A_312 = arith.constant 1 : i32
      %swap3A_313 = arith.index_cast %swap3A_312 : i32 to index
      %swap3A_314 = arith.constant 64 : index
      %swap3A_315 = tpu.vector_load %arg7[%swap3A_313, %swap3A_314] {strides = array<i32>} : memref<7x128xi32, #tpu.memory_space<vmem>>, vector<1x16xi32>,
      %swap3A_316 = vector.shape_cast %swap3A_315 : vector<1x16xi32> to vector<16xi32>
      %swap3A_317 = vector.shape_cast %add3A_311 : vector<16xi32> to vector<1x16xi32>
      tpu.vector_store %arg7[%swap3A_313, %swap3A_314], %swap3A_317 {strides = array<i32>} : memref<7x128xi32, #tpu.memory_space<vmem>>, vector<1x16xi32>,
      %broadcast_in_dim3A_318 = arith.constant 1.000000e+00 : f32
      %broadcast_in_dim3A_319 = vector.broadcast %broadcast_in_dim3A_318 : f32 to vector<16xf32>
      %swap3A_320 = arith.constant 1 : i32
      %swap3A_321 = arith.index_cast %swap3A_320 : i32 to index
      %swap3A_322 = arith.constant 64 : index
      %swap3A_323 = tpu.vector_load %arg8[%swap3A_321, %swap3A_322] {strides = array<i32>} : memref<7x128xf32, #tpu.memory_space<vmem>>, vector<1x16xf32>,
      %swap3A_324 = vector.shape_cast %swap3A_323 : vector<1x16xf32> to vector<16xf32>
      %swap3A_325 = vector.shape_cast %broadcast_in_dim3A_319 : vector<16xf32> to vector<1x16xf32>
      tpu.vector_store %arg8[%swap3A_321, %swap3A_322], %swap3A_325 {strides = array<i32>} : memref<7x128xf32, #tpu.memory_space<vmem>>, vector<1x16xf32>,
      %get3A_326 = arith.constant 208 : index
      %get3A_327 = tpu.vector_load %arg5[%get3A_326] {strides = array<i32>} : memref<800xi32, #tpu.memory_space<vmem>>, vector<16xi32>,
      %get3A_328 = vector.shape_cast %get3A_327 : vector<16xi32> to vector<16xi32>
      %get3A_329 = arith.constant 208 : index
      %get3A_330 = tpu.vector_load %arg6[%get3A_329] {strides = array<i32>} : memref<800xi32, #tpu.memory_space<vmem>>, vector<16xi32>,
      %get3A_331 = vector.shape_cast %get3A_330 : vector<16xi32> to vector<16xi32>
      %mul3A_332 = arith.constant 512 : i32
      %mul3A_333 = vector.broadcast %mul3A_332 : i32 to vector<16xi32>
      %mul3A_334 = arith.muli %get3A_331, %mul3A_333 : vector<16xi32>
      %add3A_335 = arith.addi %mul3A_334, %get3A_328 : vector<16xi32>
      %swap3A_336 = arith.constant 1 : i32
      %swap3A_337 = arith.index_cast %swap3A_336 : i32 to index
      %swap3A_338 = arith.constant 80 : index
      %swap3A_339 = tpu.vector_load %arg7[%swap3A_337, %swap3A_338] {strides = array<i32>} : memref<7x128xi32, #tpu.memory_space<vmem>>, vector<1x16xi32>,
      %swap3A_340 = vector.shape_cast %swap3A_339 : vector<1x16xi32> to vector<16xi32>
      %swap3A_341 = vector.shape_cast %add3A_335 : vector<16xi32> to vector<1x16xi32>
      tpu.vector_store %arg7[%swap3A_337, %swap3A_338], %swap3A_341 {strides = array<i32>} : memref<7x128xi32, #tpu.memory_space<vmem>>, vector<1x16xi32>,
      %broadcast_in_dim3A_342 = arith.constant 1.000000e+00 : f32
      %broadcast_in_dim3A_343 = vector.broadcast %broadcast_in_dim3A_342 : f32 to vector<16xf32>
      %swap3A_344 = arith.constant 1 : i32
      %swap3A_345 = arith.index_cast %swap3A_344 : i32 to index
      %swap3A_346 = arith.constant 80 : index
      %swap3A_347 = tpu.vector_load %arg8[%swap3A_345, %swap3A_346] {strides = array<i32>} : memref<7x128xf32, #tpu.memory_space<vmem>>, vector<1x16xf32>,
      %swap3A_348 = vector.shape_cast %swap3A_347 : vector<1x16xf32> to vector<16xf32>
      %swap3A_349 = vector.shape_cast %broadcast_in_dim3A_343 : vector<16xf32> to vector<1x16xf32>
      tpu.vector_store %arg8[%swap3A_345, %swap3A_346], %swap3A_349 {strides = array<i32>} : memref<7x128xf32, #tpu.memory_space<vmem>>, vector<1x16xf32>,
      %get3A_350 = arith.constant 224 : index
      %get3A_351 = tpu.vector_load %arg5[%get3A_350] {strides = array<i32>} : memref<800xi32, #tpu.memory_space<vmem>>, vector<16xi32>,
      %get3A_352 = vector.shape_cast %get3A_351 : vector<16xi32> to vector<16xi32>
      %get3A_353 = arith.constant 224 : index
      %get3A_354 = tpu.vector_load %arg6[%get3A_353] {strides = array<i32>} : memref<800xi32, #tpu.memory_space<vmem>>, vector<16xi32>,
      %get3A_355 = vector.shape_cast %get3A_354 : vector<16xi32> to vector<16xi32>
      %mul3A_356 = arith.constant 512 : i32
      %mul3A_357 = vector.broadcast %mul3A_356 : i32 to vector<16xi32>
      %mul3A_358 = arith.muli %get3A_355, %mul3A_357 : vector<16xi32>
      %add3A_359 = arith.addi %mul3A_358, %get3A_352 : vector<16xi32>
      %swap3A_360 = arith.constant 1 : i32
      %swap3A_361 = arith.index_cast %swap3A_360 : i32 to index
      %swap3A_362 = arith.constant 96 : index
      %swap3A_363 = tpu.vector_load %arg7[%swap3A_361, %swap3A_362] {strides = array<i32>} : memref<7x128xi32, #tpu.memory_space<vmem>>, vector<1x16xi32>,
      %swap3A_364 = vector.shape_cast %swap3A_363 : vector<1x16xi32> to vector<16xi32>
      %swap3A_365 = vector.shape_cast %add3A_359 : vector<16xi32> to vector<1x16xi32>
      tpu.vector_store %arg7[%swap3A_361, %swap3A_362], %swap3A_365 {strides = array<i32>} : memref<7x128xi32, #tpu.memory_space<vmem>>, vector<1x16xi32>,
      %broadcast_in_dim3A_366 = arith.constant 1.000000e+00 : f32
      %broadcast_in_dim3A_367 = vector.broadcast %broadcast_in_dim3A_366 : f32 to vector<16xf32>
      %swap3A_368 = arith.constant 1 : i32
      %swap3A_369 = arith.index_cast %swap3A_368 : i32 to index
      %swap3A_370 = arith.constant 96 : index
      %swap3A_371 = tpu.vector_load %arg8[%swap3A_369, %swap3A_370] {strides = array<i32>} : memref<7x128xf32, #tpu.memory_space<vmem>>, vector<1x16xf32>,
      %swap3A_372 = vector.shape_cast %swap3A_371 : vector<1x16xf32> to vector<16xf32>
      %swap3A_373 = vector.shape_cast %broadcast_in_dim3A_367 : vector<16xf32> to vector<1x16xf32>
      tpu.vector_store %arg8[%swap3A_369, %swap3A_370], %swap3A_373 {strides = array<i32>} : memref<7x128xf32, #tpu.memory_space<vmem>>, vector<1x16xf32>,
      %get3A_374 = arith.constant 240 : index
      %get3A_375 = tpu.vector_load %arg5[%get3A_374] {strides = array<i32>} : memref<800xi32, #tpu.memory_space<vmem>>, vector<16xi32>,
      %get3A_376 = vector.shape_cast %get3A_375 : vector<16xi32> to vector<16xi32>
      %get3A_377 = arith.constant 240 : index
      %get3A_378 = tpu.vector_load %arg6[%get3A_377] {strides = array<i32>} : memref<800xi32, #tpu.memory_space<vmem>>, vector<16xi32>,
      %get3A_379 = vector.shape_cast %get3A_378 : vector<16xi32> to vector<16xi32>
      %mul3A_380 = arith.constant 512 : i32
      %mul3A_381 = vector.broadcast %mul3A_380 : i32 to vector<16xi32>
      %mul3A_382 = arith.muli %get3A_379, %mul3A_381 : vector<16xi32>
      %add3A_383 = arith.addi %mul3A_382, %get3A_376 : vector<16xi32>
      %swap3A_384 = arith.constant 1 : i32
      %swap3A_385 = arith.index_cast %swap3A_384 : i32 to index
      %swap3A_386 = arith.constant 112 : index
      %swap3A_387 = tpu.vector_load %arg7[%swap3A_385, %swap3A_386] {strides = array<i32>} : memref<7x128xi32, #tpu.memory_space<vmem>>, vector<1x16xi32>,
      %swap3A_388 = vector.shape_cast %swap3A_387 : vector<1x16xi32> to vector<16xi32>
      %swap3A_389 = vector.shape_cast %add3A_383 : vector<16xi32> to vector<1x16xi32>
      tpu.vector_store %arg7[%swap3A_385, %swap3A_386], %swap3A_389 {strides = array<i32>} : memref<7x128xi32, #tpu.memory_space<vmem>>, vector<1x16xi32>,
      %broadcast_in_dim3A_390 = arith.constant 1.000000e+00 : f32
      %broadcast_in_dim3A_391 = vector.broadcast %broadcast_in_dim3A_390 : f32 to vector<16xf32>
      %swap3A_392 = arith.constant 1 : i32
      %swap3A_393 = arith.index_cast %swap3A_392 : i32 to index
      %swap3A_394 = arith.constant 112 : index
      %swap3A_395 = tpu.vector_load %arg8[%swap3A_393, %swap3A_394] {strides = array<i32>} : memref<7x128xf32, #tpu.memory_space<vmem>>, vector<1x16xf32>,
      %swap3A_396 = vector.shape_cast %swap3A_395 : vector<1x16xf32> to vector<16xf32>
      %swap3A_397 = vector.shape_cast %broadcast_in_dim3A_391 : vector<16xf32> to vector<1x16xf32>
      tpu.vector_store %arg8[%swap3A_393, %swap3A_394], %swap3A_397 {strides = array<i32>} : memref<7x128xf32, #tpu.memory_space<vmem>>, vector<1x16xf32>,
      %get3A_398 = arith.constant 256 : index
      %get3A_399 = tpu.vector_load %arg5[%get3A_398] {strides = array<i32>} : memref<800xi32, #tpu.memory_space<vmem>>, vector<16xi32>,
      %get3A_400 = vector.shape_cast %get3A_399 : vector<16xi32> to vector<16xi32>
      %get3A_401 = arith.constant 256 : index
      %get3A_402 = tpu.vector_load %arg6[%get3A_401] {strides = array<i32>} : memref<800xi32, #tpu.memory_space<vmem>>, vector<16xi32>,
      %get3A_403 = vector.shape_cast %get3A_402 : vector<16xi32> to vector<16xi32>
      %mul3A_404 = arith.constant 512 : i32
      %mul3A_405 = vector.broadcast %mul3A_404 : i32 to vector<16xi32>
      %mul3A_406 = arith.muli %get3A_403, %mul3A_405 : vector<16xi32>
      %add3A_407 = arith.addi %mul3A_406, %get3A_400 : vector<16xi32>
      %swap3A_408 = arith.constant 2 : i32
      %swap3A_409 = arith.index_cast %swap3A_408 : i32 to index
      %swap3A_410 = arith.constant 0 : index
      %swap3A_411 = tpu.vector_load %arg7[%swap3A_409, %swap3A_410] {strides = array<i32>} : memref<7x128xi32, #tpu.memory_space<vmem>>, vector<1x16xi32>,
      %swap3A_412 = vector.shape_cast %swap3A_411 : vector<1x16xi32> to vector<16xi32>
      %swap3A_413 = vector.shape_cast %add3A_407 : vector<16xi32> to vector<1x16xi32>
      tpu.vector_store %arg7[%swap3A_409, %swap3A_410], %swap3A_413 {strides = array<i32>} : memref<7x128xi32, #tpu.memory_space<vmem>>, vector<1x16xi32>,
      %broadcast_in_dim3A_414 = arith.constant 1.000000e+00 : f32
      %broadcast_in_dim3A_415 = vector.broadcast %broadcast_in_dim3A_414 : f32 to vector<16xf32>
      %swap3A_416 = arith.constant 2 : i32
      %swap3A_417 = arith.index_cast %swap3A_416 : i32 to index
      %swap3A_418 = arith.constant 0 : index
      %swap3A_419 = tpu.vector_load %arg8[%swap3A_417, %swap3A_418] {strides = array<i32>} : memref<7x128xf32, #tpu.memory_space<vmem>>, vector<1x16xf32>,
      %swap3A_420 = vector.shape_cast %swap3A_419 : vector<1x16xf32> to vector<16xf32>
      %swap3A_421 = vector.shape_cast %broadcast_in_dim3A_415 : vector<16xf32> to vector<1x16xf32>
      tpu.vector_store %arg8[%swap3A_417, %swap3A_418], %swap3A_421 {strides = array<i32>} : memref<7x128xf32, #tpu.memory_space<vmem>>, vector<1x16xf32>,
      %get3A_422 = arith.constant 272 : index
      %get3A_423 = tpu.vector_load %arg5[%get3A_422] {strides = array<i32>} : memref<800xi32, #tpu.memory_space<vmem>>, vector<16xi32>,
      %get3A_424 = vector.shape_cast %get3A_423 : vector<16xi32> to vector<16xi32>
      %get3A_425 = arith.constant 272 : index
      %get3A_426 = tpu.vector_load %arg6[%get3A_425] {strides = array<i32>} : memref<800xi32, #tpu.memory_space<vmem>>, vector<16xi32>,
      %get3A_427 = vector.shape_cast %get3A_426 : vector<16xi32> to vector<16xi32>
      %mul3A_428 = arith.constant 512 : i32
      %mul3A_429 = vector.broadcast %mul3A_428 : i32 to vector<16xi32>
      %mul3A_430 = arith.muli %get3A_427, %mul3A_429 : vector<16xi32>
      %add3A_431 = arith.addi %mul3A_430, %get3A_424 : vector<16xi32>
      %swap3A_432 = arith.constant 2 : i32
      %swap3A_433 = arith.index_cast %swap3A_432 : i32 to index
      %swap3A_434 = arith.constant 16 : index
      %swap3A_435 = tpu.vector_load %arg7[%swap3A_433, %swap3A_434] {strides = array<i32>} : memref<7x128xi32, #tpu.memory_space<vmem>>, vector<1x16xi32>,
      %swap3A_436 = vector.shape_cast %swap3A_435 : vector<1x16xi32> to vector<16xi32>
      %swap3A_437 = vector.shape_cast %add3A_431 : vector<16xi32> to vector<1x16xi32>
      tpu.vector_store %arg7[%swap3A_433, %swap3A_434], %swap3A_437 {strides = array<i32>} : memref<7x128xi32, #tpu.memory_space<vmem>>, vector<1x16xi32>,
      %broadcast_in_dim3A_438 = arith.constant 1.000000e+00 : f32
      %broadcast_in_dim3A_439 = vector.broadcast %broadcast_in_dim3A_438 : f32 to vector<16xf32>
      %swap3A_440 = arith.constant 2 : i32
      %swap3A_441 = arith.index_cast %swap3A_440 : i32 to index
      %swap3A_442 = arith.constant 16 : index
      %swap3A_443 = tpu.vector_load %arg8[%swap3A_441, %swap3A_442] {strides = array<i32>} : memref<7x128xf32, #tpu.memory_space<vmem>>, vector<1x16xf32>,
      %swap3A_444 = vector.shape_cast %swap3A_443 : vector<1x16xf32> to vector<16xf32>
      %swap3A_445 = vector.shape_cast %broadcast_in_dim3A_439 : vector<16xf32> to vector<1x16xf32>
      tpu.vector_store %arg8[%swap3A_441, %swap3A_442], %swap3A_445 {strides = array<i32>} : memref<7x128xf32, #tpu.memory_space<vmem>>, vector<1x16xf32>,
      %get3A_446 = arith.constant 288 : index
      %get3A_447 = tpu.vector_load %arg5[%get3A_446] {strides = array<i32>} : memref<800xi32, #tpu.memory_space<vmem>>, vector<16xi32>,
      %get3A_448 = vector.shape_cast %get3A_447 : vector<16xi32> to vector<16xi32>
      %get3A_449 = arith.constant 288 : index
      %get3A_450 = tpu.vector_load %arg6[%get3A_449] {strides = array<i32>} : memref<800xi32, #tpu.memory_space<vmem>>, vector<16xi32>,
      %get3A_451 = vector.shape_cast %get3A_450 : vector<16xi32> to vector<16xi32>
      %mul3A_452 = arith.constant 512 : i32
      %mul3A_453 = vector.broadcast %mul3A_452 : i32 to vector<16xi32>
      %mul3A_454 = arith.muli %get3A_451, %mul3A_453 : vector<16xi32>
      %add3A_455 = arith.addi %mul3A_454, %get3A_448 : vector<16xi32>
      %swap3A_456 = arith.constant 2 : i32
      %swap3A_457 = arith.index_cast %swap3A_456 : i32 to index
      %swap3A_458 = arith.constant 32 : index
      %swap3A_459 = tpu.vector_load %arg7[%swap3A_457, %swap3A_458] {strides = array<i32>} : memref<7x128xi32, #tpu.memory_space<vmem>>, vector<1x16xi32>,
      %swap3A_460 = vector.shape_cast %swap3A_459 : vector<1x16xi32> to vector<16xi32>
      %swap3A_461 = vector.shape_cast %add3A_455 : vector<16xi32> to vector<1x16xi32>
      tpu.vector_store %arg7[%swap3A_457, %swap3A_458], %swap3A_461 {strides = array<i32>} : memref<7x128xi32, #tpu.memory_space<vmem>>, vector<1x16xi32>,
      %broadcast_in_dim3A_462 = arith.constant 1.000000e+00 : f32
      %broadcast_in_dim3A_463 = vector.broadcast %broadcast_in_dim3A_462 : f32 to vector<16xf32>
      %swap3A_464 = arith.constant 2 : i32
      %swap3A_465 = arith.index_cast %swap3A_464 : i32 to index
      %swap3A_466 = arith.constant 32 : index
      %swap3A_467 = tpu.vector_load %arg8[%swap3A_465, %swap3A_466] {strides = array<i32>} : memref<7x128xf32, #tpu.memory_space<vmem>>, vector<1x16xf32>,
      %swap3A_468 = vector.shape_cast %swap3A_467 : vector<1x16xf32> to vector<16xf32>
      %swap3A_469 = vector.shape_cast %broadcast_in_dim3A_463 : vector<16xf32> to vector<1x16xf32>
      tpu.vector_store %arg8[%swap3A_465, %swap3A_466], %swap3A_469 {strides = array<i32>} : memref<7x128xf32, #tpu.memory_space<vmem>>, vector<1x16xf32>,
      %get3A_470 = arith.constant 304 : index
      %get3A_471 = tpu.vector_load %arg5[%get3A_470] {strides = array<i32>} : memref<800xi32, #tpu.memory_space<vmem>>, vector<16xi32>,
      %get3A_472 = vector.shape_cast %get3A_471 : vector<16xi32> to vector<16xi32>
      %get3A_473 = arith.constant 304 : index
      %get3A_474 = tpu.vector_load %arg6[%get3A_473] {strides = array<i32>} : memref<800xi32, #tpu.memory_space<vmem>>, vector<16xi32>,
      %get3A_475 = vector.shape_cast %get3A_474 : vector<16xi32> to vector<16xi32>
      %mul3A_476 = arith.constant 512 : i32
      %mul3A_477 = vector.broadcast %mul3A_476 : i32 to vector<16xi32>
      %mul3A_478 = arith.muli %get3A_475, %mul3A_477 : vector<16xi32>
      %add3A_479 = arith.addi %mul3A_478, %get3A_472 : vector<16xi32>
      %swap3A_480 = arith.constant 2 : i32
      %swap3A_481 = arith.index_cast %swap3A_480 : i32 to index
      %swap3A_482 = arith.constant 48 : index
      %swap3A_483 = tpu.vector_load %arg7[%swap3A_481, %swap3A_482] {strides = array<i32>} : memref<7x128xi32, #tpu.memory_space<vmem>>, vector<1x16xi32>,
      %swap3A_484 = vector.shape_cast %swap3A_483 : vector<1x16xi32> to vector<16xi32>
      %swap3A_485 = vector.shape_cast %add3A_479 : vector<16xi32> to vector<1x16xi32>
      tpu.vector_store %arg7[%swap3A_481, %swap3A_482], %swap3A_485 {strides = array<i32>} : memref<7x128xi32, #tpu.memory_space<vmem>>, vector<1x16xi32>,
      %broadcast_in_dim3A_486 = arith.constant 1.000000e+00 : f32
      %broadcast_in_dim3A_487 = vector.broadcast %broadcast_in_dim3A_486 : f32 to vector<16xf32>
      %swap3A_488 = arith.constant 2 : i32
      %swap3A_489 = arith.index_cast %swap3A_488 : i32 to index
      %swap3A_490 = arith.constant 48 : index
      %swap3A_491 = tpu.vector_load %arg8[%swap3A_489, %swap3A_490] {strides = array<i32>} : memref<7x128xf32, #tpu.memory_space<vmem>>, vector<1x16xf32>,
      %swap3A_492 = vector.shape_cast %swap3A_491 : vector<1x16xf32> to vector<16xf32>
      %swap3A_493 = vector.shape_cast %broadcast_in_dim3A_487 : vector<16xf32> to vector<1x16xf32>
      tpu.vector_store %arg8[%swap3A_489, %swap3A_490], %swap3A_493 {strides = array<i32>} : memref<7x128xf32, #tpu.memory_space<vmem>>, vector<1x16xf32>,
      %get3A_494 = arith.constant 320 : index
      %get3A_495 = tpu.vector_load %arg5[%get3A_494] {strides = array<i32>} : memref<800xi32, #tpu.memory_space<vmem>>, vector<16xi32>,
      %get3A_496 = vector.shape_cast %get3A_495 : vector<16xi32> to vector<16xi32>
      %get3A_497 = arith.constant 320 : index
      %get3A_498 = tpu.vector_load %arg6[%get3A_497] {strides = array<i32>} : memref<800xi32, #tpu.memory_space<vmem>>, vector<16xi32>,
      %get3A_499 = vector.shape_cast %get3A_498 : vector<16xi32> to vector<16xi32>
      %mul3A_500 = arith.constant 512 : i32
      %mul3A_501 = vector.broadcast %mul3A_500 : i32 to vector<16xi32>
      %mul3A_502 = arith.muli %get3A_499, %mul3A_501 : vector<16xi32>
      %add3A_503 = arith.addi %mul3A_502, %get3A_496 : vector<16xi32>
      %swap3A_504 = arith.constant 2 : i32
      %swap3A_505 = arith.index_cast %swap3A_504 : i32 to index
      %swap3A_506 = arith.constant 64 : index
      %swap3A_507 = tpu.vector_load %arg7[%swap3A_505, %swap3A_506] {strides = array<i32>} : memref<7x128xi32, #tpu.memory_space<vmem>>, vector<1x16xi32>,
      %swap3A_508 = vector.shape_cast %swap3A_507 : vector<1x16xi32> to vector<16xi32>
      %swap3A_509 = vector.shape_cast %add3A_503 : vector<16xi32> to vector<1x16xi32>
      tpu.vector_store %arg7[%swap3A_505, %swap3A_506], %swap3A_509 {strides = array<i32>} : memref<7x128xi32, #tpu.memory_space<vmem>>, vector<1x16xi32>,
      %broadcast_in_dim3A_510 = arith.constant 1.000000e+00 : f32
      %broadcast_in_dim3A_511 = vector.broadcast %broadcast_in_dim3A_510 : f32 to vector<16xf32>
      %swap3A_512 = arith.constant 2 : i32
      %swap3A_513 = arith.index_cast %swap3A_512 : i32 to index
      %swap3A_514 = arith.constant 64 : index
      %swap3A_515 = tpu.vector_load %arg8[%swap3A_513, %swap3A_514] {strides = array<i32>} : memref<7x128xf32, #tpu.memory_space<vmem>>, vector<1x16xf32>,
      %swap3A_516 = vector.shape_cast %swap3A_515 : vector<1x16xf32> to vector<16xf32>
      %swap3A_517 = vector.shape_cast %broadcast_in_dim3A_511 : vector<16xf32> to vector<1x16xf32>
      tpu.vector_store %arg8[%swap3A_513, %swap3A_514], %swap3A_517 {strides = array<i32>} : memref<7x128xf32, #tpu.memory_space<vmem>>, vector<1x16xf32>,
      %get3A_518 = arith.constant 336 : index
      %get3A_519 = tpu.vector_load %arg5[%get3A_518] {strides = array<i32>} : memref<800xi32, #tpu.memory_space<vmem>>, vector<16xi32>,
      %get3A_520 = vector.shape_cast %get3A_519 : vector<16xi32> to vector<16xi32>
      %get3A_521 = arith.constant 336 : index
      %get3A_522 = tpu.vector_load %arg6[%get3A_521] {strides = array<i32>} : memref<800xi32, #tpu.memory_space<vmem>>, vector<16xi32>,
      %get3A_523 = vector.shape_cast %get3A_522 : vector<16xi32> to vector<16xi32>
      %mul3A_524 = arith.constant 512 : i32
      %mul3A_525 = vector.broadcast %mul3A_524 : i32 to vector<16xi32>
      %mul3A_526 = arith.muli %get3A_523, %mul3A_525 : vector<16xi32>
      %add3A_527 = arith.addi %mul3A_526, %get3A_520 : vector<16xi32>
      %swap3A_528 = arith.constant 2 : i32
      %swap3A_529 = arith.index_cast %swap3A_528 : i32 to index
      %swap3A_530 = arith.constant 80 : index
      %swap3A_531 = tpu.vector_load %arg7[%swap3A_529, %swap3A_530] {strides = array<i32>} : memref<7x128xi32, #tpu.memory_space<vmem>>, vector<1x16xi32>,
      %swap3A_532 = vector.shape_cast %swap3A_531 : vector<1x16xi32> to vector<16xi32>
      %swap3A_533 = vector.shape_cast %add3A_527 : vector<16xi32> to vector<1x16xi32>
      tpu.vector_store %arg7[%swap3A_529, %swap3A_530], %swap3A_533 {strides = array<i32>} : memref<7x128xi32, #tpu.memory_space<vmem>>, vector<1x16xi32>,
      %broadcast_in_dim3A_534 = arith.constant 1.000000e+00 : f32
      %broadcast_in_dim3A_535 = vector.broadcast %broadcast_in_dim3A_534 : f32 to vector<16xf32>
      %swap3A_536 = arith.constant 2 : i32
      %swap3A_537 = arith.index_cast %swap3A_536 : i32 to index
      %swap3A_538 = arith.constant 80 : index
      %swap3A_539 = tpu.vector_load %arg8[%swap3A_537, %swap3A_538] {strides = array<i32>} : memref<7x128xf32, #tpu.memory_space<vmem>>, vector<1x16xf32>,
      %swap3A_540 = vector.shape_cast %swap3A_539 : vector<1x16xf32> to vector<16xf32>
      %swap3A_541 = vector.shape_cast %broadcast_in_dim3A_535 : vector<16xf32> to vector<1x16xf32>
      tpu.vector_store %arg8[%swap3A_537, %swap3A_538], %swap3A_541 {strides = array<i32>} : memref<7x128xf32, #tpu.memory_space<vmem>>, vector<1x16xf32>,
      %get3A_542 = arith.constant 352 : index
      %get3A_543 = tpu.vector_load %arg5[%get3A_542] {strides = array<i32>} : memref<800xi32, #tpu.memory_space<vmem>>, vector<16xi32>,
      %get3A_544 = vector.shape_cast %get3A_543 : vector<16xi32> to vector<16xi32>
      %get3A_545 = arith.constant 352 : index
      %get3A_546 = tpu.vector_load %arg6[%get3A_545] {strides = array<i32>} : memref<800xi32, #tpu.memory_space<vmem>>, vector<16xi32>,
      %get3A_547 = vector.shape_cast %get3A_546 : vector<16xi32> to vector<16xi32>
      %mul3A_548 = arith.constant 512 : i32
      %mul3A_549 = vector.broadcast %mul3A_548 : i32 to vector<16xi32>
      %mul3A_550 = arith.muli %get3A_547, %mul3A_549 : vector<16xi32>
      %add3A_551 = arith.addi %mul3A_550, %get3A_544 : vector<16xi32>
      %swap3A_552 = arith.constant 2 : i32
      %swap3A_553 = arith.index_cast %swap3A_552 : i32 to index
      %swap3A_554 = arith.constant 96 : index
      %swap3A_555 = tpu.vector_load %arg7[%swap3A_553, %swap3A_554] {strides = array<i32>} : memref<7x128xi32, #tpu.memory_space<vmem>>, vector<1x16xi32>,
      %swap3A_556 = vector.shape_cast %swap3A_555 : vector<1x16xi32> to vector<16xi32>
      %swap3A_557 = vector.shape_cast %add3A_551 : vector<16xi32> to vector<1x16xi32>
      tpu.vector_store %arg7[%swap3A_553, %swap3A_554], %swap3A_557 {strides = array<i32>} : memref<7x128xi32, #tpu.memory_space<vmem>>, vector<1x16xi32>,
      %broadcast_in_dim3A_558 = arith.constant 1.000000e+00 : f32
      %broadcast_in_dim3A_559 = vector.broadcast %broadcast_in_dim3A_558 : f32 to vector<16xf32>
      %swap3A_560 = arith.constant 2 : i32
      %swap3A_561 = arith.index_cast %swap3A_560 : i32 to index
      %swap3A_562 = arith.constant 96 : index
      %swap3A_563 = tpu.vector_load %arg8[%swap3A_561, %swap3A_562] {strides = array<i32>} : memref<7x128xf32, #tpu.memory_space<vmem>>, vector<1x16xf32>,
      %swap3A_564 = vector.shape_cast %swap3A_563 : vector<1x16xf32> to vector<16xf32>
      %swap3A_565 = vector.shape_cast %broadcast_in_dim3A_559 : vector<16xf32> to vector<1x16xf32>
      tpu.vector_store %arg8[%swap3A_561, %swap3A_562], %swap3A_565 {strides = array<i32>} : memref<7x128xf32, #tpu.memory_space<vmem>>, vector<1x16xf32>,
      %get3A_566 = arith.constant 368 : index
      %get3A_567 = tpu.vector_load %arg5[%get3A_566] {strides = array<i32>} : memref<800xi32, #tpu.memory_space<vmem>>, vector<16xi32>,
      %get3A_568 = vector.shape_cast %get3A_567 : vector<16xi32> to vector<16xi32>
      %get3A_569 = arith.constant 368 : index
      %get3A_570 = tpu.vector_load %arg6[%get3A_569] {strides = array<i32>} : memref<800xi32, #tpu.memory_space<vmem>>, vector<16xi32>,
      %get3A_571 = vector.shape_cast %get3A_570 : vector<16xi32> to vector<16xi32>
      %mul3A_572 = arith.constant 512 : i32
      %mul3A_573 = vector.broadcast %mul3A_572 : i32 to vector<16xi32>
      %mul3A_574 = arith.muli %get3A_571, %mul3A_573 : vector<16xi32>
      %add3A_575 = arith.addi %mul3A_574, %get3A_568 : vector<16xi32>
      %swap3A_576 = arith.constant 2 : i32
      %swap3A_577 = arith.index_cast %swap3A_576 : i32 to index
      %swap3A_578 = arith.constant 112 : index
      %swap3A_579 = tpu.vector_load %arg7[%swap3A_577, %swap3A_578] {strides = array<i32>} : memref<7x128xi32, #tpu.memory_space<vmem>>, vector<1x16xi32>,
      %swap3A_580 = vector.shape_cast %swap3A_579 : vector<1x16xi32> to vector<16xi32>
      %swap3A_581 = vector.shape_cast %add3A_575 : vector<16xi32> to vector<1x16xi32>
      tpu.vector_store %arg7[%swap3A_577, %swap3A_578], %swap3A_581 {strides = array<i32>} : memref<7x128xi32, #tpu.memory_space<vmem>>, vector<1x16xi32>,
      %broadcast_in_dim3A_582 = arith.constant 1.000000e+00 : f32
      %broadcast_in_dim3A_583 = vector.broadcast %broadcast_in_dim3A_582 : f32 to vector<16xf32>
      %swap3A_584 = arith.constant 2 : i32
      %swap3A_585 = arith.index_cast %swap3A_584 : i32 to index
      %swap3A_586 = arith.constant 112 : index
      %swap3A_587 = tpu.vector_load %arg8[%swap3A_585, %swap3A_586] {strides = array<i32>} : memref<7x128xf32, #tpu.memory_space<vmem>>, vector<1x16xf32>,
      %swap3A_588 = vector.shape_cast %swap3A_587 : vector<1x16xf32> to vector<16xf32>
      %swap3A_589 = vector.shape_cast %broadcast_in_dim3A_583 : vector<16xf32> to vector<1x16xf32>
      tpu.vector_store %arg8[%swap3A_585, %swap3A_586], %swap3A_589 {strides = array<i32>} : memref<7x128xf32, #tpu.memory_space<vmem>>, vector<1x16xf32>,
      %get3A_590 = arith.constant 384 : index
      %get3A_591 = tpu.vector_load %arg5[%get3A_590] {strides = array<i32>} : memref<800xi32, #tpu.memory_space<vmem>>, vector<16xi32>,
      %get3A_592 = vector.shape_cast %get3A_591 : vector<16xi32> to vector<16xi32>
      %get3A_593 = arith.constant 384 : index
      %get3A_594 = tpu.vector_load %arg6[%get3A_593] {strides = array<i32>} : memref<800xi32, #tpu.memory_space<vmem>>, vector<16xi32>,
      %get3A_595 = vector.shape_cast %get3A_594 : vector<16xi32> to vector<16xi32>
      %mul3A_596 = arith.constant 512 : i32
      %mul3A_597 = vector.broadcast %mul3A_596 : i32 to vector<16xi32>
      %mul3A_598 = arith.muli %get3A_595, %mul3A_597 : vector<16xi32>
      %add3A_599 = arith.addi %mul3A_598, %get3A_592 : vector<16xi32>
      %swap3A_600 = arith.constant 3 : i32
      %swap3A_601 = arith.index_cast %swap3A_600 : i32 to index
      %swap3A_602 = arith.constant 0 : index
      %swap3A_603 = tpu.vector_load %arg7[%swap3A_601, %swap3A_602] {strides = array<i32>} : memref<7x128xi32, #tpu.memory_space<vmem>>, vector<1x16xi32>,
      %swap3A_604 = vector.shape_cast %swap3A_603 : vector<1x16xi32> to vector<16xi32>
      %swap3A_605 = vector.shape_cast %add3A_599 : vector<16xi32> to vector<1x16xi32>
      tpu.vector_store %arg7[%swap3A_601, %swap3A_602], %swap3A_605 {strides = array<i32>} : memref<7x128xi32, #tpu.memory_space<vmem>>, vector<1x16xi32>,
      %broadcast_in_dim3A_606 = arith.constant 1.000000e+00 : f32
      %broadcast_in_dim3A_607 = vector.broadcast %broadcast_in_dim3A_606 : f32 to vector<16xf32>
      %swap3A_608 = arith.constant 3 : i32
      %swap3A_609 = arith.index_cast %swap3A_608 : i32 to index
      %swap3A_610 = arith.constant 0 : index
      %swap3A_611 = tpu.vector_load %arg8[%swap3A_609, %swap3A_610] {strides = array<i32>} : memref<7x128xf32, #tpu.memory_space<vmem>>, vector<1x16xf32>,
      %swap3A_612 = vector.shape_cast %swap3A_611 : vector<1x16xf32> to vector<16xf32>
      %swap3A_613 = vector.shape_cast %broadcast_in_dim3A_607 : vector<16xf32> to vector<1x16xf32>
      tpu.vector_store %arg8[%swap3A_609, %swap3A_610], %swap3A_613 {strides = array<i32>} : memref<7x128xf32, #tpu.memory_space<vmem>>, vector<1x16xf32>,
      %get3A_614 = arith.constant 400 : index
      %get3A_615 = tpu.vector_load %arg5[%get3A_614] {strides = array<i32>} : memref<800xi32, #tpu.memory_space<vmem>>, vector<16xi32>,
      %get3A_616 = vector.shape_cast %get3A_615 : vector<16xi32> to vector<16xi32>
      %get3A_617 = arith.constant 400 : index
      %get3A_618 = tpu.vector_load %arg6[%get3A_617] {strides = array<i32>} : memref<800xi32, #tpu.memory_space<vmem>>, vector<16xi32>,
      %get3A_619 = vector.shape_cast %get3A_618 : vector<16xi32> to vector<16xi32>
      %mul3A_620 = arith.constant 512 : i32
      %mul3A_621 = vector.broadcast %mul3A_620 : i32 to vector<16xi32>
      %mul3A_622 = arith.muli %get3A_619, %mul3A_621 : vector<16xi32>
      %add3A_623 = arith.addi %mul3A_622, %get3A_616 : vector<16xi32>
      %swap3A_624 = arith.constant 3 : i32
      %swap3A_625 = arith.index_cast %swap3A_624 : i32 to index
      %swap3A_626 = arith.constant 16 : index
      %swap3A_627 = tpu.vector_load %arg7[%swap3A_625, %swap3A_626] {strides = array<i32>} : memref<7x128xi32, #tpu.memory_space<vmem>>, vector<1x16xi32>,
      %swap3A_628 = vector.shape_cast %swap3A_627 : vector<1x16xi32> to vector<16xi32>
      %swap3A_629 = vector.shape_cast %add3A_623 : vector<16xi32> to vector<1x16xi32>
      tpu.vector_store %arg7[%swap3A_625, %swap3A_626], %swap3A_629 {strides = array<i32>} : memref<7x128xi32, #tpu.memory_space<vmem>>, vector<1x16xi32>,
      %broadcast_in_dim3A_630 = arith.constant 1.000000e+00 : f32
      %broadcast_in_dim3A_631 = vector.broadcast %broadcast_in_dim3A_630 : f32 to vector<16xf32>
      %swap3A_632 = arith.constant 3 : i32
      %swap3A_633 = arith.index_cast %swap3A_632 : i32 to index
      %swap3A_634 = arith.constant 16 : index
      %swap3A_635 = tpu.vector_load %arg8[%swap3A_633, %swap3A_634] {strides = array<i32>} : memref<7x128xf32, #tpu.memory_space<vmem>>, vector<1x16xf32>,
      %swap3A_636 = vector.shape_cast %swap3A_635 : vector<1x16xf32> to vector<16xf32>
      %swap3A_637 = vector.shape_cast %broadcast_in_dim3A_631 : vector<16xf32> to vector<1x16xf32>
      tpu.vector_store %arg8[%swap3A_633, %swap3A_634], %swap3A_637 {strides = array<i32>} : memref<7x128xf32, #tpu.memory_space<vmem>>, vector<1x16xf32>,
      %get3A_638 = arith.constant 416 : index
      %get3A_639 = tpu.vector_load %arg5[%get3A_638] {strides = array<i32>} : memref<800xi32, #tpu.memory_space<vmem>>, vector<16xi32>,
      %get3A_640 = vector.shape_cast %get3A_639 : vector<16xi32> to vector<16xi32>
      %get3A_641 = arith.constant 416 : index
      %get3A_642 = tpu.vector_load %arg6[%get3A_641] {strides = array<i32>} : memref<800xi32, #tpu.memory_space<vmem>>, vector<16xi32>,
      %get3A_643 = vector.shape_cast %get3A_642 : vector<16xi32> to vector<16xi32>
      %mul3A_644 = arith.constant 512 : i32
      %mul3A_645 = vector.broadcast %mul3A_644 : i32 to vector<16xi32>
      %mul3A_646 = arith.muli %get3A_643, %mul3A_645 : vector<16xi32>
      %add3A_647 = arith.addi %mul3A_646, %get3A_640 : vector<16xi32>
      %swap3A_648 = arith.constant 3 : i32
      %swap3A_649 = arith.index_cast %swap3A_648 : i32 to index
      %swap3A_650 = arith.constant 32 : index
      %swap3A_651 = tpu.vector_load %arg7[%swap3A_649, %swap3A_650] {strides = array<i32>} : memref<7x128xi32, #tpu.memory_space<vmem>>, vector<1x16xi32>,
      %swap3A_652 = vector.shape_cast %swap3A_651 : vector<1x16xi32> to vector<16xi32>
      %swap3A_653 = vector.shape_cast %add3A_647 : vector<16xi32> to vector<1x16xi32>
      tpu.vector_store %arg7[%swap3A_649, %swap3A_650], %swap3A_653 {strides = array<i32>} : memref<7x128xi32, #tpu.memory_space<vmem>>, vector<1x16xi32>,
      %broadcast_in_dim3A_654 = arith.constant 1.000000e+00 : f32
      %broadcast_in_dim3A_655 = vector.broadcast %broadcast_in_dim3A_654 : f32 to vector<16xf32>
      %swap3A_656 = arith.constant 3 : i32
      %swap3A_657 = arith.index_cast %swap3A_656 : i32 to index
      %swap3A_658 = arith.constant 32 : index
      %swap3A_659 = tpu.vector_load %arg8[%swap3A_657, %swap3A_658] {strides = array<i32>} : memref<7x128xf32, #tpu.memory_space<vmem>>, vector<1x16xf32>,
      %swap3A_660 = vector.shape_cast %swap3A_659 : vector<1x16xf32> to vector<16xf32>
      %swap3A_661 = vector.shape_cast %broadcast_in_dim3A_655 : vector<16xf32> to vector<1x16xf32>
      tpu.vector_store %arg8[%swap3A_657, %swap3A_658], %swap3A_661 {strides = array<i32>} : memref<7x128xf32, #tpu.memory_space<vmem>>, vector<1x16xf32>,
      %get3A_662 = arith.constant 432 : index
      %get3A_663 = tpu.vector_load %arg5[%get3A_662] {strides = array<i32>} : memref<800xi32, #tpu.memory_space<vmem>>, vector<16xi32>,
      %get3A_664 = vector.shape_cast %get3A_663 : vector<16xi32> to vector<16xi32>
      %get3A_665 = arith.constant 432 : index
      %get3A_666 = tpu.vector_load %arg6[%get3A_665] {strides = array<i32>} : memref<800xi32, #tpu.memory_space<vmem>>, vector<16xi32>,
      %get3A_667 = vector.shape_cast %get3A_666 : vector<16xi32> to vector<16xi32>
      %mul3A_668 = arith.constant 512 : i32
      %mul3A_669 = vector.broadcast %mul3A_668 : i32 to vector<16xi32>
      %mul3A_670 = arith.muli %get3A_667, %mul3A_669 : vector<16xi32>
      %add3A_671 = arith.addi %mul3A_670, %get3A_664 : vector<16xi32>
      %swap3A_672 = arith.constant 3 : i32
      %swap3A_673 = arith.index_cast %swap3A_672 : i32 to index
      %swap3A_674 = arith.constant 48 : index
      %swap3A_675 = tpu.vector_load %arg7[%swap3A_673, %swap3A_674] {strides = array<i32>} : memref<7x128xi32, #tpu.memory_space<vmem>>, vector<1x16xi32>,
      %swap3A_676 = vector.shape_cast %swap3A_675 : vector<1x16xi32> to vector<16xi32>
      %swap3A_677 = vector.shape_cast %add3A_671 : vector<16xi32> to vector<1x16xi32>
      tpu.vector_store %arg7[%swap3A_673, %swap3A_674], %swap3A_677 {strides = array<i32>} : memref<7x128xi32, #tpu.memory_space<vmem>>, vector<1x16xi32>,
      %broadcast_in_dim3A_678 = arith.constant 1.000000e+00 : f32
      %broadcast_in_dim3A_679 = vector.broadcast %broadcast_in_dim3A_678 : f32 to vector<16xf32>
      %swap3A_680 = arith.constant 3 : i32
      %swap3A_681 = arith.index_cast %swap3A_680 : i32 to index
      %swap3A_682 = arith.constant 48 : index
      %swap3A_683 = tpu.vector_load %arg8[%swap3A_681, %swap3A_682] {strides = array<i32>} : memref<7x128xf32, #tpu.memory_space<vmem>>, vector<1x16xf32>,
      %swap3A_684 = vector.shape_cast %swap3A_683 : vector<1x16xf32> to vector<16xf32>
      %swap3A_685 = vector.shape_cast %broadcast_in_dim3A_679 : vector<16xf32> to vector<1x16xf32>
      tpu.vector_store %arg8[%swap3A_681, %swap3A_682], %swap3A_685 {strides = array<i32>} : memref<7x128xf32, #tpu.memory_space<vmem>>, vector<1x16xf32>,
      %get3A_686 = arith.constant 448 : index
      %get3A_687 = tpu.vector_load %arg5[%get3A_686] {strides = array<i32>} : memref<800xi32, #tpu.memory_space<vmem>>, vector<16xi32>,
      %get3A_688 = vector.shape_cast %get3A_687 : vector<16xi32> to vector<16xi32>
      %get3A_689 = arith.constant 448 : index
      %get3A_690 = tpu.vector_load %arg6[%get3A_689] {strides = array<i32>} : memref<800xi32, #tpu.memory_space<vmem>>, vector<16xi32>,
      %get3A_691 = vector.shape_cast %get3A_690 : vector<16xi32> to vector<16xi32>
      %mul3A_692 = arith.constant 512 : i32
      %mul3A_693 = vector.broadcast %mul3A_692 : i32 to vector<16xi32>
      %mul3A_694 = arith.muli %get3A_691, %mul3A_693 : vector<16xi32>
      %add3A_695 = arith.addi %mul3A_694, %get3A_688 : vector<16xi32>
      %swap3A_696 = arith.constant 3 : i32
      %swap3A_697 = arith.index_cast %swap3A_696 : i32 to index
      %swap3A_698 = arith.constant 64 : index
      %swap3A_699 = tpu.vector_load %arg7[%swap3A_697, %swap3A_698] {strides = array<i32>} : memref<7x128xi32, #tpu.memory_space<vmem>>, vector<1x16xi32>,
      %swap3A_700 = vector.shape_cast %swap3A_699 : vector<1x16xi32> to vector<16xi32>
      %swap3A_701 = vector.shape_cast %add3A_695 : vector<16xi32> to vector<1x16xi32>
      tpu.vector_store %arg7[%swap3A_697, %swap3A_698], %swap3A_701 {strides = array<i32>} : memref<7x128xi32, #tpu.memory_space<vmem>>, vector<1x16xi32>,
      %broadcast_in_dim3A_702 = arith.constant 1.000000e+00 : f32
      %broadcast_in_dim3A_703 = vector.broadcast %broadcast_in_dim3A_702 : f32 to vector<16xf32>
      %swap3A_704 = arith.constant 3 : i32
      %swap3A_705 = arith.index_cast %swap3A_704 : i32 to index
      %swap3A_706 = arith.constant 64 : index
      %swap3A_707 = tpu.vector_load %arg8[%swap3A_705, %swap3A_706] {strides = array<i32>} : memref<7x128xf32, #tpu.memory_space<vmem>>, vector<1x16xf32>,
      %swap3A_708 = vector.shape_cast %swap3A_707 : vector<1x16xf32> to vector<16xf32>
      %swap3A_709 = vector.shape_cast %broadcast_in_dim3A_703 : vector<16xf32> to vector<1x16xf32>
      tpu.vector_store %arg8[%swap3A_705, %swap3A_706], %swap3A_709 {strides = array<i32>} : memref<7x128xf32, #tpu.memory_space<vmem>>, vector<1x16xf32>,
      %get3A_710 = arith.constant 464 : index
      %get3A_711 = tpu.vector_load %arg5[%get3A_710] {strides = array<i32>} : memref<800xi32, #tpu.memory_space<vmem>>, vector<16xi32>,
      %get3A_712 = vector.shape_cast %get3A_711 : vector<16xi32> to vector<16xi32>
      %get3A_713 = arith.constant 464 : index
      %get3A_714 = tpu.vector_load %arg6[%get3A_713] {strides = array<i32>} : memref<800xi32, #tpu.memory_space<vmem>>, vector<16xi32>,
      %get3A_715 = vector.shape_cast %get3A_714 : vector<16xi32> to vector<16xi32>
      %mul3A_716 = arith.constant 512 : i32
      %mul3A_717 = vector.broadcast %mul3A_716 : i32 to vector<16xi32>
      %mul3A_718 = arith.muli %get3A_715, %mul3A_717 : vector<16xi32>
      %add3A_719 = arith.addi %mul3A_718, %get3A_712 : vector<16xi32>
      %swap3A_720 = arith.constant 3 : i32
      %swap3A_721 = arith.index_cast %swap3A_720 : i32 to index
      %swap3A_722 = arith.constant 80 : index
      %swap3A_723 = tpu.vector_load %arg7[%swap3A_721, %swap3A_722] {strides = array<i32>} : memref<7x128xi32, #tpu.memory_space<vmem>>, vector<1x16xi32>,
      %swap3A_724 = vector.shape_cast %swap3A_723 : vector<1x16xi32> to vector<16xi32>
      %swap3A_725 = vector.shape_cast %add3A_719 : vector<16xi32> to vector<1x16xi32>
      tpu.vector_store %arg7[%swap3A_721, %swap3A_722], %swap3A_725 {strides = array<i32>} : memref<7x128xi32, #tpu.memory_space<vmem>>, vector<1x16xi32>,
      %broadcast_in_dim3A_726 = arith.constant 1.000000e+00 : f32
      %broadcast_in_dim3A_727 = vector.broadcast %broadcast_in_dim3A_726 : f32 to vector<16xf32>
      %swap3A_728 = arith.constant 3 : i32
      %swap3A_729 = arith.index_cast %swap3A_728 : i32 to index
      %swap3A_730 = arith.constant 80 : index
      %swap3A_731 = tpu.vector_load %arg8[%swap3A_729, %swap3A_730] {strides = array<i32>} : memref<7x128xf32, #tpu.memory_space<vmem>>, vector<1x16xf32>,
      %swap3A_732 = vector.shape_cast %swap3A_731 : vector<1x16xf32> to vector<16xf32>
      %swap3A_733 = vector.shape_cast %broadcast_in_dim3A_727 : vector<16xf32> to vector<1x16xf32>
      tpu.vector_store %arg8[%swap3A_729, %swap3A_730], %swap3A_733 {strides = array<i32>} : memref<7x128xf32, #tpu.memory_space<vmem>>, vector<1x16xf32>,
      %get3A_734 = arith.constant 480 : index
      %get3A_735 = tpu.vector_load %arg5[%get3A_734] {strides = array<i32>} : memref<800xi32, #tpu.memory_space<vmem>>, vector<16xi32>,
      %get3A_736 = vector.shape_cast %get3A_735 : vector<16xi32> to vector<16xi32>
      %get3A_737 = arith.constant 480 : index
      %get3A_738 = tpu.vector_load %arg6[%get3A_737] {strides = array<i32>} : memref<800xi32, #tpu.memory_space<vmem>>, vector<16xi32>,
      %get3A_739 = vector.shape_cast %get3A_738 : vector<16xi32> to vector<16xi32>
      %mul3A_740 = arith.constant 512 : i32
      %mul3A_741 = vector.broadcast %mul3A_740 : i32 to vector<16xi32>
      %mul3A_742 = arith.muli %get3A_739, %mul3A_741 : vector<16xi32>
      %add3A_743 = arith.addi %mul3A_742, %get3A_736 : vector<16xi32>
      %swap3A_744 = arith.constant 3 : i32
      %swap3A_745 = arith.index_cast %swap3A_744 : i32 to index
      %swap3A_746 = arith.constant 96 : index
      %swap3A_747 = tpu.vector_load %arg7[%swap3A_745, %swap3A_746] {strides = array<i32>} : memref<7x128xi32, #tpu.memory_space<vmem>>, vector<1x16xi32>,
      %swap3A_748 = vector.shape_cast %swap3A_747 : vector<1x16xi32> to vector<16xi32>
      %swap3A_749 = vector.shape_cast %add3A_743 : vector<16xi32> to vector<1x16xi32>
      tpu.vector_store %arg7[%swap3A_745, %swap3A_746], %swap3A_749 {strides = array<i32>} : memref<7x128xi32, #tpu.memory_space<vmem>>, vector<1x16xi32>,
      %broadcast_in_dim3A_750 = arith.constant 1.000000e+00 : f32
      %broadcast_in_dim3A_751 = vector.broadcast %broadcast_in_dim3A_750 : f32 to vector<16xf32>
      %swap3A_752 = arith.constant 3 : i32
      %swap3A_753 = arith.index_cast %swap3A_752 : i32 to index
      %swap3A_754 = arith.constant 96 : index
      %swap3A_755 = tpu.vector_load %arg8[%swap3A_753, %swap3A_754] {strides = array<i32>} : memref<7x128xf32, #tpu.memory_space<vmem>>, vector<1x16xf32>,
      %swap3A_756 = vector.shape_cast %swap3A_755 : vector<1x16xf32> to vector<16xf32>
      %swap3A_757 = vector.shape_cast %broadcast_in_dim3A_751 : vector<16xf32> to vector<1x16xf32>
      tpu.vector_store %arg8[%swap3A_753, %swap3A_754], %swap3A_757 {strides = array<i32>} : memref<7x128xf32, #tpu.memory_space<vmem>>, vector<1x16xf32>,
      %get3A_758 = arith.constant 496 : index
      %get3A_759 = tpu.vector_load %arg5[%get3A_758] {strides = array<i32>} : memref<800xi32, #tpu.memory_space<vmem>>, vector<16xi32>,
      %get3A_760 = vector.shape_cast %get3A_759 : vector<16xi32> to vector<16xi32>
      %get3A_761 = arith.constant 496 : index
      %get3A_762 = tpu.vector_load %arg6[%get3A_761] {strides = array<i32>} : memref<800xi32, #tpu.memory_space<vmem>>, vector<16xi32>,
      %get3A_763 = vector.shape_cast %get3A_762 : vector<16xi32> to vector<16xi32>
      %mul3A_764 = arith.constant 512 : i32
      %mul3A_765 = vector.broadcast %mul3A_764 : i32 to vector<16xi32>
      %mul3A_766 = arith.muli %get3A_763, %mul3A_765 : vector<16xi32>
      %add3A_767 = arith.addi %mul3A_766, %get3A_760 : vector<16xi32>
      %swap3A_768 = arith.constant 3 : i32
      %swap3A_769 = arith.index_cast %swap3A_768 : i32 to index
      %swap3A_770 = arith.constant 112 : index
      %swap3A_771 = tpu.vector_load %arg7[%swap3A_769, %swap3A_770] {strides = array<i32>} : memref<7x128xi32, #tpu.memory_space<vmem>>, vector<1x16xi32>,
      %swap3A_772 = vector.shape_cast %swap3A_771 : vector<1x16xi32> to vector<16xi32>
      %swap3A_773 = vector.shape_cast %add3A_767 : vector<16xi32> to vector<1x16xi32>
      tpu.vector_store %arg7[%swap3A_769, %swap3A_770], %swap3A_773 {strides = array<i32>} : memref<7x128xi32, #tpu.memory_space<vmem>>, vector<1x16xi32>,
      %broadcast_in_dim3A_774 = arith.constant 1.000000e+00 : f32
      %broadcast_in_dim3A_775 = vector.broadcast %broadcast_in_dim3A_774 : f32 to vector<16xf32>
      %swap3A_776 = arith.constant 3 : i32
      %swap3A_777 = arith.index_cast %swap3A_776 : i32 to index
      %swap3A_778 = arith.constant 112 : index
      %swap3A_779 = tpu.vector_load %arg8[%swap3A_777, %swap3A_778] {strides = array<i32>} : memref<7x128xf32, #tpu.memory_space<vmem>>, vector<1x16xf32>,
      %swap3A_780 = vector.shape_cast %swap3A_779 : vector<1x16xf32> to vector<16xf32>
      %swap3A_781 = vector.shape_cast %broadcast_in_dim3A_775 : vector<16xf32> to vector<1x16xf32>
      tpu.vector_store %arg8[%swap3A_777, %swap3A_778], %swap3A_781 {strides = array<i32>} : memref<7x128xf32, #tpu.memory_space<vmem>>, vector<1x16xf32>,
      %get3A_782 = arith.constant 512 : index
      %get3A_783 = tpu.vector_load %arg5[%get3A_782] {strides = array<i32>} : memref<800xi32, #tpu.memory_space<vmem>>, vector<16xi32>,
      %get3A_784 = vector.shape_cast %get3A_783 : vector<16xi32> to vector<16xi32>
      %get3A_785 = arith.constant 512 : index
      %get3A_786 = tpu.vector_load %arg6[%get3A_785] {strides = array<i32>} : memref<800xi32, #tpu.memory_space<vmem>>, vector<16xi32>,
      %get3A_787 = vector.shape_cast %get3A_786 : vector<16xi32> to vector<16xi32>
      %mul3A_788 = arith.constant 512 : i32
      %mul3A_789 = vector.broadcast %mul3A_788 : i32 to vector<16xi32>
      %mul3A_790 = arith.muli %get3A_787, %mul3A_789 : vector<16xi32>
      %add3A_791 = arith.addi %mul3A_790, %get3A_784 : vector<16xi32>
      %swap3A_792 = arith.constant 4 : i32
      %swap3A_793 = arith.index_cast %swap3A_792 : i32 to index
      %swap3A_794 = arith.constant 0 : index
      %swap3A_795 = tpu.vector_load %arg7[%swap3A_793, %swap3A_794] {strides = array<i32>} : memref<7x128xi32, #tpu.memory_space<vmem>>, vector<1x16xi32>,
      %swap3A_796 = vector.shape_cast %swap3A_795 : vector<1x16xi32> to vector<16xi32>
      %swap3A_797 = vector.shape_cast %add3A_791 : vector<16xi32> to vector<1x16xi32>
      tpu.vector_store %arg7[%swap3A_793, %swap3A_794], %swap3A_797 {strides = array<i32>} : memref<7x128xi32, #tpu.memory_space<vmem>>, vector<1x16xi32>,
      %broadcast_in_dim3A_798 = arith.constant 1.000000e+00 : f32
      %broadcast_in_dim3A_799 = vector.broadcast %broadcast_in_dim3A_798 : f32 to vector<16xf32>
      %swap3A_800 = arith.constant 4 : i32
      %swap3A_801 = arith.index_cast %swap3A_800 : i32 to index
      %swap3A_802 = arith.constant 0 : index
      %swap3A_803 = tpu.vector_load %arg8[%swap3A_801, %swap3A_802] {strides = array<i32>} : memref<7x128xf32, #tpu.memory_space<vmem>>, vector<1x16xf32>,
      %swap3A_804 = vector.shape_cast %swap3A_803 : vector<1x16xf32> to vector<16xf32>
      %swap3A_805 = vector.shape_cast %broadcast_in_dim3A_799 : vector<16xf32> to vector<1x16xf32>
      tpu.vector_store %arg8[%swap3A_801, %swap3A_802], %swap3A_805 {strides = array<i32>} : memref<7x128xf32, #tpu.memory_space<vmem>>, vector<1x16xf32>,
      %get3A_806 = arith.constant 528 : index
      %get3A_807 = tpu.vector_load %arg5[%get3A_806] {strides = array<i32>} : memref<800xi32, #tpu.memory_space<vmem>>, vector<16xi32>,
      %get3A_808 = vector.shape_cast %get3A_807 : vector<16xi32> to vector<16xi32>
      %get3A_809 = arith.constant 528 : index
      %get3A_810 = tpu.vector_load %arg6[%get3A_809] {strides = array<i32>} : memref<800xi32, #tpu.memory_space<vmem>>, vector<16xi32>,
      %get3A_811 = vector.shape_cast %get3A_810 : vector<16xi32> to vector<16xi32>
      %mul3A_812 = arith.constant 512 : i32
      %mul3A_813 = vector.broadcast %mul3A_812 : i32 to vector<16xi32>
      %mul3A_814 = arith.muli %get3A_811, %mul3A_813 : vector<16xi32>
      %add3A_815 = arith.addi %mul3A_814, %get3A_808 : vector<16xi32>
      %swap3A_816 = arith.constant 4 : i32
      %swap3A_817 = arith.index_cast %swap3A_816 : i32 to index
      %swap3A_818 = arith.constant 16 : index
      %swap3A_819 = tpu.vector_load %arg7[%swap3A_817, %swap3A_818] {strides = array<i32>} : memref<7x128xi32, #tpu.memory_space<vmem>>, vector<1x16xi32>,
      %swap3A_820 = vector.shape_cast %swap3A_819 : vector<1x16xi32> to vector<16xi32>
      %swap3A_821 = vector.shape_cast %add3A_815 : vector<16xi32> to vector<1x16xi32>
      tpu.vector_store %arg7[%swap3A_817, %swap3A_818], %swap3A_821 {strides = array<i32>} : memref<7x128xi32, #tpu.memory_space<vmem>>, vector<1x16xi32>,
      %broadcast_in_dim3A_822 = arith.constant 1.000000e+00 : f32
      %broadcast_in_dim3A_823 = vector.broadcast %broadcast_in_dim3A_822 : f32 to vector<16xf32>
      %swap3A_824 = arith.constant 4 : i32
      %swap3A_825 = arith.index_cast %swap3A_824 : i32 to index
      %swap3A_826 = arith.constant 16 : index
      %swap3A_827 = tpu.vector_load %arg8[%swap3A_825, %swap3A_826] {strides = array<i32>} : memref<7x128xf32, #tpu.memory_space<vmem>>, vector<1x16xf32>,
      %swap3A_828 = vector.shape_cast %swap3A_827 : vector<1x16xf32> to vector<16xf32>
      %swap3A_829 = vector.shape_cast %broadcast_in_dim3A_823 : vector<16xf32> to vector<1x16xf32>
      tpu.vector_store %arg8[%swap3A_825, %swap3A_826], %swap3A_829 {strides = array<i32>} : memref<7x128xf32, #tpu.memory_space<vmem>>, vector<1x16xf32>,
      %get3A_830 = arith.constant 544 : index
      %get3A_831 = tpu.vector_load %arg5[%get3A_830] {strides = array<i32>} : memref<800xi32, #tpu.memory_space<vmem>>, vector<16xi32>,
      %get3A_832 = vector.shape_cast %get3A_831 : vector<16xi32> to vector<16xi32>
      %get3A_833 = arith.constant 544 : index
      %get3A_834 = tpu.vector_load %arg6[%get3A_833] {strides = array<i32>} : memref<800xi32, #tpu.memory_space<vmem>>, vector<16xi32>,
      %get3A_835 = vector.shape_cast %get3A_834 : vector<16xi32> to vector<16xi32>
      %mul3A_836 = arith.constant 512 : i32
      %mul3A_837 = vector.broadcast %mul3A_836 : i32 to vector<16xi32>
      %mul3A_838 = arith.muli %get3A_835, %mul3A_837 : vector<16xi32>
      %add3A_839 = arith.addi %mul3A_838, %get3A_832 : vector<16xi32>
      %swap3A_840 = arith.constant 4 : i32
      %swap3A_841 = arith.index_cast %swap3A_840 : i32 to index
      %swap3A_842 = arith.constant 32 : index
      %swap3A_843 = tpu.vector_load %arg7[%swap3A_841, %swap3A_842] {strides = array<i32>} : memref<7x128xi32, #tpu.memory_space<vmem>>, vector<1x16xi32>,
      %swap3A_844 = vector.shape_cast %swap3A_843 : vector<1x16xi32> to vector<16xi32>
      %swap3A_845 = vector.shape_cast %add3A_839 : vector<16xi32> to vector<1x16xi32>
      tpu.vector_store %arg7[%swap3A_841, %swap3A_842], %swap3A_845 {strides = array<i32>} : memref<7x128xi32, #tpu.memory_space<vmem>>, vector<1x16xi32>,
      %broadcast_in_dim3A_846 = arith.constant 1.000000e+00 : f32
      %broadcast_in_dim3A_847 = vector.broadcast %broadcast_in_dim3A_846 : f32 to vector<16xf32>
      %swap3A_848 = arith.constant 4 : i32
      %swap3A_849 = arith.index_cast %swap3A_848 : i32 to index
      %swap3A_850 = arith.constant 32 : index
      %swap3A_851 = tpu.vector_load %arg8[%swap3A_849, %swap3A_850] {strides = array<i32>} : memref<7x128xf32, #tpu.memory_space<vmem>>, vector<1x16xf32>,
      %swap3A_852 = vector.shape_cast %swap3A_851 : vector<1x16xf32> to vector<16xf32>
      %swap3A_853 = vector.shape_cast %broadcast_in_dim3A_847 : vector<16xf32> to vector<1x16xf32>
      tpu.vector_store %arg8[%swap3A_849, %swap3A_850], %swap3A_853 {strides = array<i32>} : memref<7x128xf32, #tpu.memory_space<vmem>>, vector<1x16xf32>,
      %get3A_854 = arith.constant 560 : index
      %get3A_855 = tpu.vector_load %arg5[%get3A_854] {strides = array<i32>} : memref<800xi32, #tpu.memory_space<vmem>>, vector<16xi32>,
      %get3A_856 = vector.shape_cast %get3A_855 : vector<16xi32> to vector<16xi32>
      %get3A_857 = arith.constant 560 : index
      %get3A_858 = tpu.vector_load %arg6[%get3A_857] {strides = array<i32>} : memref<800xi32, #tpu.memory_space<vmem>>, vector<16xi32>,
      %get3A_859 = vector.shape_cast %get3A_858 : vector<16xi32> to vector<16xi32>
      %mul3A_860 = arith.constant 512 : i32
      %mul3A_861 = vector.broadcast %mul3A_860 : i32 to vector<16xi32>
      %mul3A_862 = arith.muli %get3A_859, %mul3A_861 : vector<16xi32>
      %add3A_863 = arith.addi %mul3A_862, %get3A_856 : vector<16xi32>
      %swap3A_864 = arith.constant 4 : i32
      %swap3A_865 = arith.index_cast %swap3A_864 : i32 to index
      %swap3A_866 = arith.constant 48 : index
      %swap3A_867 = tpu.vector_load %arg7[%swap3A_865, %swap3A_866] {strides = array<i32>} : memref<7x128xi32, #tpu.memory_space<vmem>>, vector<1x16xi32>,
      %swap3A_868 = vector.shape_cast %swap3A_867 : vector<1x16xi32> to vector<16xi32>
      %swap3A_869 = vector.shape_cast %add3A_863 : vector<16xi32> to vector<1x16xi32>
      tpu.vector_store %arg7[%swap3A_865, %swap3A_866], %swap3A_869 {strides = array<i32>} : memref<7x128xi32, #tpu.memory_space<vmem>>, vector<1x16xi32>,
      %broadcast_in_dim3A_870 = arith.constant 1.000000e+00 : f32
      %broadcast_in_dim3A_871 = vector.broadcast %broadcast_in_dim3A_870 : f32 to vector<16xf32>
      %swap3A_872 = arith.constant 4 : i32
      %swap3A_873 = arith.index_cast %swap3A_872 : i32 to index
      %swap3A_874 = arith.constant 48 : index
      %swap3A_875 = tpu.vector_load %arg8[%swap3A_873, %swap3A_874] {strides = array<i32>} : memref<7x128xf32, #tpu.memory_space<vmem>>, vector<1x16xf32>,
      %swap3A_876 = vector.shape_cast %swap3A_875 : vector<1x16xf32> to vector<16xf32>
      %swap3A_877 = vector.shape_cast %broadcast_in_dim3A_871 : vector<16xf32> to vector<1x16xf32>
      tpu.vector_store %arg8[%swap3A_873, %swap3A_874], %swap3A_877 {strides = array<i32>} : memref<7x128xf32, #tpu.memory_space<vmem>>, vector<1x16xf32>,
      %get3A_878 = arith.constant 576 : index
      %get3A_879 = tpu.vector_load %arg5[%get3A_878] {strides = array<i32>} : memref<800xi32, #tpu.memory_space<vmem>>, vector<16xi32>,
      %get3A_880 = vector.shape_cast %get3A_879 : vector<16xi32> to vector<16xi32>
      %get3A_881 = arith.constant 576 : index
      %get3A_882 = tpu.vector_load %arg6[%get3A_881] {strides = array<i32>} : memref<800xi32, #tpu.memory_space<vmem>>, vector<16xi32>,
      %get3A_883 = vector.shape_cast %get3A_882 : vector<16xi32> to vector<16xi32>
      %mul3A_884 = arith.constant 512 : i32
      %mul3A_885 = vector.broadcast %mul3A_884 : i32 to vector<16xi32>
      %mul3A_886 = arith.muli %get3A_883, %mul3A_885 : vector<16xi32>
      %add3A_887 = arith.addi %mul3A_886, %get3A_880 : vector<16xi32>
      %swap3A_888 = arith.constant 4 : i32
      %swap3A_889 = arith.index_cast %swap3A_888 : i32 to index
      %swap3A_890 = arith.constant 64 : index
      %swap3A_891 = tpu.vector_load %arg7[%swap3A_889, %swap3A_890] {strides = array<i32>} : memref<7x128xi32, #tpu.memory_space<vmem>>, vector<1x16xi32>,
      %swap3A_892 = vector.shape_cast %swap3A_891 : vector<1x16xi32> to vector<16xi32>
      %swap3A_893 = vector.shape_cast %add3A_887 : vector<16xi32> to vector<1x16xi32>
      tpu.vector_store %arg7[%swap3A_889, %swap3A_890], %swap3A_893 {strides = array<i32>} : memref<7x128xi32, #tpu.memory_space<vmem>>, vector<1x16xi32>,
      %broadcast_in_dim3A_894 = arith.constant 1.000000e+00 : f32
      %broadcast_in_dim3A_895 = vector.broadcast %broadcast_in_dim3A_894 : f32 to vector<16xf32>
      %swap3A_896 = arith.constant 4 : i32
      %swap3A_897 = arith.index_cast %swap3A_896 : i32 to index
      %swap3A_898 = arith.constant 64 : index
      %swap3A_899 = tpu.vector_load %arg8[%swap3A_897, %swap3A_898] {strides = array<i32>} : memref<7x128xf32, #tpu.memory_space<vmem>>, vector<1x16xf32>,
      %swap3A_900 = vector.shape_cast %swap3A_899 : vector<1x16xf32> to vector<16xf32>
      %swap3A_901 = vector.shape_cast %broadcast_in_dim3A_895 : vector<16xf32> to vector<1x16xf32>
      tpu.vector_store %arg8[%swap3A_897, %swap3A_898], %swap3A_901 {strides = array<i32>} : memref<7x128xf32, #tpu.memory_space<vmem>>, vector<1x16xf32>,
      %get3A_902 = arith.constant 592 : index
      %get3A_903 = tpu.vector_load %arg5[%get3A_902] {strides = array<i32>} : memref<800xi32, #tpu.memory_space<vmem>>, vector<16xi32>,
      %get3A_904 = vector.shape_cast %get3A_903 : vector<16xi32> to vector<16xi32>
      %get3A_905 = arith.constant 592 : index
      %get3A_906 = tpu.vector_load %arg6[%get3A_905] {strides = array<i32>} : memref<800xi32, #tpu.memory_space<vmem>>, vector<16xi32>,
      %get3A_907 = vector.shape_cast %get3A_906 : vector<16xi32> to vector<16xi32>
      %mul3A_908 = arith.constant 512 : i32
      %mul3A_909 = vector.broadcast %mul3A_908 : i32 to vector<16xi32>
      %mul3A_910 = arith.muli %get3A_907, %mul3A_909 : vector<16xi32>
      %add3A_911 = arith.addi %mul3A_910, %get3A_904 : vector<16xi32>
      %swap3A_912 = arith.constant 4 : i32
      %swap3A_913 = arith.index_cast %swap3A_912 : i32 to index
      %swap3A_914 = arith.constant 80 : index
      %swap3A_915 = tpu.vector_load %arg7[%swap3A_913, %swap3A_914] {strides = array<i32>} : memref<7x128xi32, #tpu.memory_space<vmem>>, vector<1x16xi32>,
      %swap3A_916 = vector.shape_cast %swap3A_915 : vector<1x16xi32> to vector<16xi32>
      %swap3A_917 = vector.shape_cast %add3A_911 : vector<16xi32> to vector<1x16xi32>
      tpu.vector_store %arg7[%swap3A_913, %swap3A_914], %swap3A_917 {strides = array<i32>} : memref<7x128xi32, #tpu.memory_space<vmem>>, vector<1x16xi32>,
      %broadcast_in_dim3A_918 = arith.constant 1.000000e+00 : f32
      %broadcast_in_dim3A_919 = vector.broadcast %broadcast_in_dim3A_918 : f32 to vector<16xf32>
      %swap3A_920 = arith.constant 4 : i32
      %swap3A_921 = arith.index_cast %swap3A_920 : i32 to index
      %swap3A_922 = arith.constant 80 : index
      %swap3A_923 = tpu.vector_load %arg8[%swap3A_921, %swap3A_922] {strides = array<i32>} : memref<7x128xf32, #tpu.memory_space<vmem>>, vector<1x16xf32>,
      %swap3A_924 = vector.shape_cast %swap3A_923 : vector<1x16xf32> to vector<16xf32>
      %swap3A_925 = vector.shape_cast %broadcast_in_dim3A_919 : vector<16xf32> to vector<1x16xf32>
      tpu.vector_store %arg8[%swap3A_921, %swap3A_922], %swap3A_925 {strides = array<i32>} : memref<7x128xf32, #tpu.memory_space<vmem>>, vector<1x16xf32>,
      %get3A_926 = arith.constant 608 : index
      %get3A_927 = tpu.vector_load %arg5[%get3A_926] {strides = array<i32>} : memref<800xi32, #tpu.memory_space<vmem>>, vector<16xi32>,
      %get3A_928 = vector.shape_cast %get3A_927 : vector<16xi32> to vector<16xi32>
      %get3A_929 = arith.constant 608 : index
      %get3A_930 = tpu.vector_load %arg6[%get3A_929] {strides = array<i32>} : memref<800xi32, #tpu.memory_space<vmem>>, vector<16xi32>,
      %get3A_931 = vector.shape_cast %get3A_930 : vector<16xi32> to vector<16xi32>
      %mul3A_932 = arith.constant 512 : i32
      %mul3A_933 = vector.broadcast %mul3A_932 : i32 to vector<16xi32>
      %mul3A_934 = arith.muli %get3A_931, %mul3A_933 : vector<16xi32>
      %add3A_935 = arith.addi %mul3A_934, %get3A_928 : vector<16xi32>
      %swap3A_936 = arith.constant 4 : i32
      %swap3A_937 = arith.index_cast %swap3A_936 : i32 to index
      %swap3A_938 = arith.constant 96 : index
      %swap3A_939 = tpu.vector_load %arg7[%swap3A_937, %swap3A_938] {strides = array<i32>} : memref<7x128xi32, #tpu.memory_space<vmem>>, vector<1x16xi32>,
      %swap3A_940 = vector.shape_cast %swap3A_939 : vector<1x16xi32> to vector<16xi32>
      %swap3A_941 = vector.shape_cast %add3A_935 : vector<16xi32> to vector<1x16xi32>
      tpu.vector_store %arg7[%swap3A_937, %swap3A_938], %swap3A_941 {strides = array<i32>} : memref<7x128xi32, #tpu.memory_space<vmem>>, vector<1x16xi32>,
      %broadcast_in_dim3A_942 = arith.constant 1.000000e+00 : f32
      %broadcast_in_dim3A_943 = vector.broadcast %broadcast_in_dim3A_942 : f32 to vector<16xf32>
      %swap3A_944 = arith.constant 4 : i32
      %swap3A_945 = arith.index_cast %swap3A_944 : i32 to index
      %swap3A_946 = arith.constant 96 : index
      %swap3A_947 = tpu.vector_load %arg8[%swap3A_945, %swap3A_946] {strides = array<i32>} : memref<7x128xf32, #tpu.memory_space<vmem>>, vector<1x16xf32>,
      %swap3A_948 = vector.shape_cast %swap3A_947 : vector<1x16xf32> to vector<16xf32>
      %swap3A_949 = vector.shape_cast %broadcast_in_dim3A_943 : vector<16xf32> to vector<1x16xf32>
      tpu.vector_store %arg8[%swap3A_945, %swap3A_946], %swap3A_949 {strides = array<i32>} : memref<7x128xf32, #tpu.memory_space<vmem>>, vector<1x16xf32>,
      %get3A_950 = arith.constant 624 : index
      %get3A_951 = tpu.vector_load %arg5[%get3A_950] {strides = array<i32>} : memref<800xi32, #tpu.memory_space<vmem>>, vector<16xi32>,
      %get3A_952 = vector.shape_cast %get3A_951 : vector<16xi32> to vector<16xi32>
      %get3A_953 = arith.constant 624 : index
      %get3A_954 = tpu.vector_load %arg6[%get3A_953] {strides = array<i32>} : memref<800xi32, #tpu.memory_space<vmem>>, vector<16xi32>,
      %get3A_955 = vector.shape_cast %get3A_954 : vector<16xi32> to vector<16xi32>
      %mul3A_956 = arith.constant 512 : i32
      %mul3A_957 = vector.broadcast %mul3A_956 : i32 to vector<16xi32>
      %mul3A_958 = arith.muli %get3A_955, %mul3A_957 : vector<16xi32>
      %add3A_959 = arith.addi %mul3A_958, %get3A_952 : vector<16xi32>
      %swap3A_960 = arith.constant 4 : i32
      %swap3A_961 = arith.index_cast %swap3A_960 : i32 to index
      %swap3A_962 = arith.constant 112 : index
      %swap3A_963 = tpu.vector_load %arg7[%swap3A_961, %swap3A_962] {strides = array<i32>} : memref<7x128xi32, #tpu.memory_space<vmem>>, vector<1x16xi32>,
      %swap3A_964 = vector.shape_cast %swap3A_963 : vector<1x16xi32> to vector<16xi32>
      %swap3A_965 = vector.shape_cast %add3A_959 : vector<16xi32> to vector<1x16xi32>
      tpu.vector_store %arg7[%swap3A_961, %swap3A_962], %swap3A_965 {strides = array<i32>} : memref<7x128xi32, #tpu.memory_space<vmem>>, vector<1x16xi32>,
      %broadcast_in_dim3A_966 = arith.constant 1.000000e+00 : f32
      %broadcast_in_dim3A_967 = vector.broadcast %broadcast_in_dim3A_966 : f32 to vector<16xf32>
      %swap3A_968 = arith.constant 4 : i32
      %swap3A_969 = arith.index_cast %swap3A_968 : i32 to index
      %swap3A_970 = arith.constant 112 : index
      %swap3A_971 = tpu.vector_load %arg8[%swap3A_969, %swap3A_970] {strides = array<i32>} : memref<7x128xf32, #tpu.memory_space<vmem>>, vector<1x16xf32>,
      %swap3A_972 = vector.shape_cast %swap3A_971 : vector<1x16xf32> to vector<16xf32>
      %swap3A_973 = vector.shape_cast %broadcast_in_dim3A_967 : vector<16xf32> to vector<1x16xf32>
      tpu.vector_store %arg8[%swap3A_969, %swap3A_970], %swap3A_973 {strides = array<i32>} : memref<7x128xf32, #tpu.memory_space<vmem>>, vector<1x16xf32>,
      %get3A_974 = arith.constant 640 : index
      %get3A_975 = tpu.vector_load %arg5[%get3A_974] {strides = array<i32>} : memref<800xi32, #tpu.memory_space<vmem>>, vector<16xi32>,
      %get3A_976 = vector.shape_cast %get3A_975 : vector<16xi32> to vector<16xi32>
      %get3A_977 = arith.constant 640 : index
      %get3A_978 = tpu.vector_load %arg6[%get3A_977] {strides = array<i32>} : memref<800xi32, #tpu.memory_space<vmem>>, vector<16xi32>,
      %get3A_979 = vector.shape_cast %get3A_978 : vector<16xi32> to vector<16xi32>
      %mul3A_980 = arith.constant 512 : i32
      %mul3A_981 = vector.broadcast %mul3A_980 : i32 to vector<16xi32>
      %mul3A_982 = arith.muli %get3A_979, %mul3A_981 : vector<16xi32>
      %add3A_983 = arith.addi %mul3A_982, %get3A_976 : vector<16xi32>
      %swap3A_984 = arith.constant 5 : i32
      %swap3A_985 = arith.index_cast %swap3A_984 : i32 to index
      %swap3A_986 = arith.constant 0 : index
      %swap3A_987 = tpu.vector_load %arg7[%swap3A_985, %swap3A_986] {strides = array<i32>} : memref<7x128xi32, #tpu.memory_space<vmem>>, vector<1x16xi32>,
      %swap3A_988 = vector.shape_cast %swap3A_987 : vector<1x16xi32> to vector<16xi32>
      %swap3A_989 = vector.shape_cast %add3A_983 : vector<16xi32> to vector<1x16xi32>
      tpu.vector_store %arg7[%swap3A_985, %swap3A_986], %swap3A_989 {strides = array<i32>} : memref<7x128xi32, #tpu.memory_space<vmem>>, vector<1x16xi32>,
      %broadcast_in_dim3A_990 = arith.constant 1.000000e+00 : f32
      %broadcast_in_dim3A_991 = vector.broadcast %broadcast_in_dim3A_990 : f32 to vector<16xf32>
      %swap3A_992 = arith.constant 5 : i32
      %swap3A_993 = arith.index_cast %swap3A_992 : i32 to index
      %swap3A_994 = arith.constant 0 : index
      %swap3A_995 = tpu.vector_load %arg8[%swap3A_993, %swap3A_994] {strides = array<i32>} : memref<7x128xf32, #tpu.memory_space<vmem>>, vector<1x16xf32>,
      %swap3A_996 = vector.shape_cast %swap3A_995 : vector<1x16xf32> to vector<16xf32>
      %swap3A_997 = vector.shape_cast %broadcast_in_dim3A_991 : vector<16xf32> to vector<1x16xf32>
      tpu.vector_store %arg8[%swap3A_993, %swap3A_994], %swap3A_997 {strides = array<i32>} : memref<7x128xf32, #tpu.memory_space<vmem>>, vector<1x16xf32>,
      %get3A_998 = arith.constant 656 : index
      %get3A_999 = tpu.vector_load %arg5[%get3A_998] {strides = array<i32>} : memref<800xi32, #tpu.memory_space<vmem>>, vector<16xi32>,
      %get3A_1000 = vector.shape_cast %get3A_999 : vector<16xi32> to vector<16xi32>
      %get3A_1001 = arith.constant 656 : index
      %get3A_1002 = tpu.vector_load %arg6[%get3A_1001] {strides = array<i32>} : memref<800xi32, #tpu.memory_space<vmem>>, vector<16xi32>,
      %get3A_1003 = vector.shape_cast %get3A_1002 : vector<16xi32> to vector<16xi32>
      %mul3A_1004 = arith.constant 512 : i32
      %mul3A_1005 = vector.broadcast %mul3A_1004 : i32 to vector<16xi32>
      %mul3A_1006 = arith.muli %get3A_1003, %mul3A_1005 : vector<16xi32>
      %add3A_1007 = arith.addi %mul3A_1006, %get3A_1000 : vector<16xi32>
      %swap3A_1008 = arith.constant 5 : i32
      %swap3A_1009 = arith.index_cast %swap3A_1008 : i32 to index
      %swap3A_1010 = arith.constant 16 : index
      %swap3A_1011 = tpu.vector_load %arg7[%swap3A_1009, %swap3A_1010] {strides = array<i32>} : memref<7x128xi32, #tpu.memory_space<vmem>>, vector<1x16xi32>,
      %swap3A_1012 = vector.shape_cast %swap3A_1011 : vector<1x16xi32> to vector<16xi32>
      %swap3A_1013 = vector.shape_cast %add3A_1007 : vector<16xi32> to vector<1x16xi32>
      tpu.vector_store %arg7[%swap3A_1009, %swap3A_1010], %swap3A_1013 {strides = array<i32>} : memref<7x128xi32, #tpu.memory_space<vmem>>, vector<1x16xi32>,
      %broadcast_in_dim3A_1014 = arith.constant 1.000000e+00 : f32
      %broadcast_in_dim3A_1015 = vector.broadcast %broadcast_in_dim3A_1014 : f32 to vector<16xf32>
      %swap3A_1016 = arith.constant 5 : i32
      %swap3A_1017 = arith.index_cast %swap3A_1016 : i32 to index
      %swap3A_1018 = arith.constant 16 : index
      %swap3A_1019 = tpu.vector_load %arg8[%swap3A_1017, %swap3A_1018] {strides = array<i32>} : memref<7x128xf32, #tpu.memory_space<vmem>>, vector<1x16xf32>,
      %swap3A_1020 = vector.shape_cast %swap3A_1019 : vector<1x16xf32> to vector<16xf32>
      %swap3A_1021 = vector.shape_cast %broadcast_in_dim3A_1015 : vector<16xf32> to vector<1x16xf32>
      tpu.vector_store %arg8[%swap3A_1017, %swap3A_1018], %swap3A_1021 {strides = array<i32>} : memref<7x128xf32, #tpu.memory_space<vmem>>, vector<1x16xf32>,
      %get3A_1022 = arith.constant 672 : index
      %get3A_1023 = tpu.vector_load %arg5[%get3A_1022] {strides = array<i32>} : memref<800xi32, #tpu.memory_space<vmem>>, vector<16xi32>,
      %get3A_1024 = vector.shape_cast %get3A_1023 : vector<16xi32> to vector<16xi32>
      %get3A_1025 = arith.constant 672 : index
      %get3A_1026 = tpu.vector_load %arg6[%get3A_1025] {strides = array<i32>} : memref<800xi32, #tpu.memory_space<vmem>>, vector<16xi32>,
      %get3A_1027 = vector.shape_cast %get3A_1026 : vector<16xi32> to vector<16xi32>
      %mul3A_1028 = arith.constant 512 : i32
      %mul3A_1029 = vector.broadcast %mul3A_1028 : i32 to vector<16xi32>
      %mul3A_1030 = arith.muli %get3A_1027, %mul3A_1029 : vector<16xi32>
      %add3A_1031 = arith.addi %mul3A_1030, %get3A_1024 : vector<16xi32>
      %swap3A_1032 = arith.constant 5 : i32
      %swap3A_1033 = arith.index_cast %swap3A_1032 : i32 to index
      %swap3A_1034 = arith.constant 32 : index
      %swap3A_1035 = tpu.vector_load %arg7[%swap3A_1033, %swap3A_1034] {strides = array<i32>} : memref<7x128xi32, #tpu.memory_space<vmem>>, vector<1x16xi32>,
      %swap3A_1036 = vector.shape_cast %swap3A_1035 : vector<1x16xi32> to vector<16xi32>
      %swap3A_1037 = vector.shape_cast %add3A_1031 : vector<16xi32> to vector<1x16xi32>
      tpu.vector_store %arg7[%swap3A_1033, %swap3A_1034], %swap3A_1037 {strides = array<i32>} : memref<7x128xi32, #tpu.memory_space<vmem>>, vector<1x16xi32>,
      %broadcast_in_dim3A_1038 = arith.constant 1.000000e+00 : f32
      %broadcast_in_dim3A_1039 = vector.broadcast %broadcast_in_dim3A_1038 : f32 to vector<16xf32>
      %swap3A_1040 = arith.constant 5 : i32
      %swap3A_1041 = arith.index_cast %swap3A_1040 : i32 to index
      %swap3A_1042 = arith.constant 32 : index
      %swap3A_1043 = tpu.vector_load %arg8[%swap3A_1041, %swap3A_1042] {strides = array<i32>} : memref<7x128xf32, #tpu.memory_space<vmem>>, vector<1x16xf32>,
      %swap3A_1044 = vector.shape_cast %swap3A_1043 : vector<1x16xf32> to vector<16xf32>
      %swap3A_1045 = vector.shape_cast %broadcast_in_dim3A_1039 : vector<16xf32> to vector<1x16xf32>
      tpu.vector_store %arg8[%swap3A_1041, %swap3A_1042], %swap3A_1045 {strides = array<i32>} : memref<7x128xf32, #tpu.memory_space<vmem>>, vector<1x16xf32>,
      %get3A_1046 = arith.constant 688 : index
      %get3A_1047 = tpu.vector_load %arg5[%get3A_1046] {strides = array<i32>} : memref<800xi32, #tpu.memory_space<vmem>>, vector<16xi32>,
      %get3A_1048 = vector.shape_cast %get3A_1047 : vector<16xi32> to vector<16xi32>
      %get3A_1049 = arith.constant 688 : index
      %get3A_1050 = tpu.vector_load %arg6[%get3A_1049] {strides = array<i32>} : memref<800xi32, #tpu.memory_space<vmem>>, vector<16xi32>,
      %get3A_1051 = vector.shape_cast %get3A_1050 : vector<16xi32> to vector<16xi32>
      %mul3A_1052 = arith.constant 512 : i32
      %mul3A_1053 = vector.broadcast %mul3A_1052 : i32 to vector<16xi32>
      %mul3A_1054 = arith.muli %get3A_1051, %mul3A_1053 : vector<16xi32>
      %add3A_1055 = arith.addi %mul3A_1054, %get3A_1048 : vector<16xi32>
      %swap3A_1056 = arith.constant 5 : i32
      %swap3A_1057 = arith.index_cast %swap3A_1056 : i32 to index
      %swap3A_1058 = arith.constant 48 : index
      %swap3A_1059 = tpu.vector_load %arg7[%swap3A_1057, %swap3A_1058] {strides = array<i32>} : memref<7x128xi32, #tpu.memory_space<vmem>>, vector<1x16xi32>,
      %swap3A_1060 = vector.shape_cast %swap3A_1059 : vector<1x16xi32> to vector<16xi32>
      %swap3A_1061 = vector.shape_cast %add3A_1055 : vector<16xi32> to vector<1x16xi32>
      tpu.vector_store %arg7[%swap3A_1057, %swap3A_1058], %swap3A_1061 {strides = array<i32>} : memref<7x128xi32, #tpu.memory_space<vmem>>, vector<1x16xi32>,
      %broadcast_in_dim3A_1062 = arith.constant 1.000000e+00 : f32
      %broadcast_in_dim3A_1063 = vector.broadcast %broadcast_in_dim3A_1062 : f32 to vector<16xf32>
      %swap3A_1064 = arith.constant 5 : i32
      %swap3A_1065 = arith.index_cast %swap3A_1064 : i32 to index
      %swap3A_1066 = arith.constant 48 : index
      %swap3A_1067 = tpu.vector_load %arg8[%swap3A_1065, %swap3A_1066] {strides = array<i32>} : memref<7x128xf32, #tpu.memory_space<vmem>>, vector<1x16xf32>,
      %swap3A_1068 = vector.shape_cast %swap3A_1067 : vector<1x16xf32> to vector<16xf32>
      %swap3A_1069 = vector.shape_cast %broadcast_in_dim3A_1063 : vector<16xf32> to vector<1x16xf32>
      tpu.vector_store %arg8[%swap3A_1065, %swap3A_1066], %swap3A_1069 {strides = array<i32>} : memref<7x128xf32, #tpu.memory_space<vmem>>, vector<1x16xf32>,
      %get3A_1070 = arith.constant 704 : index
      %get3A_1071 = tpu.vector_load %arg5[%get3A_1070] {strides = array<i32>} : memref<800xi32, #tpu.memory_space<vmem>>, vector<16xi32>,
      %get3A_1072 = vector.shape_cast %get3A_1071 : vector<16xi32> to vector<16xi32>
      %get3A_1073 = arith.constant 704 : index
      %get3A_1074 = tpu.vector_load %arg6[%get3A_1073] {strides = array<i32>} : memref<800xi32, #tpu.memory_space<vmem>>, vector<16xi32>,
      %get3A_1075 = vector.shape_cast %get3A_1074 : vector<16xi32> to vector<16xi32>
      %mul3A_1076 = arith.constant 512 : i32
      %mul3A_1077 = vector.broadcast %mul3A_1076 : i32 to vector<16xi32>
      %mul3A_1078 = arith.muli %get3A_1075, %mul3A_1077 : vector<16xi32>
      %add3A_1079 = arith.addi %mul3A_1078, %get3A_1072 : vector<16xi32>
      %swap3A_1080 = arith.constant 5 : i32
      %swap3A_1081 = arith.index_cast %swap3A_1080 : i32 to index
      %swap3A_1082 = arith.constant 64 : index
      %swap3A_1083 = tpu.vector_load %arg7[%swap3A_1081, %swap3A_1082] {strides = array<i32>} : memref<7x128xi32, #tpu.memory_space<vmem>>, vector<1x16xi32>,
      %swap3A_1084 = vector.shape_cast %swap3A_1083 : vector<1x16xi32> to vector<16xi32>
      %swap3A_1085 = vector.shape_cast %add3A_1079 : vector<16xi32> to vector<1x16xi32>
      tpu.vector_store %arg7[%swap3A_1081, %swap3A_1082], %swap3A_1085 {strides = array<i32>} : memref<7x128xi32, #tpu.memory_space<vmem>>, vector<1x16xi32>,
      %broadcast_in_dim3A_1086 = arith.constant 1.000000e+00 : f32
      %broadcast_in_dim3A_1087 = vector.broadcast %broadcast_in_dim3A_1086 : f32 to vector<16xf32>
      %swap3A_1088 = arith.constant 5 : i32
      %swap3A_1089 = arith.index_cast %swap3A_1088 : i32 to index
      %swap3A_1090 = arith.constant 64 : index
      %swap3A_1091 = tpu.vector_load %arg8[%swap3A_1089, %swap3A_1090] {strides = array<i32>} : memref<7x128xf32, #tpu.memory_space<vmem>>, vector<1x16xf32>,
      %swap3A_1092 = vector.shape_cast %swap3A_1091 : vector<1x16xf32> to vector<16xf32>
      %swap3A_1093 = vector.shape_cast %broadcast_in_dim3A_1087 : vector<16xf32> to vector<1x16xf32>
      tpu.vector_store %arg8[%swap3A_1089, %swap3A_1090], %swap3A_1093 {strides = array<i32>} : memref<7x128xf32, #tpu.memory_space<vmem>>, vector<1x16xf32>,
      %get3A_1094 = arith.constant 720 : index
      %get3A_1095 = tpu.vector_load %arg5[%get3A_1094] {strides = array<i32>} : memref<800xi32, #tpu.memory_space<vmem>>, vector<16xi32>,
      %get3A_1096 = vector.shape_cast %get3A_1095 : vector<16xi32> to vector<16xi32>
      %get3A_1097 = arith.constant 720 : index
      %get3A_1098 = tpu.vector_load %arg6[%get3A_1097] {strides = array<i32>} : memref<800xi32, #tpu.memory_space<vmem>>, vector<16xi32>,
      %get3A_1099 = vector.shape_cast %get3A_1098 : vector<16xi32> to vector<16xi32>
      %mul3A_1100 = arith.constant 512 : i32
      %mul3A_1101 = vector.broadcast %mul3A_1100 : i32 to vector<16xi32>
      %mul3A_1102 = arith.muli %get3A_1099, %mul3A_1101 : vector<16xi32>
      %add3A_1103 = arith.addi %mul3A_1102, %get3A_1096 : vector<16xi32>
      %swap3A_1104 = arith.constant 5 : i32
      %swap3A_1105 = arith.index_cast %swap3A_1104 : i32 to index
      %swap3A_1106 = arith.constant 80 : index
      %swap3A_1107 = tpu.vector_load %arg7[%swap3A_1105, %swap3A_1106] {strides = array<i32>} : memref<7x128xi32, #tpu.memory_space<vmem>>, vector<1x16xi32>,
      %swap3A_1108 = vector.shape_cast %swap3A_1107 : vector<1x16xi32> to vector<16xi32>
      %swap3A_1109 = vector.shape_cast %add3A_1103 : vector<16xi32> to vector<1x16xi32>
      tpu.vector_store %arg7[%swap3A_1105, %swap3A_1106], %swap3A_1109 {strides = array<i32>} : memref<7x128xi32, #tpu.memory_space<vmem>>, vector<1x16xi32>,
      %broadcast_in_dim3A_1110 = arith.constant 1.000000e+00 : f32
      %broadcast_in_dim3A_1111 = vector.broadcast %broadcast_in_dim3A_1110 : f32 to vector<16xf32>
      %swap3A_1112 = arith.constant 5 : i32
      %swap3A_1113 = arith.index_cast %swap3A_1112 : i32 to index
      %swap3A_1114 = arith.constant 80 : index
      %swap3A_1115 = tpu.vector_load %arg8[%swap3A_1113, %swap3A_1114] {strides = array<i32>} : memref<7x128xf32, #tpu.memory_space<vmem>>, vector<1x16xf32>,
      %swap3A_1116 = vector.shape_cast %swap3A_1115 : vector<1x16xf32> to vector<16xf32>
      %swap3A_1117 = vector.shape_cast %broadcast_in_dim3A_1111 : vector<16xf32> to vector<1x16xf32>
      tpu.vector_store %arg8[%swap3A_1113, %swap3A_1114], %swap3A_1117 {strides = array<i32>} : memref<7x128xf32, #tpu.memory_space<vmem>>, vector<1x16xf32>,
      %get3A_1118 = arith.constant 736 : index
      %get3A_1119 = tpu.vector_load %arg5[%get3A_1118] {strides = array<i32>} : memref<800xi32, #tpu.memory_space<vmem>>, vector<16xi32>,
      %get3A_1120 = vector.shape_cast %get3A_1119 : vector<16xi32> to vector<16xi32>
      %get3A_1121 = arith.constant 736 : index
      %get3A_1122 = tpu.vector_load %arg6[%get3A_1121] {strides = array<i32>} : memref<800xi32, #tpu.memory_space<vmem>>, vector<16xi32>,
      %get3A_1123 = vector.shape_cast %get3A_1122 : vector<16xi32> to vector<16xi32>
      %mul3A_1124 = arith.constant 512 : i32
      %mul3A_1125 = vector.broadcast %mul3A_1124 : i32 to vector<16xi32>
      %mul3A_1126 = arith.muli %get3A_1123, %mul3A_1125 : vector<16xi32>
      %add3A_1127 = arith.addi %mul3A_1126, %get3A_1120 : vector<16xi32>
      %swap3A_1128 = arith.constant 5 : i32
      %swap3A_1129 = arith.index_cast %swap3A_1128 : i32 to index
      %swap3A_1130 = arith.constant 96 : index
      %swap3A_1131 = tpu.vector_load %arg7[%swap3A_1129, %swap3A_1130] {strides = array<i32>} : memref<7x128xi32, #tpu.memory_space<vmem>>, vector<1x16xi32>,
      %swap3A_1132 = vector.shape_cast %swap3A_1131 : vector<1x16xi32> to vector<16xi32>
      %swap3A_1133 = vector.shape_cast %add3A_1127 : vector<16xi32> to vector<1x16xi32>
      tpu.vector_store %arg7[%swap3A_1129, %swap3A_1130], %swap3A_1133 {strides = array<i32>} : memref<7x128xi32, #tpu.memory_space<vmem>>, vector<1x16xi32>,
      %broadcast_in_dim3A_1134 = arith.constant 1.000000e+00 : f32
      %broadcast_in_dim3A_1135 = vector.broadcast %broadcast_in_dim3A_1134 : f32 to vector<16xf32>
      %swap3A_1136 = arith.constant 5 : i32
      %swap3A_1137 = arith.index_cast %swap3A_1136 : i32 to index
      %swap3A_1138 = arith.constant 96 : index
      %swap3A_1139 = tpu.vector_load %arg8[%swap3A_1137, %swap3A_1138] {strides = array<i32>} : memref<7x128xf32, #tpu.memory_space<vmem>>, vector<1x16xf32>,
      %swap3A_1140 = vector.shape_cast %swap3A_1139 : vector<1x16xf32> to vector<16xf32>
      %swap3A_1141 = vector.shape_cast %broadcast_in_dim3A_1135 : vector<16xf32> to vector<1x16xf32>
      tpu.vector_store %arg8[%swap3A_1137, %swap3A_1138], %swap3A_1141 {strides = array<i32>} : memref<7x128xf32, #tpu.memory_space<vmem>>, vector<1x16xf32>,
      %get3A_1142 = arith.constant 752 : index
      %get3A_1143 = tpu.vector_load %arg5[%get3A_1142] {strides = array<i32>} : memref<800xi32, #tpu.memory_space<vmem>>, vector<16xi32>,
      %get3A_1144 = vector.shape_cast %get3A_1143 : vector<16xi32> to vector<16xi32>
      %get3A_1145 = arith.constant 752 : index
      %get3A_1146 = tpu.vector_load %arg6[%get3A_1145] {strides = array<i32>} : memref<800xi32, #tpu.memory_space<vmem>>, vector<16xi32>,
      %get3A_1147 = vector.shape_cast %get3A_1146 : vector<16xi32> to vector<16xi32>
      %mul3A_1148 = arith.constant 512 : i32
      %mul3A_1149 = vector.broadcast %mul3A_1148 : i32 to vector<16xi32>
      %mul3A_1150 = arith.muli %get3A_1147, %mul3A_1149 : vector<16xi32>
      %add3A_1151 = arith.addi %mul3A_1150, %get3A_1144 : vector<16xi32>
      %swap3A_1152 = arith.constant 5 : i32
      %swap3A_1153 = arith.index_cast %swap3A_1152 : i32 to index
      %swap3A_1154 = arith.constant 112 : index
      %swap3A_1155 = tpu.vector_load %arg7[%swap3A_1153, %swap3A_1154] {strides = array<i32>} : memref<7x128xi32, #tpu.memory_space<vmem>>, vector<1x16xi32>,
      %swap3A_1156 = vector.shape_cast %swap3A_1155 : vector<1x16xi32> to vector<16xi32>
      %swap3A_1157 = vector.shape_cast %add3A_1151 : vector<16xi32> to vector<1x16xi32>
      tpu.vector_store %arg7[%swap3A_1153, %swap3A_1154], %swap3A_1157 {strides = array<i32>} : memref<7x128xi32, #tpu.memory_space<vmem>>, vector<1x16xi32>,
      %broadcast_in_dim3A_1158 = arith.constant 1.000000e+00 : f32
      %broadcast_in_dim3A_1159 = vector.broadcast %broadcast_in_dim3A_1158 : f32 to vector<16xf32>
      %swap3A_1160 = arith.constant 5 : i32
      %swap3A_1161 = arith.index_cast %swap3A_1160 : i32 to index
      %swap3A_1162 = arith.constant 112 : index
      %swap3A_1163 = tpu.vector_load %arg8[%swap3A_1161, %swap3A_1162] {strides = array<i32>} : memref<7x128xf32, #tpu.memory_space<vmem>>, vector<1x16xf32>,
      %swap3A_1164 = vector.shape_cast %swap3A_1163 : vector<1x16xf32> to vector<16xf32>
      %swap3A_1165 = vector.shape_cast %broadcast_in_dim3A_1159 : vector<16xf32> to vector<1x16xf32>
      tpu.vector_store %arg8[%swap3A_1161, %swap3A_1162], %swap3A_1165 {strides = array<i32>} : memref<7x128xf32, #tpu.memory_space<vmem>>, vector<1x16xf32>,
      %get3A_1166 = arith.constant 768 : index
      %get3A_1167 = tpu.vector_load %arg5[%get3A_1166] {strides = array<i32>} : memref<800xi32, #tpu.memory_space<vmem>>, vector<16xi32>,
      %get3A_1168 = vector.shape_cast %get3A_1167 : vector<16xi32> to vector<16xi32>
      %get3A_1169 = arith.constant 768 : index
      %get3A_1170 = tpu.vector_load %arg6[%get3A_1169] {strides = array<i32>} : memref<800xi32, #tpu.memory_space<vmem>>, vector<16xi32>,
      %get3A_1171 = vector.shape_cast %get3A_1170 : vector<16xi32> to vector<16xi32>
      %mul3A_1172 = arith.constant 512 : i32
      %mul3A_1173 = vector.broadcast %mul3A_1172 : i32 to vector<16xi32>
      %mul3A_1174 = arith.muli %get3A_1171, %mul3A_1173 : vector<16xi32>
      %add3A_1175 = arith.addi %mul3A_1174, %get3A_1168 : vector<16xi32>
      %swap3A_1176 = arith.constant 6 : i32
      %swap3A_1177 = arith.index_cast %swap3A_1176 : i32 to index
      %swap3A_1178 = arith.constant 0 : index
      %swap3A_1179 = tpu.vector_load %arg7[%swap3A_1177, %swap3A_1178] {strides = array<i32>} : memref<7x128xi32, #tpu.memory_space<vmem>>, vector<1x16xi32>,
      %swap3A_1180 = vector.shape_cast %swap3A_1179 : vector<1x16xi32> to vector<16xi32>
      %swap3A_1181 = vector.shape_cast %add3A_1175 : vector<16xi32> to vector<1x16xi32>
      tpu.vector_store %arg7[%swap3A_1177, %swap3A_1178], %swap3A_1181 {strides = array<i32>} : memref<7x128xi32, #tpu.memory_space<vmem>>, vector<1x16xi32>,
      %broadcast_in_dim3A_1182 = arith.constant 1.000000e+00 : f32
      %broadcast_in_dim3A_1183 = vector.broadcast %broadcast_in_dim3A_1182 : f32 to vector<16xf32>
      %swap3A_1184 = arith.constant 6 : i32
      %swap3A_1185 = arith.index_cast %swap3A_1184 : i32 to index
      %swap3A_1186 = arith.constant 0 : index
      %swap3A_1187 = tpu.vector_load %arg8[%swap3A_1185, %swap3A_1186] {strides = array<i32>} : memref<7x128xf32, #tpu.memory_space<vmem>>, vector<1x16xf32>,
      %swap3A_1188 = vector.shape_cast %swap3A_1187 : vector<1x16xf32> to vector<16xf32>
      %swap3A_1189 = vector.shape_cast %broadcast_in_dim3A_1183 : vector<16xf32> to vector<1x16xf32>
      tpu.vector_store %arg8[%swap3A_1185, %swap3A_1186], %swap3A_1189 {strides = array<i32>} : memref<7x128xf32, #tpu.memory_space<vmem>>, vector<1x16xf32>,
      %get3A_1190 = arith.constant 784 : index
      %get3A_1191 = tpu.vector_load %arg5[%get3A_1190] {strides = array<i32>} : memref<800xi32, #tpu.memory_space<vmem>>, vector<16xi32>,
      %get3A_1192 = vector.shape_cast %get3A_1191 : vector<16xi32> to vector<16xi32>
      %get3A_1193 = arith.constant 784 : index
      %get3A_1194 = tpu.vector_load %arg6[%get3A_1193] {strides = array<i32>} : memref<800xi32, #tpu.memory_space<vmem>>, vector<16xi32>,
      %get3A_1195 = vector.shape_cast %get3A_1194 : vector<16xi32> to vector<16xi32>
      %mul3A_1196 = arith.constant 512 : i32
      %mul3A_1197 = vector.broadcast %mul3A_1196 : i32 to vector<16xi32>
      %mul3A_1198 = arith.muli %get3A_1195, %mul3A_1197 : vector<16xi32>
      %add3A_1199 = arith.addi %mul3A_1198, %get3A_1192 : vector<16xi32>
      %swap3A_1200 = arith.constant 6 : i32
      %swap3A_1201 = arith.index_cast %swap3A_1200 : i32 to index
      %swap3A_1202 = arith.constant 16 : index
      %swap3A_1203 = tpu.vector_load %arg7[%swap3A_1201, %swap3A_1202] {strides = array<i32>} : memref<7x128xi32, #tpu.memory_space<vmem>>, vector<1x16xi32>,
      %swap3A_1204 = vector.shape_cast %swap3A_1203 : vector<1x16xi32> to vector<16xi32>
      %swap3A_1205 = vector.shape_cast %add3A_1199 : vector<16xi32> to vector<1x16xi32>
      tpu.vector_store %arg7[%swap3A_1201, %swap3A_1202], %swap3A_1205 {strides = array<i32>} : memref<7x128xi32, #tpu.memory_space<vmem>>, vector<1x16xi32>,
      %broadcast_in_dim3A_1206 = arith.constant 1.000000e+00 : f32
      %broadcast_in_dim3A_1207 = vector.broadcast %broadcast_in_dim3A_1206 : f32 to vector<16xf32>
      %swap3A_1208 = arith.constant 6 : i32
      %swap3A_1209 = arith.index_cast %swap3A_1208 : i32 to index
      %swap3A_1210 = arith.constant 16 : index
      %swap3A_1211 = tpu.vector_load %arg8[%swap3A_1209, %swap3A_1210] {strides = array<i32>} : memref<7x128xf32, #tpu.memory_space<vmem>>, vector<1x16xf32>,
      %swap3A_1212 = vector.shape_cast %swap3A_1211 : vector<1x16xf32> to vector<16xf32>
      %swap3A_1213 = vector.shape_cast %broadcast_in_dim3A_1207 : vector<16xf32> to vector<1x16xf32>
      tpu.vector_store %arg8[%swap3A_1209, %swap3A_1210], %swap3A_1213 {strides = array<i32>} : memref<7x128xf32, #tpu.memory_space<vmem>>, vector<1x16xf32>,
      %broadcast_in_dim3A_1214 = arith.constant 262143 : i32
      %broadcast_in_dim3A_1215 = vector.broadcast %broadcast_in_dim3A_1214 : i32 to vector<16xi32>
      %swap3A_1216 = arith.constant 6 : i32
      %swap3A_1217 = arith.index_cast %swap3A_1216 : i32 to index
      %swap3A_1218 = arith.constant 32 : index
      %swap3A_1219 = tpu.vector_load %arg7[%swap3A_1217, %swap3A_1218] {strides = array<i32>} : memref<7x128xi32, #tpu.memory_space<vmem>>, vector<1x16xi32>,
      %swap3A_1220 = vector.shape_cast %swap3A_1219 : vector<1x16xi32> to vector<16xi32>
      %swap3A_1221 = vector.shape_cast %broadcast_in_dim3A_1215 : vector<16xi32> to vector<1x16xi32>
      tpu.vector_store %arg7[%swap3A_1217, %swap3A_1218], %swap3A_1221 {strides = array<i32>} : memref<7x128xi32, #tpu.memory_space<vmem>>, vector<1x16xi32>,
      %broadcast_in_dim3A_1222 = arith.constant 0.000000e+00 : f32
      %broadcast_in_dim3A_1223 = vector.broadcast %broadcast_in_dim3A_1222 : f32 to vector<16xf32>
      %swap3A_1224 = arith.constant 6 : i32
      %swap3A_1225 = arith.index_cast %swap3A_1224 : i32 to index
      %swap3A_1226 = arith.constant 32 : index
      %swap3A_1227 = tpu.vector_load %arg8[%swap3A_1225, %swap3A_1226] {strides = array<i32>} : memref<7x128xf32, #tpu.memory_space<vmem>>, vector<1x16xf32>,
      %swap3A_1228 = vector.shape_cast %swap3A_1227 : vector<1x16xf32> to vector<16xf32>
      %swap3A_1229 = vector.shape_cast %broadcast_in_dim3A_1223 : vector<16xf32> to vector<1x16xf32>
      tpu.vector_store %arg8[%swap3A_1225, %swap3A_1226], %swap3A_1229 {strides = array<i32>} : memref<7x128xf32, #tpu.memory_space<vmem>>, vector<1x16xf32>,
      %broadcast_in_dim3A_1230 = arith.constant 262143 : i32
      %broadcast_in_dim3A_1231 = vector.broadcast %broadcast_in_dim3A_1230 : i32 to vector<16xi32>
      %swap3A_1232 = arith.constant 6 : i32
      %swap3A_1233 = arith.index_cast %swap3A_1232 : i32 to index
      %swap3A_1234 = arith.constant 48 : index
      %swap3A_1235 = tpu.vector_load %arg7[%swap3A_1233, %swap3A_1234] {strides = array<i32>} : memref<7x128xi32, #tpu.memory_space<vmem>>, vector<1x16xi32>,
      %swap3A_1236 = vector.shape_cast %swap3A_1235 : vector<1x16xi32> to vector<16xi32>
      %swap3A_1237 = vector.shape_cast %broadcast_in_dim3A_1231 : vector<16xi32> to vector<1x16xi32>
      tpu.vector_store %arg7[%swap3A_1233, %swap3A_1234], %swap3A_1237 {strides = array<i32>} : memref<7x128xi32, #tpu.memory_space<vmem>>, vector<1x16xi32>,
      %broadcast_in_dim3A_1238 = arith.constant 0.000000e+00 : f32
      %broadcast_in_dim3A_1239 = vector.broadcast %broadcast_in_dim3A_1238 : f32 to vector<16xf32>
      %swap3A_1240 = arith.constant 6 : i32
      %swap3A_1241 = arith.index_cast %swap3A_1240 : i32 to index
      %swap3A_1242 = arith.constant 48 : index
      %swap3A_1243 = tpu.vector_load %arg8[%swap3A_1241, %swap3A_1242] {strides = array<i32>} : memref<7x128xf32, #tpu.memory_space<vmem>>, vector<1x16xf32>,
      %swap3A_1244 = vector.shape_cast %swap3A_1243 : vector<1x16xf32> to vector<16xf32>
      %swap3A_1245 = vector.shape_cast %broadcast_in_dim3A_1239 : vector<16xf32> to vector<1x16xf32>
      tpu.vector_store %arg8[%swap3A_1241, %swap3A_1242], %swap3A_1245 {strides = array<i32>} : memref<7x128xf32, #tpu.memory_space<vmem>>, vector<1x16xf32>,
      %broadcast_in_dim3A_1246 = arith.constant 262143 : i32
      %broadcast_in_dim3A_1247 = vector.broadcast %broadcast_in_dim3A_1246 : i32 to vector<16xi32>
      %swap3A_1248 = arith.constant 6 : i32
      %swap3A_1249 = arith.index_cast %swap3A_1248 : i32 to index
      %swap3A_1250 = arith.constant 64 : index
      %swap3A_1251 = tpu.vector_load %arg7[%swap3A_1249, %swap3A_1250] {strides = array<i32>} : memref<7x128xi32, #tpu.memory_space<vmem>>, vector<1x16xi32>,
      %swap3A_1252 = vector.shape_cast %swap3A_1251 : vector<1x16xi32> to vector<16xi32>
      %swap3A_1253 = vector.shape_cast %broadcast_in_dim3A_1247 : vector<16xi32> to vector<1x16xi32>
      tpu.vector_store %arg7[%swap3A_1249, %swap3A_1250], %swap3A_1253 {strides = array<i32>} : memref<7x128xi32, #tpu.memory_space<vmem>>, vector<1x16xi32>,
      %broadcast_in_dim3A_1254 = arith.constant 0.000000e+00 : f32
      %broadcast_in_dim3A_1255 = vector.broadcast %broadcast_in_dim3A_1254 : f32 to vector<16xf32>
      %swap3A_1256 = arith.constant 6 : i32
      %swap3A_1257 = arith.index_cast %swap3A_1256 : i32 to index
      %swap3A_1258 = arith.constant 64 : index
      %swap3A_1259 = tpu.vector_load %arg8[%swap3A_1257, %swap3A_1258] {strides = array<i32>} : memref<7x128xf32, #tpu.memory_space<vmem>>, vector<1x16xf32>,
      %swap3A_1260 = vector.shape_cast %swap3A_1259 : vector<1x16xf32> to vector<16xf32>
      %swap3A_1261 = vector.shape_cast %broadcast_in_dim3A_1255 : vector<16xf32> to vector<1x16xf32>
      tpu.vector_store %arg8[%swap3A_1257, %swap3A_1258], %swap3A_1261 {strides = array<i32>} : memref<7x128xf32, #tpu.memory_space<vmem>>, vector<1x16xf32>,
      %broadcast_in_dim3A_1262 = arith.constant 262143 : i32
      %broadcast_in_dim3A_1263 = vector.broadcast %broadcast_in_dim3A_1262 : i32 to vector<16xi32>
      %swap3A_1264 = arith.constant 6 : i32
      %swap3A_1265 = arith.index_cast %swap3A_1264 : i32 to index
      %swap3A_1266 = arith.constant 80 : index
      %swap3A_1267 = tpu.vector_load %arg7[%swap3A_1265, %swap3A_1266] {strides = array<i32>} : memref<7x128xi32, #tpu.memory_space<vmem>>, vector<1x16xi32>,
      %swap3A_1268 = vector.shape_cast %swap3A_1267 : vector<1x16xi32> to vector<16xi32>
      %swap3A_1269 = vector.shape_cast %broadcast_in_dim3A_1263 : vector<16xi32> to vector<1x16xi32>
      tpu.vector_store %arg7[%swap3A_1265, %swap3A_1266], %swap3A_1269 {strides = array<i32>} : memref<7x128xi32, #tpu.memory_space<vmem>>, vector<1x16xi32>,
      %broadcast_in_dim3A_1270 = arith.constant 0.000000e+00 : f32
      %broadcast_in_dim3A_1271 = vector.broadcast %broadcast_in_dim3A_1270 : f32 to vector<16xf32>
      %swap3A_1272 = arith.constant 6 : i32
      %swap3A_1273 = arith.index_cast %swap3A_1272 : i32 to index
      %swap3A_1274 = arith.constant 80 : index
      %swap3A_1275 = tpu.vector_load %arg8[%swap3A_1273, %swap3A_1274] {strides = array<i32>} : memref<7x128xf32, #tpu.memory_space<vmem>>, vector<1x16xf32>,
      %swap3A_1276 = vector.shape_cast %swap3A_1275 : vector<1x16xf32> to vector<16xf32>
      %swap3A_1277 = vector.shape_cast %broadcast_in_dim3A_1271 : vector<16xf32> to vector<1x16xf32>
      tpu.vector_store %arg8[%swap3A_1273, %swap3A_1274], %swap3A_1277 {strides = array<i32>} : memref<7x128xf32, #tpu.memory_space<vmem>>, vector<1x16xf32>,
      %broadcast_in_dim3A_1278 = arith.constant 262143 : i32
      %broadcast_in_dim3A_1279 = vector.broadcast %broadcast_in_dim3A_1278 : i32 to vector<16xi32>
      %swap3A_1280 = arith.constant 6 : i32
      %swap3A_1281 = arith.index_cast %swap3A_1280 : i32 to index
      %swap3A_1282 = arith.constant 96 : index
      %swap3A_1283 = tpu.vector_load %arg7[%swap3A_1281, %swap3A_1282] {strides = array<i32>} : memref<7x128xi32, #tpu.memory_space<vmem>>, vector<1x16xi32>,
      %swap3A_1284 = vector.shape_cast %swap3A_1283 : vector<1x16xi32> to vector<16xi32>
      %swap3A_1285 = vector.shape_cast %broadcast_in_dim3A_1279 : vector<16xi32> to vector<1x16xi32>
      tpu.vector_store %arg7[%swap3A_1281, %swap3A_1282], %swap3A_1285 {strides = array<i32>} : memref<7x128xi32, #tpu.memory_space<vmem>>, vector<1x16xi32>,
      %broadcast_in_dim3A_1286 = arith.constant 0.000000e+00 : f32
      %broadcast_in_dim3A_1287 = vector.broadcast %broadcast_in_dim3A_1286 : f32 to vector<16xf32>
      %swap3A_1288 = arith.constant 6 : i32
      %swap3A_1289 = arith.index_cast %swap3A_1288 : i32 to index
      %swap3A_1290 = arith.constant 96 : index
      %swap3A_1291 = tpu.vector_load %arg8[%swap3A_1289, %swap3A_1290] {strides = array<i32>} : memref<7x128xf32, #tpu.memory_space<vmem>>, vector<1x16xf32>,
      %swap3A_1292 = vector.shape_cast %swap3A_1291 : vector<1x16xf32> to vector<16xf32>
      %swap3A_1293 = vector.shape_cast %broadcast_in_dim3A_1287 : vector<16xf32> to vector<1x16xf32>
      tpu.vector_store %arg8[%swap3A_1289, %swap3A_1290], %swap3A_1293 {strides = array<i32>} : memref<7x128xf32, #tpu.memory_space<vmem>>, vector<1x16xf32>,
      %broadcast_in_dim3A_1294 = arith.constant 262143 : i32
      %broadcast_in_dim3A_1295 = vector.broadcast %broadcast_in_dim3A_1294 : i32 to vector<16xi32>
      %swap3A_1296 = arith.constant 6 : i32
      %swap3A_1297 = arith.index_cast %swap3A_1296 : i32 to index
      %swap3A_1298 = arith.constant 112 : index
      %swap3A_1299 = tpu.vector_load %arg7[%swap3A_1297, %swap3A_1298] {strides = array<i32>} : memref<7x128xi32, #tpu.memory_space<vmem>>, vector<1x16xi32>,
      %swap3A_1300 = vector.shape_cast %swap3A_1299 : vector<1x16xi32> to vector<16xi32>
      %swap3A_1301 = vector.shape_cast %broadcast_in_dim3A_1295 : vector<16xi32> to vector<1x16xi32>
      tpu.vector_store %arg7[%swap3A_1297, %swap3A_1298], %swap3A_1301 {strides = array<i32>} : memref<7x128xi32, #tpu.memory_space<vmem>>, vector<1x16xi32>,
      %broadcast_in_dim3A_1302 = arith.constant 0.000000e+00 : f32
      %broadcast_in_dim3A_1303 = vector.broadcast %broadcast_in_dim3A_1302 : f32 to vector<16xf32>
      %swap3A_1304 = arith.constant 6 : i32
      %swap3A_1305 = arith.index_cast %swap3A_1304 : i32 to index
      %swap3A_1306 = arith.constant 112 : index
      %swap3A_1307 = tpu.vector_load %arg8[%swap3A_1305, %swap3A_1306] {strides = array<i32>} : memref<7x128xf32, #tpu.memory_space<vmem>>, vector<1x16xf32>,
      %swap3A_1308 = vector.shape_cast %swap3A_1307 : vector<1x16xf32> to vector<16xf32>
      %swap3A_1309 = vector.shape_cast %broadcast_in_dim3A_1303 : vector<16xf32> to vector<1x16xf32>
      tpu.vector_store %arg8[%swap3A_1305, %swap3A_1306], %swap3A_1309 {strides = array<i32>} : memref<7x128xf32, #tpu.memory_space<vmem>>, vector<1x16xf32>,
      %run_scoped3A = arith.constant 0 : i32
      %run_scoped3A_1310 = arith.constant 0 : i32
      "tpu.region"() ({
        %run_scoped3A_1323 = tpu.sem_alloc : memref<!tpu.dma_semaphore, #tpu.memory_space<semaphore_mem>>
        %dma_start3A = arith.constant 0 : i32
        %dma_start3A_1324 = tpu.memref_slice %arg8[%run_scoped3A, %dma_start3A] : memref<7x128xf32, #tpu.memory_space<vmem>> -> memref<1x128xf32, #tpu.memory_space<vmem>>
        %dma_start3A_1325 = tpu.memref_squeeze %dma_start3A_1324 : memref<1x128xf32, #tpu.memory_space<vmem>> -> memref<128xf32, #tpu.memory_space<vmem>>
        %dma_start3A_1326 = arith.constant 0 : i32
        %dma_start3A_1327 = tpu.memref_slice %arg7[%run_scoped3A_1310, %dma_start3A_1326] : memref<7x128xi32, #tpu.memory_space<vmem>> -> memref<1x128xi32, #tpu.memory_space<vmem>>
        %dma_start3A_1328 = tpu.memref_squeeze %dma_start3A_1327 : memref<1x128xi32, #tpu.memory_space<vmem>> -> memref<128xi32, #tpu.memory_space<vmem>>
        %dma_start3A_1329 = arith.constant 0 : i32
        %dma_start3A_1330 = tpu.memref_slice %arg9[%dma_start3A_1329] : memref<262144xf32, #tpu.memory_space<vmem_shared>> -> memref<262144xf32, #tpu.memory_space<vmem_shared>>
        tpu.enqueue_indirect_dma source(%dma_start3A_1325 : memref<128xf32, #tpu.memory_space<vmem>>) target(%dma_start3A_1330 : memref<262144xf32, #tpu.memory_space<vmem_shared>>) offsets(%dma_start3A_1328 : memref<128xi32, #tpu.memory_space<vmem>>) semaphore(%run_scoped3A_1323 : memref<!tpu.dma_semaphore, #tpu.memory_space<semaphore_mem>>) {add = true}
        %dma_wait3A = arith.constant 0 : i32
        %dma_wait3A_1331 = tpu.memref_slice %arg8[%run_scoped3A, %dma_wait3A] : memref<7x128xf32, #tpu.memory_space<vmem>> -> memref<1x128xf32, #tpu.memory_space<vmem>>
        %dma_wait3A_1332 = tpu.memref_squeeze %dma_wait3A_1331 : memref<1x128xf32, #tpu.memory_space<vmem>> -> memref<128xf32, #tpu.memory_space<vmem>>
        %dma_wait3A_1333 = arith.constant 0 : i32
        %dma_wait3A_1334 = tpu.memref_slice %arg7[%run_scoped3A_1310, %dma_wait3A_1333] : memref<7x128xi32, #tpu.memory_space<vmem>> -> memref<1x128xi32, #tpu.memory_space<vmem>>
        %dma_wait3A_1335 = tpu.memref_squeeze %dma_wait3A_1334 : memref<1x128xi32, #tpu.memory_space<vmem>> -> memref<128xi32, #tpu.memory_space<vmem>>
        %dma_wait3A_1336 = arith.constant 0 : i32
        %dma_wait3A_1337 = tpu.memref_slice %arg9[%dma_wait3A_1336] : memref<262144xf32, #tpu.memory_space<vmem_shared>> -> memref<262144xf32, #tpu.memory_space<vmem_shared>>
        tpu.wait_indirect_dma semaphore(%run_scoped3A_1323 : memref<!tpu.dma_semaphore, #tpu.memory_space<semaphore_mem>>) src(%dma_wait3A_1332 : memref<128xf32, #tpu.memory_space<vmem>>) dst(%dma_wait3A_1337 : memref<262144xf32, #tpu.memory_space<vmem_shared>>)
        tpu.yield
      }) : () -> ()
      %run_scoped3A_1311 = arith.constant 1 : i32
      %run_scoped3A_1312 = arith.constant 1 : i32
      "tpu.region"() ({
        %run_scoped3A_1323 = tpu.sem_alloc : memref<!tpu.dma_semaphore, #tpu.memory_space<semaphore_mem>>
        %dma_start3A = arith.constant 0 : i32
        %dma_start3A_1324 = tpu.memref_slice %arg8[%run_scoped3A_1311, %dma_start3A] : memref<7x128xf32, #tpu.memory_space<vmem>> -> memref<1x128xf32, #tpu.memory_space<vmem>>
        %dma_start3A_1325 = tpu.memref_squeeze %dma_start3A_1324 : memref<1x128xf32, #tpu.memory_space<vmem>> -> memref<128xf32, #tpu.memory_space<vmem>>
        %dma_start3A_1326 = arith.constant 0 : i32
        %dma_start3A_1327 = tpu.memref_slice %arg7[%run_scoped3A_1312, %dma_start3A_1326] : memref<7x128xi32, #tpu.memory_space<vmem>> -> memref<1x128xi32, #tpu.memory_space<vmem>>
        %dma_start3A_1328 = tpu.memref_squeeze %dma_start3A_1327 : memref<1x128xi32, #tpu.memory_space<vmem>> -> memref<128xi32, #tpu.memory_space<vmem>>
        %dma_start3A_1329 = arith.constant 0 : i32
        %dma_start3A_1330 = tpu.memref_slice %arg9[%dma_start3A_1329] : memref<262144xf32, #tpu.memory_space<vmem_shared>> -> memref<262144xf32, #tpu.memory_space<vmem_shared>>
        tpu.enqueue_indirect_dma source(%dma_start3A_1325 : memref<128xf32, #tpu.memory_space<vmem>>) target(%dma_start3A_1330 : memref<262144xf32, #tpu.memory_space<vmem_shared>>) offsets(%dma_start3A_1328 : memref<128xi32, #tpu.memory_space<vmem>>) semaphore(%run_scoped3A_1323 : memref<!tpu.dma_semaphore, #tpu.memory_space<semaphore_mem>>) {add = true}
        %dma_wait3A = arith.constant 0 : i32
        %dma_wait3A_1331 = tpu.memref_slice %arg8[%run_scoped3A_1311, %dma_wait3A] : memref<7x128xf32, #tpu.memory_space<vmem>> -> memref<1x128xf32, #tpu.memory_space<vmem>>
        %dma_wait3A_1332 = tpu.memref_squeeze %dma_wait3A_1331 : memref<1x128xf32, #tpu.memory_space<vmem>> -> memref<128xf32, #tpu.memory_space<vmem>>
        %dma_wait3A_1333 = arith.constant 0 : i32
        %dma_wait3A_1334 = tpu.memref_slice %arg7[%run_scoped3A_1312, %dma_wait3A_1333] : memref<7x128xi32, #tpu.memory_space<vmem>> -> memref<1x128xi32, #tpu.memory_space<vmem>>
        %dma_wait3A_1335 = tpu.memref_squeeze %dma_wait3A_1334 : memref<1x128xi32, #tpu.memory_space<vmem>> -> memref<128xi32, #tpu.memory_space<vmem>>
        %dma_wait3A_1336 = arith.constant 0 : i32
        %dma_wait3A_1337 = tpu.memref_slice %arg9[%dma_wait3A_1336] : memref<262144xf32, #tpu.memory_space<vmem_shared>> -> memref<262144xf32, #tpu.memory_space<vmem_shared>>
        tpu.wait_indirect_dma semaphore(%run_scoped3A_1323 : memref<!tpu.dma_semaphore, #tpu.memory_space<semaphore_mem>>) src(%dma_wait3A_1332 : memref<128xf32, #tpu.memory_space<vmem>>) dst(%dma_wait3A_1337 : memref<262144xf32, #tpu.memory_space<vmem_shared>>)
        tpu.yield
      }) : () -> ()
      %run_scoped3A_1313 = arith.constant 2 : i32
      %run_scoped3A_1314 = arith.constant 2 : i32
      "tpu.region"() ({
        %run_scoped3A_1323 = tpu.sem_alloc : memref<!tpu.dma_semaphore, #tpu.memory_space<semaphore_mem>>
        %dma_start3A = arith.constant 0 : i32
        %dma_start3A_1324 = tpu.memref_slice %arg8[%run_scoped3A_1313, %dma_start3A] : memref<7x128xf32, #tpu.memory_space<vmem>> -> memref<1x128xf32, #tpu.memory_space<vmem>>
        %dma_start3A_1325 = tpu.memref_squeeze %dma_start3A_1324 : memref<1x128xf32, #tpu.memory_space<vmem>> -> memref<128xf32, #tpu.memory_space<vmem>>
        %dma_start3A_1326 = arith.constant 0 : i32
        %dma_start3A_1327 = tpu.memref_slice %arg7[%run_scoped3A_1314, %dma_start3A_1326] : memref<7x128xi32, #tpu.memory_space<vmem>> -> memref<1x128xi32, #tpu.memory_space<vmem>>
        %dma_start3A_1328 = tpu.memref_squeeze %dma_start3A_1327 : memref<1x128xi32, #tpu.memory_space<vmem>> -> memref<128xi32, #tpu.memory_space<vmem>>
        %dma_start3A_1329 = arith.constant 0 : i32
        %dma_start3A_1330 = tpu.memref_slice %arg9[%dma_start3A_1329] : memref<262144xf32, #tpu.memory_space<vmem_shared>> -> memref<262144xf32, #tpu.memory_space<vmem_shared>>
        tpu.enqueue_indirect_dma source(%dma_start3A_1325 : memref<128xf32, #tpu.memory_space<vmem>>) target(%dma_start3A_1330 : memref<262144xf32, #tpu.memory_space<vmem_shared>>) offsets(%dma_start3A_1328 : memref<128xi32, #tpu.memory_space<vmem>>) semaphore(%run_scoped3A_1323 : memref<!tpu.dma_semaphore, #tpu.memory_space<semaphore_mem>>) {add = true}
        %dma_wait3A = arith.constant 0 : i32
        %dma_wait3A_1331 = tpu.memref_slice %arg8[%run_scoped3A_1313, %dma_wait3A] : memref<7x128xf32, #tpu.memory_space<vmem>> -> memref<1x128xf32, #tpu.memory_space<vmem>>
        %dma_wait3A_1332 = tpu.memref_squeeze %dma_wait3A_1331 : memref<1x128xf32, #tpu.memory_space<vmem>> -> memref<128xf32, #tpu.memory_space<vmem>>
        %dma_wait3A_1333 = arith.constant 0 : i32
        %dma_wait3A_1334 = tpu.memref_slice %arg7[%run_scoped3A_1314, %dma_wait3A_1333] : memref<7x128xi32, #tpu.memory_space<vmem>> -> memref<1x128xi32, #tpu.memory_space<vmem>>
        %dma_wait3A_1335 = tpu.memref_squeeze %dma_wait3A_1334 : memref<1x128xi32, #tpu.memory_space<vmem>> -> memref<128xi32, #tpu.memory_space<vmem>>
        %dma_wait3A_1336 = arith.constant 0 : i32
        %dma_wait3A_1337 = tpu.memref_slice %arg9[%dma_wait3A_1336] : memref<262144xf32, #tpu.memory_space<vmem_shared>> -> memref<262144xf32, #tpu.memory_space<vmem_shared>>
        tpu.wait_indirect_dma semaphore(%run_scoped3A_1323 : memref<!tpu.dma_semaphore, #tpu.memory_space<semaphore_mem>>) src(%dma_wait3A_1332 : memref<128xf32, #tpu.memory_space<vmem>>) dst(%dma_wait3A_1337 : memref<262144xf32, #tpu.memory_space<vmem_shared>>)
        tpu.yield
      }) : () -> ()
      %run_scoped3A_1315 = arith.constant 3 : i32
      %run_scoped3A_1316 = arith.constant 3 : i32
      "tpu.region"() ({
        %run_scoped3A_1323 = tpu.sem_alloc : memref<!tpu.dma_semaphore, #tpu.memory_space<semaphore_mem>>
        %dma_start3A = arith.constant 0 : i32
        %dma_start3A_1324 = tpu.memref_slice %arg8[%run_scoped3A_1315, %dma_start3A] : memref<7x128xf32, #tpu.memory_space<vmem>> -> memref<1x128xf32, #tpu.memory_space<vmem>>
        %dma_start3A_1325 = tpu.memref_squeeze %dma_start3A_1324 : memref<1x128xf32, #tpu.memory_space<vmem>> -> memref<128xf32, #tpu.memory_space<vmem>>
        %dma_start3A_1326 = arith.constant 0 : i32
        %dma_start3A_1327 = tpu.memref_slice %arg7[%run_scoped3A_1316, %dma_start3A_1326] : memref<7x128xi32, #tpu.memory_space<vmem>> -> memref<1x128xi32, #tpu.memory_space<vmem>>
        %dma_start3A_1328 = tpu.memref_squeeze %dma_start3A_1327 : memref<1x128xi32, #tpu.memory_space<vmem>> -> memref<128xi32, #tpu.memory_space<vmem>>
        %dma_start3A_1329 = arith.constant 0 : i32
        %dma_start3A_1330 = tpu.memref_slice %arg9[%dma_start3A_1329] : memref<262144xf32, #tpu.memory_space<vmem_shared>> -> memref<262144xf32, #tpu.memory_space<vmem_shared>>
        tpu.enqueue_indirect_dma source(%dma_start3A_1325 : memref<128xf32, #tpu.memory_space<vmem>>) target(%dma_start3A_1330 : memref<262144xf32, #tpu.memory_space<vmem_shared>>) offsets(%dma_start3A_1328 : memref<128xi32, #tpu.memory_space<vmem>>) semaphore(%run_scoped3A_1323 : memref<!tpu.dma_semaphore, #tpu.memory_space<semaphore_mem>>) {add = true}
        %dma_wait3A = arith.constant 0 : i32
        %dma_wait3A_1331 = tpu.memref_slice %arg8[%run_scoped3A_1315, %dma_wait3A] : memref<7x128xf32, #tpu.memory_space<vmem>> -> memref<1x128xf32, #tpu.memory_space<vmem>>
        %dma_wait3A_1332 = tpu.memref_squeeze %dma_wait3A_1331 : memref<1x128xf32, #tpu.memory_space<vmem>> -> memref<128xf32, #tpu.memory_space<vmem>>
        %dma_wait3A_1333 = arith.constant 0 : i32
        %dma_wait3A_1334 = tpu.memref_slice %arg7[%run_scoped3A_1316, %dma_wait3A_1333] : memref<7x128xi32, #tpu.memory_space<vmem>> -> memref<1x128xi32, #tpu.memory_space<vmem>>
        %dma_wait3A_1335 = tpu.memref_squeeze %dma_wait3A_1334 : memref<1x128xi32, #tpu.memory_space<vmem>> -> memref<128xi32, #tpu.memory_space<vmem>>
        %dma_wait3A_1336 = arith.constant 0 : i32
        %dma_wait3A_1337 = tpu.memref_slice %arg9[%dma_wait3A_1336] : memref<262144xf32, #tpu.memory_space<vmem_shared>> -> memref<262144xf32, #tpu.memory_space<vmem_shared>>
        tpu.wait_indirect_dma semaphore(%run_scoped3A_1323 : memref<!tpu.dma_semaphore, #tpu.memory_space<semaphore_mem>>) src(%dma_wait3A_1332 : memref<128xf32, #tpu.memory_space<vmem>>) dst(%dma_wait3A_1337 : memref<262144xf32, #tpu.memory_space<vmem_shared>>)
        tpu.yield
      }) : () -> ()
      %run_scoped3A_1317 = arith.constant 4 : i32
      %run_scoped3A_1318 = arith.constant 4 : i32
      "tpu.region"() ({
        %run_scoped3A_1323 = tpu.sem_alloc : memref<!tpu.dma_semaphore, #tpu.memory_space<semaphore_mem>>
        %dma_start3A = arith.constant 0 : i32
        %dma_start3A_1324 = tpu.memref_slice %arg8[%run_scoped3A_1317, %dma_start3A] : memref<7x128xf32, #tpu.memory_space<vmem>> -> memref<1x128xf32, #tpu.memory_space<vmem>>
        %dma_start3A_1325 = tpu.memref_squeeze %dma_start3A_1324 : memref<1x128xf32, #tpu.memory_space<vmem>> -> memref<128xf32, #tpu.memory_space<vmem>>
        %dma_start3A_1326 = arith.constant 0 : i32
        %dma_start3A_1327 = tpu.memref_slice %arg7[%run_scoped3A_1318, %dma_start3A_1326] : memref<7x128xi32, #tpu.memory_space<vmem>> -> memref<1x128xi32, #tpu.memory_space<vmem>>
        %dma_start3A_1328 = tpu.memref_squeeze %dma_start3A_1327 : memref<1x128xi32, #tpu.memory_space<vmem>> -> memref<128xi32, #tpu.memory_space<vmem>>
        %dma_start3A_1329 = arith.constant 0 : i32
        %dma_start3A_1330 = tpu.memref_slice %arg9[%dma_start3A_1329] : memref<262144xf32, #tpu.memory_space<vmem_shared>> -> memref<262144xf32, #tpu.memory_space<vmem_shared>>
        tpu.enqueue_indirect_dma source(%dma_start3A_1325 : memref<128xf32, #tpu.memory_space<vmem>>) target(%dma_start3A_1330 : memref<262144xf32, #tpu.memory_space<vmem_shared>>) offsets(%dma_start3A_1328 : memref<128xi32, #tpu.memory_space<vmem>>) semaphore(%run_scoped3A_1323 : memref<!tpu.dma_semaphore, #tpu.memory_space<semaphore_mem>>) {add = true}
        %dma_wait3A = arith.constant 0 : i32
        %dma_wait3A_1331 = tpu.memref_slice %arg8[%run_scoped3A_1317, %dma_wait3A] : memref<7x128xf32, #tpu.memory_space<vmem>> -> memref<1x128xf32, #tpu.memory_space<vmem>>
        %dma_wait3A_1332 = tpu.memref_squeeze %dma_wait3A_1331 : memref<1x128xf32, #tpu.memory_space<vmem>> -> memref<128xf32, #tpu.memory_space<vmem>>
        %dma_wait3A_1333 = arith.constant 0 : i32
        %dma_wait3A_1334 = tpu.memref_slice %arg7[%run_scoped3A_1318, %dma_wait3A_1333] : memref<7x128xi32, #tpu.memory_space<vmem>> -> memref<1x128xi32, #tpu.memory_space<vmem>>
        %dma_wait3A_1335 = tpu.memref_squeeze %dma_wait3A_1334 : memref<1x128xi32, #tpu.memory_space<vmem>> -> memref<128xi32, #tpu.memory_space<vmem>>
        %dma_wait3A_1336 = arith.constant 0 : i32
        %dma_wait3A_1337 = tpu.memref_slice %arg9[%dma_wait3A_1336] : memref<262144xf32, #tpu.memory_space<vmem_shared>> -> memref<262144xf32, #tpu.memory_space<vmem_shared>>
        tpu.wait_indirect_dma semaphore(%run_scoped3A_1323 : memref<!tpu.dma_semaphore, #tpu.memory_space<semaphore_mem>>) src(%dma_wait3A_1332 : memref<128xf32, #tpu.memory_space<vmem>>) dst(%dma_wait3A_1337 : memref<262144xf32, #tpu.memory_space<vmem_shared>>)
        tpu.yield
      }) : () -> ()
      %run_scoped3A_1319 = arith.constant 5 : i32
      %run_scoped3A_1320 = arith.constant 5 : i32
      "tpu.region"() ({
        %run_scoped3A_1323 = tpu.sem_alloc : memref<!tpu.dma_semaphore, #tpu.memory_space<semaphore_mem>>
        %dma_start3A = arith.constant 0 : i32
        %dma_start3A_1324 = tpu.memref_slice %arg8[%run_scoped3A_1319, %dma_start3A] : memref<7x128xf32, #tpu.memory_space<vmem>> -> memref<1x128xf32, #tpu.memory_space<vmem>>
        %dma_start3A_1325 = tpu.memref_squeeze %dma_start3A_1324 : memref<1x128xf32, #tpu.memory_space<vmem>> -> memref<128xf32, #tpu.memory_space<vmem>>
        %dma_start3A_1326 = arith.constant 0 : i32
        %dma_start3A_1327 = tpu.memref_slice %arg7[%run_scoped3A_1320, %dma_start3A_1326] : memref<7x128xi32, #tpu.memory_space<vmem>> -> memref<1x128xi32, #tpu.memory_space<vmem>>
        %dma_start3A_1328 = tpu.memref_squeeze %dma_start3A_1327 : memref<1x128xi32, #tpu.memory_space<vmem>> -> memref<128xi32, #tpu.memory_space<vmem>>
        %dma_start3A_1329 = arith.constant 0 : i32
        %dma_start3A_1330 = tpu.memref_slice %arg9[%dma_start3A_1329] : memref<262144xf32, #tpu.memory_space<vmem_shared>> -> memref<262144xf32, #tpu.memory_space<vmem_shared>>
        tpu.enqueue_indirect_dma source(%dma_start3A_1325 : memref<128xf32, #tpu.memory_space<vmem>>) target(%dma_start3A_1330 : memref<262144xf32, #tpu.memory_space<vmem_shared>>) offsets(%dma_start3A_1328 : memref<128xi32, #tpu.memory_space<vmem>>) semaphore(%run_scoped3A_1323 : memref<!tpu.dma_semaphore, #tpu.memory_space<semaphore_mem>>) {add = true}
        %dma_wait3A = arith.constant 0 : i32
        %dma_wait3A_1331 = tpu.memref_slice %arg8[%run_scoped3A_1319, %dma_wait3A] : memref<7x128xf32, #tpu.memory_space<vmem>> -> memref<1x128xf32, #tpu.memory_space<vmem>>
        %dma_wait3A_1332 = tpu.memref_squeeze %dma_wait3A_1331 : memref<1x128xf32, #tpu.memory_space<vmem>> -> memref<128xf32, #tpu.memory_space<vmem>>
        %dma_wait3A_1333 = arith.constant 0 : i32
        %dma_wait3A_1334 = tpu.memref_slice %arg7[%run_scoped3A_1320, %dma_wait3A_1333] : memref<7x128xi32, #tpu.memory_space<vmem>> -> memref<1x128xi32, #tpu.memory_space<vmem>>
        %dma_wait3A_1335 = tpu.memref_squeeze %dma_wait3A_1334 : memref<1x128xi32, #tpu.memory_space<vmem>> -> memref<128xi32, #tpu.memory_space<vmem>>
        %dma_wait3A_1336 = arith.constant 0 : i32
        %dma_wait3A_1337 = tpu.memref_slice %arg9[%dma_wait3A_1336] : memref<262144xf32, #tpu.memory_space<vmem_shared>> -> memref<262144xf32, #tpu.memory_space<vmem_shared>>
        tpu.wait_indirect_dma semaphore(%run_scoped3A_1323 : memref<!tpu.dma_semaphore, #tpu.memory_space<semaphore_mem>>) src(%dma_wait3A_1332 : memref<128xf32, #tpu.memory_space<vmem>>) dst(%dma_wait3A_1337 : memref<262144xf32, #tpu.memory_space<vmem_shared>>)
        tpu.yield
      }) : () -> ()
      %run_scoped3A_1321 = arith.constant 6 : i32
      %run_scoped3A_1322 = arith.constant 6 : i32
      "tpu.region"() ({
        %run_scoped3A_1323 = tpu.sem_alloc : memref<!tpu.dma_semaphore, #tpu.memory_space<semaphore_mem>>
        %dma_start3A = arith.constant 0 : i32
        %dma_start3A_1324 = tpu.memref_slice %arg8[%run_scoped3A_1321, %dma_start3A] : memref<7x128xf32, #tpu.memory_space<vmem>> -> memref<1x128xf32, #tpu.memory_space<vmem>>
        %dma_start3A_1325 = tpu.memref_squeeze %dma_start3A_1324 : memref<1x128xf32, #tpu.memory_space<vmem>> -> memref<128xf32, #tpu.memory_space<vmem>>
        %dma_start3A_1326 = arith.constant 0 : i32
        %dma_start3A_1327 = tpu.memref_slice %arg7[%run_scoped3A_1322, %dma_start3A_1326] : memref<7x128xi32, #tpu.memory_space<vmem>> -> memref<1x128xi32, #tpu.memory_space<vmem>>
        %dma_start3A_1328 = tpu.memref_squeeze %dma_start3A_1327 : memref<1x128xi32, #tpu.memory_space<vmem>> -> memref<128xi32, #tpu.memory_space<vmem>>
        %dma_start3A_1329 = arith.constant 0 : i32
        %dma_start3A_1330 = tpu.memref_slice %arg9[%dma_start3A_1329] : memref<262144xf32, #tpu.memory_space<vmem_shared>> -> memref<262144xf32, #tpu.memory_space<vmem_shared>>
        tpu.enqueue_indirect_dma source(%dma_start3A_1325 : memref<128xf32, #tpu.memory_space<vmem>>) target(%dma_start3A_1330 : memref<262144xf32, #tpu.memory_space<vmem_shared>>) offsets(%dma_start3A_1328 : memref<128xi32, #tpu.memory_space<vmem>>) semaphore(%run_scoped3A_1323 : memref<!tpu.dma_semaphore, #tpu.memory_space<semaphore_mem>>) {add = true}
        %dma_wait3A = arith.constant 0 : i32
        %dma_wait3A_1331 = tpu.memref_slice %arg8[%run_scoped3A_1321, %dma_wait3A] : memref<7x128xf32, #tpu.memory_space<vmem>> -> memref<1x128xf32, #tpu.memory_space<vmem>>
        %dma_wait3A_1332 = tpu.memref_squeeze %dma_wait3A_1331 : memref<1x128xf32, #tpu.memory_space<vmem>> -> memref<128xf32, #tpu.memory_space<vmem>>
        %dma_wait3A_1333 = arith.constant 0 : i32
        %dma_wait3A_1334 = tpu.memref_slice %arg7[%run_scoped3A_1322, %dma_wait3A_1333] : memref<7x128xi32, #tpu.memory_space<vmem>> -> memref<1x128xi32, #tpu.memory_space<vmem>>
        %dma_wait3A_1335 = tpu.memref_squeeze %dma_wait3A_1334 : memref<1x128xi32, #tpu.memory_space<vmem>> -> memref<128xi32, #tpu.memory_space<vmem>>
        %dma_wait3A_1336 = arith.constant 0 : i32
        %dma_wait3A_1337 = tpu.memref_slice %arg9[%dma_wait3A_1336] : memref<262144xf32, #tpu.memory_space<vmem_shared>> -> memref<262144xf32, #tpu.memory_space<vmem_shared>>
        tpu.wait_indirect_dma semaphore(%run_scoped3A_1323 : memref<!tpu.dma_semaphore, #tpu.memory_space<semaphore_mem>>) src(%dma_wait3A_1332 : memref<128xf32, #tpu.memory_space<vmem>>) dst(%dma_wait3A_1337 : memref<262144xf32, #tpu.memory_space<vmem_shared>>)
        tpu.yield
      }) : () -> ()
    } else {
    }
    %barrier3A_5 = arith.constant 0 : index
    tpu.barrier barrier_id(%barrier3A_5)
    %mul3A_6 = arith.constant 16384 : i32
    %mul3A_7 = arith.muli %arg1, %mul3A_6 : i32
    %mul3A_8 = arith.constant 16 : i32
    %mul3A_9 = arith.muli %arg0, %mul3A_8 : i32
    %add3A_10 = arith.addi %mul3A_9, %arg1 : i32
    %mul3A_11 = arith.constant 16384 : i32
    %mul3A_12 = arith.muli %add3A_10, %mul3A_11 : i32
    "tpu.region"() ({
      %run_scoped3A = tpu.sem_alloc : memref<!tpu.dma_semaphore, #tpu.memory_space<semaphore_mem>>
      %dma_start3A = tpu.memref_slice %arg4[%mul3A_12] : memref<524288xf32, #tpu.memory_space<hbm>> -> memref<16384xf32, #tpu.memory_space<hbm>>
      %dma_start3A_13 = tpu.memref_slice %arg9[%mul3A_7] : memref<262144xf32, #tpu.memory_space<vmem_shared>> -> memref<16384xf32, #tpu.memory_space<vmem_shared>>
      tpu.enqueue_dma source(%dma_start3A_13 : memref<16384xf32, #tpu.memory_space<vmem_shared>>) target(%dma_start3A : memref<16384xf32, #tpu.memory_space<hbm>>) target_semaphore(%run_scoped3A : memref<!tpu.dma_semaphore, #tpu.memory_space<semaphore_mem>>)
      %dma_wait3A = tpu.memref_slice %arg4[%mul3A_12] : memref<524288xf32, #tpu.memory_space<hbm>> -> memref<16384xf32, #tpu.memory_space<hbm>>
      %dma_wait3A_14 = tpu.memref_slice %arg9[%mul3A_7] : memref<262144xf32, #tpu.memory_space<vmem_shared>> -> memref<16384xf32, #tpu.memory_space<vmem_shared>>
      tpu.wait_dma2 semaphore(%run_scoped3A : memref<!tpu.dma_semaphore, #tpu.memory_space<semaphore_mem>>) src(%dma_wait3A_14 : memref<16384xf32, #tpu.memory_space<vmem_shared>>) dst(%dma_wait3A : memref<16384xf32, #tpu.memory_space<hbm>>)
      tpu.yield
    }) : () -> ()
    return
  }
}

module attributes {stable_mosaic.version = 14 : i64} {
  func.func @_dense_body(%arg0: memref<500x128xf32, #tpu.memory_space<vmem>>, %arg1: memref<500x1xf32, #tpu.memory_space<vmem>>, %arg2: memref<2x512x512xf32, #tpu.memory_space<vmem>>, %arg3: memref<500x16xf32, #tpu.memory_space<vmem>>, %arg4: memref<500x16xf32, #tpu.memory_space<vmem>>, %arg5: memref<128x256xf32, #tpu.memory_space<vmem>>, %arg6: memref<1x256xf32, #tpu.memory_space<vmem>>, %arg7: memref<16x256xf32, #tpu.memory_space<vmem>>, %arg8: memref<1x16xf32, #tpu.memory_space<vmem>>, %arg9: memref<16x256xf32, #tpu.memory_space<vmem>>, %arg10: memref<1x16xf32, #tpu.memory_space<vmem>>, %arg11: memref<129x256xf32, #tpu.memory_space<vmem>>, %arg12: memref<1x256xf32, #tpu.memory_space<vmem>>, %arg13: memref<16x256xf32, #tpu.memory_space<vmem>>, %arg14: memref<1x16xf32, #tpu.memory_space<vmem>>, %arg15: memref<16x256xf32, #tpu.memory_space<vmem>>, %arg16: memref<1x16xf32, #tpu.memory_space<vmem>>, %arg17: memref<16x256xf32, #tpu.memory_space<vmem>>, %arg18: memref<1x256xf32, #tpu.memory_space<vmem>>, %arg19: memref<1x256xf32, #tpu.memory_space<vmem>>, %arg20: memref<1x1xf32, #tpu.memory_space<vmem>>, %arg21: memref<32x256xf32, #tpu.memory_space<vmem>>, %arg22: memref<1x256xf32, #tpu.memory_space<vmem>>, %arg23: memref<256x128xf32, #tpu.memory_space<vmem>>, %arg24: memref<1x128xf32, #tpu.memory_space<vmem>>, %arg25: memref<144x512xf32, #tpu.memory_space<vmem>>, %arg26: memref<1x512xf32, #tpu.memory_space<vmem>>, %arg27: memref<2x512xf32, #tpu.memory_space<vmem>>, %arg28: memref<1x2xf32, #tpu.memory_space<vmem>>, %arg29: memref<128x512xf32, #tpu.memory_space<vmem>>, %arg30: memref<1x512xf32, #tpu.memory_space<vmem>>, %arg31: memref<2x512xf32, #tpu.memory_space<vmem>>, %arg32: memref<1x2xf32, #tpu.memory_space<vmem>>, %arg33: memref<500x128xf32, #tpu.memory_space<vmem>>, %arg34: memref<500x2xf32, #tpu.memory_space<vmem>>, %arg35: memref<500x2xf32, #tpu.memory_space<vmem>>, %arg36: memref<500x1xf32, #tpu.memory_space<vmem>>, %arg37: memref<500x32xf32, #tpu.memory_space<vmem>>) attributes {dimension_semantics = [], scalar_prefetch = 0 : i64, scratch_operands = 0 : i64, tpu.core_type = #tpu.core_type<tc>} {
    %get3A = arith.constant 0 : index
    %get3A_0 = arith.constant 0 : index
    %get3A_1 = arith.constant 0 : index
    %get3A_2 = vector.load %arg2[%get3A, %get3A_0, %get3A_1] : memref<2x512x512xf32, #tpu.memory_space<vmem>>, vector<1x500x500xf32>
    %get3A_3 = vector.shape_cast %get3A_2 : vector<1x500x500xf32> to vector<500x500xf32>
    %get3A_4 = arith.constant 1 : index
    %get3A_5 = arith.constant 0 : index
    %get3A_6 = arith.constant 0 : index
    %get3A_7 = vector.load %arg2[%get3A_4, %get3A_5, %get3A_6] : memref<2x512x512xf32, #tpu.memory_space<vmem>>, vector<1x500x500xf32>
    %get3A_8 = vector.shape_cast %get3A_7 : vector<1x500x500xf32> to vector<500x500xf32>
    %add3A = arith.addf %get3A_3, %get3A_8 : vector<500x500xf32>
    %iota3A = tpu.iota {dimensions = array<i32: 0>} : vector<500x500xi32>
    %iota3A_9 = tpu.iota {dimensions = array<i32: 1>} : vector<500x500xi32>
    %add3A_10 = arith.constant 0 : i32
    %add3A_11 = vector.broadcast %add3A_10 : i32 to vector<500x500xi32>
    %add3A_12 = arith.addi %iota3A, %add3A_11 : vector<500x500xi32>
    %eq3A = arith.cmpi eq, %add3A_12, %iota3A_9 : vector<500x500xi32>
    %convert_element_type3A = arith.extui %eq3A : vector<500x500xi1> to vector<500x500xi32>
    %convert_element_type3A_13 = arith.sitofp %convert_element_type3A : vector<500x500xi32> to vector<500x500xf32>
    %add3A_14 = arith.addf %add3A, %convert_element_type3A_13 : vector<500x500xf32>
    %reduce_sum3A = arith.constant dense<0.000000e+00> : vector<500xf32>
    %reduce_sum3A_15 = vector.multi_reduction <add>, %add3A_14, %reduce_sum3A [1] : vector<500x500xf32> to vector<500xf32>
    %broadcast_in_dim3A = vector.shape_cast %reduce_sum3A_15 : vector<500xf32> to vector<500x1xf32>
    %max3A = arith.constant 1.000000e+00 : f32
    %max3A_16 = vector.broadcast %max3A : f32 to vector<500x1xf32>
    %max3A_17 = arith.maximumf %broadcast_in_dim3A, %max3A_16 : vector<500x1xf32>
    %rsqrt3A = math.rsqrt %max3A_17 : vector<500x1xf32>
    %get3A_18 = arith.constant 0 : index
    %get3A_19 = arith.constant 0 : index
    %get3A_20 = vector.load %arg0[%get3A_18, %get3A_19] : memref<500x128xf32, #tpu.memory_space<vmem>>, vector<500x128xf32>
    %get3A_21 = arith.constant 0 : index
    %get3A_22 = arith.constant 0 : index
    %get3A_23 = vector.load %arg5[%get3A_21, %get3A_22] : memref<128x256xf32, #tpu.memory_space<vmem>>, vector<128x256xf32>
    %dot_general3A = arith.constant dense<0.000000e+00> : vector<500x256xf32>
    %dot_general3A_24 = tpu.matmul %get3A_20, %get3A_23, %dot_general3A {dimension_numbers = #tpu.dot_dimension_numbers<[1], [0], [0], [1], [0, 0, 1, 1], [], []>, transpose_lhs_hint = false} : vector<500x128xf32>, vector<128x256xf32>, vector<500x256xf32> -> vector<500x256xf32>
    %mul3A = vector.broadcast %rsqrt3A : vector<500x1xf32> to vector<500x256xf32>
    %mul3A_25 = arith.mulf %dot_general3A_24, %mul3A : vector<500x256xf32>
    %dot_general3A_26 = arith.constant dense<0.000000e+00> : vector<500x256xf32>
    %dot_general3A_27 = tpu.matmul %add3A_14, %mul3A_25, %dot_general3A_26 {dimension_numbers = #tpu.dot_dimension_numbers<[1], [0], [0], [1], [0, 0, 1, 1], [], []>, transpose_lhs_hint = false} : vector<500x500xf32>, vector<500x256xf32>, vector<500x256xf32> -> vector<500x256xf32>
    %mul3A_28 = vector.broadcast %rsqrt3A : vector<500x1xf32> to vector<500x256xf32>
    %mul3A_29 = arith.mulf %dot_general3A_27, %mul3A_28 : vector<500x256xf32>
    %get3A_30 = arith.constant 0 : index
    %get3A_31 = arith.constant 0 : index
    %get3A_32 = vector.load %arg6[%get3A_30, %get3A_31] : memref<1x256xf32, #tpu.memory_space<vmem>>, vector<1x256xf32>
    %add3A_33 = vector.broadcast %get3A_32 : vector<1x256xf32> to vector<500x256xf32>
    %add3A_34 = arith.addf %mul3A_29, %add3A_33 : vector<500x256xf32>
    %max3A_35 = arith.constant 0.000000e+00 : f32
    %max3A_36 = vector.broadcast %max3A_35 : f32 to vector<500x256xf32>
    %max3A_37 = arith.maximumf %add3A_34, %max3A_36 : vector<500x256xf32>
    %get3A_38 = arith.constant 0 : index
    %get3A_39 = arith.constant 0 : index
    %get3A_40 = vector.load %arg7[%get3A_38, %get3A_39] : memref<16x256xf32, #tpu.memory_space<vmem>>, vector<16x256xf32>
    %dot_general3A_41 = arith.constant dense<0.000000e+00> : vector<500x16xf32>
    %dot_general3A_42 = tpu.matmul %max3A_37, %get3A_40, %dot_general3A_41 {dimension_numbers = #tpu.dot_dimension_numbers<[1], [1], [0], [0], [0, 0, 1, 0], [], []>, transpose_lhs_hint = false} : vector<500x256xf32>, vector<16x256xf32>, vector<500x16xf32> -> vector<500x16xf32>
    %mul3A_43 = vector.broadcast %rsqrt3A : vector<500x1xf32> to vector<500x16xf32>
    %mul3A_44 = arith.mulf %dot_general3A_42, %mul3A_43 : vector<500x16xf32>
    %dot_general3A_45 = arith.constant dense<0.000000e+00> : vector<500x16xf32>
    %dot_general3A_46 = tpu.matmul %add3A_14, %mul3A_44, %dot_general3A_45 {dimension_numbers = #tpu.dot_dimension_numbers<[1], [0], [0], [1], [0, 0, 1, 1], [], []>, transpose_lhs_hint = false} : vector<500x500xf32>, vector<500x16xf32>, vector<500x16xf32> -> vector<500x16xf32>
    %mul3A_47 = vector.broadcast %rsqrt3A : vector<500x1xf32> to vector<500x16xf32>
    %mul3A_48 = arith.mulf %dot_general3A_46, %mul3A_47 : vector<500x16xf32>
    %get3A_49 = arith.constant 0 : index
    %get3A_50 = arith.constant 0 : index
    %get3A_51 = vector.load %arg8[%get3A_49, %get3A_50] : memref<1x16xf32, #tpu.memory_space<vmem>>, vector<1x16xf32>
    %add3A_52 = vector.broadcast %get3A_51 : vector<1x16xf32> to vector<500x16xf32>
    %add3A_53 = arith.addf %mul3A_48, %add3A_52 : vector<500x16xf32>
    %get3A_54 = arith.constant 0 : index
    %get3A_55 = arith.constant 0 : index
    %get3A_56 = vector.load %arg9[%get3A_54, %get3A_55] : memref<16x256xf32, #tpu.memory_space<vmem>>, vector<16x256xf32>
    %dot_general3A_57 = arith.constant dense<0.000000e+00> : vector<500x16xf32>
    %dot_general3A_58 = tpu.matmul %max3A_37, %get3A_56, %dot_general3A_57 {dimension_numbers = #tpu.dot_dimension_numbers<[1], [1], [0], [0], [0, 0, 1, 0], [], []>, transpose_lhs_hint = false} : vector<500x256xf32>, vector<16x256xf32>, vector<500x16xf32> -> vector<500x16xf32>
    %mul3A_59 = vector.broadcast %rsqrt3A : vector<500x1xf32> to vector<500x16xf32>
    %mul3A_60 = arith.mulf %dot_general3A_58, %mul3A_59 : vector<500x16xf32>
    %dot_general3A_61 = arith.constant dense<0.000000e+00> : vector<500x16xf32>
    %dot_general3A_62 = tpu.matmul %add3A_14, %mul3A_60, %dot_general3A_61 {dimension_numbers = #tpu.dot_dimension_numbers<[1], [0], [0], [1], [0, 0, 1, 1], [], []>, transpose_lhs_hint = false} : vector<500x500xf32>, vector<500x16xf32>, vector<500x16xf32> -> vector<500x16xf32>
    %mul3A_63 = vector.broadcast %rsqrt3A : vector<500x1xf32> to vector<500x16xf32>
    %mul3A_64 = arith.mulf %dot_general3A_62, %mul3A_63 : vector<500x16xf32>
    %get3A_65 = arith.constant 0 : index
    %get3A_66 = arith.constant 0 : index
    %get3A_67 = vector.load %arg10[%get3A_65, %get3A_66] : memref<1x16xf32, #tpu.memory_space<vmem>>, vector<1x16xf32>
    %add3A_68 = vector.broadcast %get3A_67 : vector<1x16xf32> to vector<500x16xf32>
    %add3A_69 = arith.addf %mul3A_64, %add3A_68 : vector<500x16xf32>
    %max3A_70 = arith.constant 0.000000e+00 : f32
    %max3A_71 = vector.broadcast %max3A_70 : f32 to vector<500x16xf32>
    %max3A_72 = arith.maximumf %add3A_69, %max3A_71 : vector<500x16xf32>
    %abs3A = math.absf %add3A_69 : vector<500x16xf32>
    %neg3A = arith.constant 0.000000e+00 : f32
    %neg3A_73 = vector.broadcast %neg3A : f32 to vector<500x16xf32>
    %neg3A_74 = arith.subf %neg3A_73, %abs3A : vector<500x16xf32>
    %exp3A = math.exp %neg3A_74 : vector<500x16xf32>
    %add3A_75 = arith.constant 1.000000e+00 : f32
    %add3A_76 = vector.broadcast %add3A_75 : f32 to vector<500x16xf32>
    %add3A_77 = arith.addf %add3A_76, %exp3A : vector<500x16xf32>
    %log3A = math.log %add3A_77 : vector<500x16xf32>
    %add3A_78 = arith.addf %max3A_72, %log3A : vector<500x16xf32>
    %get3A_79 = arith.constant 0 : index
    %get3A_80 = arith.constant 0 : index
    %get3A_81 = vector.load %arg11[%get3A_79, %get3A_80] : memref<129x256xf32, #tpu.memory_space<vmem>>, vector<129x256xf32>
    %abs3A_82 = math.absf %get3A_20 : vector<500x128xf32>
    %slice3A = vector.extract_strided_slice %get3A_81 {offsets = [0, 0], sizes = [128, 256], strides = [1, 1]} : vector<129x256xf32> to vector<128x256xf32>
    %dot_general3A_83 = arith.constant dense<0.000000e+00> : vector<500x256xf32>
    %dot_general3A_84 = tpu.matmul %abs3A_82, %slice3A, %dot_general3A_83 {dimension_numbers = #tpu.dot_dimension_numbers<[1], [0], [0], [1], [0, 0, 1, 1], [], []>, transpose_lhs_hint = false} : vector<500x128xf32>, vector<128x256xf32>, vector<500x256xf32> -> vector<500x256xf32>
    %get3A_85 = arith.constant 0 : index
    %get3A_86 = arith.constant 0 : index
    %get3A_87 = vector.load %arg1[%get3A_85, %get3A_86] : memref<500x1xf32, #tpu.memory_space<vmem>>, vector<500x1xf32>
    %abs3A_88 = math.absf %get3A_87 : vector<500x1xf32>
    %slice3A_89 = vector.extract_strided_slice %get3A_81 {offsets = [128, 0], sizes = [1, 256], strides = [1, 1]} : vector<129x256xf32> to vector<1x256xf32>
    %mul3A_90 = vector.broadcast %abs3A_88 : vector<500x1xf32> to vector<500x256xf32>
    %mul3A_91 = vector.broadcast %slice3A_89 : vector<1x256xf32> to vector<500x256xf32>
    %mul3A_92 = arith.mulf %mul3A_90, %mul3A_91 : vector<500x256xf32>
    %add3A_93 = arith.addf %dot_general3A_84, %mul3A_92 : vector<500x256xf32>
    %mul3A_94 = vector.broadcast %rsqrt3A : vector<500x1xf32> to vector<500x256xf32>
    %mul3A_95 = arith.mulf %add3A_93, %mul3A_94 : vector<500x256xf32>
    %dot_general3A_96 = arith.constant dense<0.000000e+00> : vector<500x256xf32>
    %dot_general3A_97 = tpu.matmul %add3A_14, %mul3A_95, %dot_general3A_96 {dimension_numbers = #tpu.dot_dimension_numbers<[1], [0], [0], [1], [0, 0, 1, 1], [], []>, transpose_lhs_hint = false} : vector<500x500xf32>, vector<500x256xf32>, vector<500x256xf32> -> vector<500x256xf32>
    %mul3A_98 = vector.broadcast %rsqrt3A : vector<500x1xf32> to vector<500x256xf32>
    %mul3A_99 = arith.mulf %dot_general3A_97, %mul3A_98 : vector<500x256xf32>
    %get3A_100 = arith.constant 0 : index
    %get3A_101 = arith.constant 0 : index
    %get3A_102 = vector.load %arg12[%get3A_100, %get3A_101] : memref<1x256xf32, #tpu.memory_space<vmem>>, vector<1x256xf32>
    %add3A_103 = vector.broadcast %get3A_102 : vector<1x256xf32> to vector<500x256xf32>
    %add3A_104 = arith.addf %mul3A_99, %add3A_103 : vector<500x256xf32>
    %max3A_105 = arith.constant 0.000000e+00 : f32
    %max3A_106 = vector.broadcast %max3A_105 : f32 to vector<500x256xf32>
    %max3A_107 = arith.maximumf %add3A_104, %max3A_106 : vector<500x256xf32>
    %get3A_108 = arith.constant 0 : index
    %get3A_109 = arith.constant 0 : index
    %get3A_110 = vector.load %arg13[%get3A_108, %get3A_109] : memref<16x256xf32, #tpu.memory_space<vmem>>, vector<16x256xf32>
    %dot_general3A_111 = arith.constant dense<0.000000e+00> : vector<500x16xf32>
    %dot_general3A_112 = tpu.matmul %max3A_107, %get3A_110, %dot_general3A_111 {dimension_numbers = #tpu.dot_dimension_numbers<[1], [1], [0], [0], [0, 0, 1, 0], [], []>, transpose_lhs_hint = false} : vector<500x256xf32>, vector<16x256xf32>, vector<500x16xf32> -> vector<500x16xf32>
    %mul3A_113 = vector.broadcast %rsqrt3A : vector<500x1xf32> to vector<500x16xf32>
    %mul3A_114 = arith.mulf %dot_general3A_112, %mul3A_113 : vector<500x16xf32>
    %dot_general3A_115 = arith.constant dense<0.000000e+00> : vector<500x16xf32>
    %dot_general3A_116 = tpu.matmul %add3A_14, %mul3A_114, %dot_general3A_115 {dimension_numbers = #tpu.dot_dimension_numbers<[1], [0], [0], [1], [0, 0, 1, 1], [], []>, transpose_lhs_hint = false} : vector<500x500xf32>, vector<500x16xf32>, vector<500x16xf32> -> vector<500x16xf32>
    %mul3A_117 = vector.broadcast %rsqrt3A : vector<500x1xf32> to vector<500x16xf32>
    %mul3A_118 = arith.mulf %dot_general3A_116, %mul3A_117 : vector<500x16xf32>
    %get3A_119 = arith.constant 0 : index
    %get3A_120 = arith.constant 0 : index
    %get3A_121 = vector.load %arg14[%get3A_119, %get3A_120] : memref<1x16xf32, #tpu.memory_space<vmem>>, vector<1x16xf32>
    %add3A_122 = vector.broadcast %get3A_121 : vector<1x16xf32> to vector<500x16xf32>
    %add3A_123 = arith.addf %mul3A_118, %add3A_122 : vector<500x16xf32>
    %get3A_124 = arith.constant 0 : index
    %get3A_125 = arith.constant 0 : index
    %get3A_126 = vector.load %arg15[%get3A_124, %get3A_125] : memref<16x256xf32, #tpu.memory_space<vmem>>, vector<16x256xf32>
    %dot_general3A_127 = arith.constant dense<0.000000e+00> : vector<500x16xf32>
    %dot_general3A_128 = tpu.matmul %max3A_107, %get3A_126, %dot_general3A_127 {dimension_numbers = #tpu.dot_dimension_numbers<[1], [1], [0], [0], [0, 0, 1, 0], [], []>, transpose_lhs_hint = false} : vector<500x256xf32>, vector<16x256xf32>, vector<500x16xf32> -> vector<500x16xf32>
    %mul3A_129 = vector.broadcast %rsqrt3A : vector<500x1xf32> to vector<500x16xf32>
    %mul3A_130 = arith.mulf %dot_general3A_128, %mul3A_129 : vector<500x16xf32>
    %dot_general3A_131 = arith.constant dense<0.000000e+00> : vector<500x16xf32>
    %dot_general3A_132 = tpu.matmul %add3A_14, %mul3A_130, %dot_general3A_131 {dimension_numbers = #tpu.dot_dimension_numbers<[1], [0], [0], [1], [0, 0, 1, 1], [], []>, transpose_lhs_hint = false} : vector<500x500xf32>, vector<500x16xf32>, vector<500x16xf32> -> vector<500x16xf32>
    %mul3A_133 = vector.broadcast %rsqrt3A : vector<500x1xf32> to vector<500x16xf32>
    %mul3A_134 = arith.mulf %dot_general3A_132, %mul3A_133 : vector<500x16xf32>
    %get3A_135 = arith.constant 0 : index
    %get3A_136 = arith.constant 0 : index
    %get3A_137 = vector.load %arg16[%get3A_135, %get3A_136] : memref<1x16xf32, #tpu.memory_space<vmem>>, vector<1x16xf32>
    %add3A_138 = vector.broadcast %get3A_137 : vector<1x16xf32> to vector<500x16xf32>
    %add3A_139 = arith.addf %mul3A_134, %add3A_138 : vector<500x16xf32>
    %max3A_140 = arith.constant 0.000000e+00 : f32
    %max3A_141 = vector.broadcast %max3A_140 : f32 to vector<500x16xf32>
    %max3A_142 = arith.maximumf %add3A_139, %max3A_141 : vector<500x16xf32>
    %abs3A_143 = math.absf %add3A_139 : vector<500x16xf32>
    %neg3A_144 = arith.constant 0.000000e+00 : f32
    %neg3A_145 = vector.broadcast %neg3A_144 : f32 to vector<500x16xf32>
    %neg3A_146 = arith.subf %neg3A_145, %abs3A_143 : vector<500x16xf32>
    %exp3A_147 = math.exp %neg3A_146 : vector<500x16xf32>
    %add3A_148 = arith.constant 1.000000e+00 : f32
    %add3A_149 = vector.broadcast %add3A_148 : f32 to vector<500x16xf32>
    %add3A_150 = arith.addf %add3A_149, %exp3A_147 : vector<500x16xf32>
    %log3A_151 = math.log %add3A_150 : vector<500x16xf32>
    %add3A_152 = arith.addf %max3A_142, %log3A_151 : vector<500x16xf32>
    %get3A_153 = arith.constant 0 : index
    %get3A_154 = arith.constant 0 : index
    %get3A_155 = vector.load %arg3[%get3A_153, %get3A_154] : memref<500x16xf32, #tpu.memory_space<vmem>>, vector<500x16xf32>
    %mul3A_156 = arith.constant 5.000000e-01 : f32
    %mul3A_157 = vector.broadcast %mul3A_156 : f32 to vector<500x16xf32>
    %mul3A_158 = arith.mulf %mul3A_157, %add3A_78 : vector<500x16xf32>
    %exp3A_159 = math.exp %mul3A_158 : vector<500x16xf32>
    %mul3A_160 = arith.mulf %get3A_155, %exp3A_159 : vector<500x16xf32>
    %add3A_161 = arith.addf %mul3A_160, %add3A_53 : vector<500x16xf32>
    %get3A_162 = arith.constant 0 : index
    %get3A_163 = arith.constant 0 : index
    %get3A_164 = vector.load %arg4[%get3A_162, %get3A_163] : memref<500x16xf32, #tpu.memory_space<vmem>>, vector<500x16xf32>
    %mul3A_165 = arith.constant 5.000000e-01 : f32
    %mul3A_166 = vector.broadcast %mul3A_165 : f32 to vector<500x16xf32>
    %mul3A_167 = arith.mulf %mul3A_166, %add3A_152 : vector<500x16xf32>
    %exp3A_168 = math.exp %mul3A_167 : vector<500x16xf32>
    %mul3A_169 = arith.mulf %get3A_164, %exp3A_168 : vector<500x16xf32>
    %add3A_170 = arith.addf %mul3A_169, %add3A_123 : vector<500x16xf32>
    %abs3A_171 = math.absf %add3A_161 : vector<500x16xf32>
    %get3A_172 = arith.constant 0 : index
    %get3A_173 = arith.constant 0 : index
    %get3A_174 = vector.load %arg17[%get3A_172, %get3A_173] : memref<16x256xf32, #tpu.memory_space<vmem>>, vector<16x256xf32>
    %dot_general3A_175 = arith.constant dense<0.000000e+00> : vector<500x256xf32>
    %dot_general3A_176 = tpu.matmul %abs3A_171, %get3A_174, %dot_general3A_175 {dimension_numbers = #tpu.dot_dimension_numbers<[1], [0], [0], [1], [0, 0, 1, 1], [], []>, transpose_lhs_hint = false} : vector<500x16xf32>, vector<16x256xf32>, vector<500x256xf32> -> vector<500x256xf32>
    %mul3A_177 = vector.broadcast %rsqrt3A : vector<500x1xf32> to vector<500x256xf32>
    %mul3A_178 = arith.mulf %dot_general3A_176, %mul3A_177 : vector<500x256xf32>
    %dot_general3A_179 = arith.constant dense<0.000000e+00> : vector<500x256xf32>
    %dot_general3A_180 = tpu.matmul %add3A_14, %mul3A_178, %dot_general3A_179 {dimension_numbers = #tpu.dot_dimension_numbers<[1], [0], [0], [1], [0, 0, 1, 1], [], []>, transpose_lhs_hint = false} : vector<500x500xf32>, vector<500x256xf32>, vector<500x256xf32> -> vector<500x256xf32>
    %mul3A_181 = vector.broadcast %rsqrt3A : vector<500x1xf32> to vector<500x256xf32>
    %mul3A_182 = arith.mulf %dot_general3A_180, %mul3A_181 : vector<500x256xf32>
    %get3A_183 = arith.constant 0 : index
    %get3A_184 = arith.constant 0 : index
    %get3A_185 = vector.load %arg18[%get3A_183, %get3A_184] : memref<1x256xf32, #tpu.memory_space<vmem>>, vector<1x256xf32>
    %add3A_186 = vector.broadcast %get3A_185 : vector<1x256xf32> to vector<500x256xf32>
    %add3A_187 = arith.addf %mul3A_182, %add3A_186 : vector<500x256xf32>
    %max3A_188 = arith.constant 0.000000e+00 : f32
    %max3A_189 = vector.broadcast %max3A_188 : f32 to vector<500x256xf32>
    %max3A_190 = arith.maximumf %add3A_187, %max3A_189 : vector<500x256xf32>
    %get3A_191 = arith.constant 0 : index
    %get3A_192 = arith.constant 0 : index
    %get3A_193 = vector.load %arg19[%get3A_191, %get3A_192] : memref<1x256xf32, #tpu.memory_space<vmem>>, vector<1x256xf32>
    %dot_general3A_194 = arith.constant dense<0.000000e+00> : vector<500x1xf32>
    %dot_general3A_195 = tpu.matmul %max3A_190, %get3A_193, %dot_general3A_194 {dimension_numbers = #tpu.dot_dimension_numbers<[1], [1], [0], [0], [0, 0, 1, 0], [], []>, transpose_lhs_hint = false} : vector<500x256xf32>, vector<1x256xf32>, vector<500x1xf32> -> vector<500x1xf32>
    %mul3A_196 = arith.mulf %dot_general3A_195, %rsqrt3A : vector<500x1xf32>
    %dot_general3A_197 = arith.constant dense<0.000000e+00> : vector<500x1xf32>
    %dot_general3A_198 = tpu.matmul %add3A_14, %mul3A_196, %dot_general3A_197 {dimension_numbers = #tpu.dot_dimension_numbers<[1], [0], [0], [1], [0, 0, 1, 1], [], []>, transpose_lhs_hint = false} : vector<500x500xf32>, vector<500x1xf32>, vector<500x1xf32> -> vector<500x1xf32>
    %mul3A_199 = arith.mulf %dot_general3A_198, %rsqrt3A : vector<500x1xf32>
    %get3A_200 = arith.constant 0 : index
    %get3A_201 = arith.constant 0 : index
    %get3A_202 = vector.load %arg20[%get3A_200, %get3A_201] : memref<1x1xf32, #tpu.memory_space<vmem>>, vector<1x1xf32>
    %add3A_203 = vector.broadcast %get3A_202 : vector<1x1xf32> to vector<500x1xf32>
    %add3A_204 = arith.addf %mul3A_199, %add3A_203 : vector<500x1xf32>
    %max3A_205 = arith.constant 0.000000e+00 : f32
    %max3A_206 = vector.broadcast %max3A_205 : f32 to vector<500x1xf32>
    %max3A_207 = arith.maximumf %add3A_204, %max3A_206 : vector<500x1xf32>
    %neg3A_208 = arith.constant 0.000000e+00 : f32
    %neg3A_209 = vector.broadcast %neg3A_208 : f32 to vector<500x1xf32>
    %neg3A_210 = arith.subf %neg3A_209, %max3A_207 : vector<500x1xf32>
    %exp3A_211 = math.exp %neg3A_210 : vector<500x1xf32>
    %add3A_212 = arith.constant 1.000000e+00 : f32
    %add3A_213 = vector.broadcast %add3A_212 : f32 to vector<500x1xf32>
    %add3A_214 = arith.addf %add3A_213, %exp3A_211 : vector<500x1xf32>
    %div3A = arith.constant 1.000000e+00 : f32
    %div3A_215 = vector.broadcast %div3A : f32 to vector<500x1xf32>
    %div3A_216 = arith.divf %div3A_215, %add3A_214 : vector<500x1xf32>
    %swap3A = arith.constant 0 : index
    %swap3A_217 = arith.constant 0 : index
    %swap3A_218 = vector.load %arg36[%swap3A, %swap3A_217] : memref<500x1xf32, #tpu.memory_space<vmem>>, vector<500x1xf32>
    tpu.vector_store %arg36[%swap3A, %swap3A_217], %div3A_216 {strides = array<i32>} : memref<500x1xf32, #tpu.memory_space<vmem>>, vector<500x1xf32>,
    %concatenate3A = tpu.concatenate %add3A_161, %add3A_170 in 1 : vector<500x16xf32>, vector<500x16xf32> -> vector<500x32xf32>
    %abs3A_219 = math.absf %concatenate3A : vector<500x32xf32>
    %get3A_220 = arith.constant 0 : index
    %get3A_221 = arith.constant 0 : index
    %get3A_222 = vector.load %arg21[%get3A_220, %get3A_221] : memref<32x256xf32, #tpu.memory_space<vmem>>, vector<32x256xf32>
    %dot_general3A_223 = arith.constant dense<0.000000e+00> : vector<500x256xf32>
    %dot_general3A_224 = tpu.matmul %abs3A_219, %get3A_222, %dot_general3A_223 {dimension_numbers = #tpu.dot_dimension_numbers<[1], [0], [0], [1], [0, 0, 1, 1], [], []>, transpose_lhs_hint = false} : vector<500x32xf32>, vector<32x256xf32>, vector<500x256xf32> -> vector<500x256xf32>
    %mul3A_225 = vector.broadcast %rsqrt3A : vector<500x1xf32> to vector<500x256xf32>
    %mul3A_226 = arith.mulf %dot_general3A_224, %mul3A_225 : vector<500x256xf32>
    %dot_general3A_227 = arith.constant dense<0.000000e+00> : vector<500x256xf32>
    %dot_general3A_228 = tpu.matmul %add3A_14, %mul3A_226, %dot_general3A_227 {dimension_numbers = #tpu.dot_dimension_numbers<[1], [0], [0], [1], [0, 0, 1, 1], [], []>, transpose_lhs_hint = false} : vector<500x500xf32>, vector<500x256xf32>, vector<500x256xf32> -> vector<500x256xf32>
    %mul3A_229 = vector.broadcast %rsqrt3A : vector<500x1xf32> to vector<500x256xf32>
    %mul3A_230 = arith.mulf %dot_general3A_228, %mul3A_229 : vector<500x256xf32>
    %get3A_231 = arith.constant 0 : index
    %get3A_232 = arith.constant 0 : index
    %get3A_233 = vector.load %arg22[%get3A_231, %get3A_232] : memref<1x256xf32, #tpu.memory_space<vmem>>, vector<1x256xf32>
    %add3A_234 = vector.broadcast %get3A_233 : vector<1x256xf32> to vector<500x256xf32>
    %add3A_235 = arith.addf %mul3A_230, %add3A_234 : vector<500x256xf32>
    %max3A_236 = arith.constant 0.000000e+00 : f32
    %max3A_237 = vector.broadcast %max3A_236 : f32 to vector<500x256xf32>
    %max3A_238 = arith.maximumf %add3A_235, %max3A_237 : vector<500x256xf32>
    %get3A_239 = arith.constant 0 : index
    %get3A_240 = arith.constant 0 : index
    %get3A_241 = vector.load %arg23[%get3A_239, %get3A_240] : memref<256x128xf32, #tpu.memory_space<vmem>>, vector<256x128xf32>
    %dot_general3A_242 = arith.constant dense<0.000000e+00> : vector<500x128xf32>
    %dot_general3A_243 = tpu.matmul %max3A_238, %get3A_241, %dot_general3A_242 {dimension_numbers = #tpu.dot_dimension_numbers<[1], [0], [0], [1], [0, 0, 1, 1], [], []>, transpose_lhs_hint = false} : vector<500x256xf32>, vector<256x128xf32>, vector<500x128xf32> -> vector<500x128xf32>
    %mul3A_244 = vector.broadcast %rsqrt3A : vector<500x1xf32> to vector<500x128xf32>
    %mul3A_245 = arith.mulf %dot_general3A_243, %mul3A_244 : vector<500x128xf32>
    %dot_general3A_246 = arith.constant dense<0.000000e+00> : vector<500x128xf32>
    %dot_general3A_247 = tpu.matmul %add3A_14, %mul3A_245, %dot_general3A_246 {dimension_numbers = #tpu.dot_dimension_numbers<[1], [0], [0], [1], [0, 0, 1, 1], [], []>, transpose_lhs_hint = false} : vector<500x500xf32>, vector<500x128xf32>, vector<500x128xf32> -> vector<500x128xf32>
    %mul3A_248 = vector.broadcast %rsqrt3A : vector<500x1xf32> to vector<500x128xf32>
    %mul3A_249 = arith.mulf %dot_general3A_247, %mul3A_248 : vector<500x128xf32>
    %get3A_250 = arith.constant 0 : index
    %get3A_251 = arith.constant 0 : index
    %get3A_252 = vector.load %arg24[%get3A_250, %get3A_251] : memref<1x128xf32, #tpu.memory_space<vmem>>, vector<1x128xf32>
    %add3A_253 = vector.broadcast %get3A_252 : vector<1x128xf32> to vector<500x128xf32>
    %add3A_254 = arith.addf %mul3A_249, %add3A_253 : vector<500x128xf32>
    %swap3A_255 = arith.constant 0 : index
    %swap3A_256 = arith.constant 0 : index
    %swap3A_257 = vector.load %arg33[%swap3A_255, %swap3A_256] : memref<500x128xf32, #tpu.memory_space<vmem>>, vector<500x128xf32>
    tpu.vector_store %arg33[%swap3A_255, %swap3A_256], %add3A_254 {strides = array<i32>} : memref<500x128xf32, #tpu.memory_space<vmem>>, vector<500x128xf32>,
    %concatenate3A_258 = tpu.concatenate %add3A_161, %add3A_170 in 1 : vector<500x16xf32>, vector<500x16xf32> -> vector<500x32xf32>
    %swap3A_259 = arith.constant 0 : index
    %swap3A_260 = arith.constant 0 : index
    %swap3A_261 = vector.load %arg37[%swap3A_259, %swap3A_260] : memref<500x32xf32, #tpu.memory_space<vmem>>, vector<500x32xf32>
    tpu.vector_store %arg37[%swap3A_259, %swap3A_260], %concatenate3A_258 {strides = array<i32>} : memref<500x32xf32, #tpu.memory_space<vmem>>, vector<500x32xf32>,
    %get3A_262 = arith.constant 0 : index
    %get3A_263 = arith.constant 0 : index
    %get3A_264 = vector.load %arg25[%get3A_262, %get3A_263] : memref<144x512xf32, #tpu.memory_space<vmem>>, vector<144x512xf32>
    %slice3A_265 = vector.extract_strided_slice %get3A_264 {offsets = [0, 0], sizes = [16, 512], strides = [1, 1]} : vector<144x512xf32> to vector<16x512xf32>
    %dot_general3A_266 = arith.constant dense<0.000000e+00> : vector<500x512xf32>
    %dot_general3A_267 = tpu.matmul %add3A_170, %slice3A_265, %dot_general3A_266 {dimension_numbers = #tpu.dot_dimension_numbers<[1], [0], [0], [1], [0, 0, 1, 1], [], []>, transpose_lhs_hint = false} : vector<500x16xf32>, vector<16x512xf32>, vector<500x512xf32> -> vector<500x512xf32>
    %slice3A_268 = vector.extract_strided_slice %get3A_264 {offsets = [16, 0], sizes = [128, 512], strides = [1, 1]} : vector<144x512xf32> to vector<128x512xf32>
    %dot_general3A_269 = arith.constant dense<0.000000e+00> : vector<500x512xf32>
    %dot_general3A_270 = tpu.matmul %add3A_254, %slice3A_268, %dot_general3A_269 {dimension_numbers = #tpu.dot_dimension_numbers<[1], [0], [0], [1], [0, 0, 1, 1], [], []>, transpose_lhs_hint = false} : vector<500x128xf32>, vector<128x512xf32>, vector<500x512xf32> -> vector<500x512xf32>
    %add3A_271 = arith.addf %dot_general3A_267, %dot_general3A_270 : vector<500x512xf32>
    %mul3A_272 = vector.broadcast %rsqrt3A : vector<500x1xf32> to vector<500x512xf32>
    %mul3A_273 = arith.mulf %add3A_271, %mul3A_272 : vector<500x512xf32>
    %dot_general3A_274 = arith.constant dense<0.000000e+00> : vector<500x512xf32>
    %dot_general3A_275 = tpu.matmul %add3A_14, %mul3A_273, %dot_general3A_274 {dimension_numbers = #tpu.dot_dimension_numbers<[1], [0], [0], [1], [0, 0, 1, 1], [], []>, transpose_lhs_hint = false} : vector<500x500xf32>, vector<500x512xf32>, vector<500x512xf32> -> vector<500x512xf32>
    %mul3A_276 = vector.broadcast %rsqrt3A : vector<500x1xf32> to vector<500x512xf32>
    %mul3A_277 = arith.mulf %dot_general3A_275, %mul3A_276 : vector<500x512xf32>
    %get3A_278 = arith.constant 0 : index
    %get3A_279 = arith.constant 0 : index
    %get3A_280 = vector.load %arg26[%get3A_278, %get3A_279] : memref<1x512xf32, #tpu.memory_space<vmem>>, vector<1x512xf32>
    %add3A_281 = vector.broadcast %get3A_280 : vector<1x512xf32> to vector<500x512xf32>
    %add3A_282 = arith.addf %mul3A_277, %add3A_281 : vector<500x512xf32>
    %max3A_283 = arith.constant 0.000000e+00 : f32
    %max3A_284 = vector.broadcast %max3A_283 : f32 to vector<500x512xf32>
    %max3A_285 = arith.maximumf %add3A_282, %max3A_284 : vector<500x512xf32>
    %get3A_286 = arith.constant 0 : index
    %get3A_287 = arith.constant 0 : index
    %get3A_288 = vector.load %arg27[%get3A_286, %get3A_287] : memref<2x512xf32, #tpu.memory_space<vmem>>, vector<2x512xf32>
    %dot_general3A_289 = arith.constant dense<0.000000e+00> : vector<500x2xf32>
    %dot_general3A_290 = tpu.matmul %max3A_285, %get3A_288, %dot_general3A_289 {dimension_numbers = #tpu.dot_dimension_numbers<[1], [1], [0], [0], [0, 0, 1, 0], [], []>, transpose_lhs_hint = false} : vector<500x512xf32>, vector<2x512xf32>, vector<500x2xf32> -> vector<500x2xf32>
    %mul3A_291 = vector.broadcast %rsqrt3A : vector<500x1xf32> to vector<500x2xf32>
    %mul3A_292 = arith.mulf %dot_general3A_290, %mul3A_291 : vector<500x2xf32>
    %dot_general3A_293 = arith.constant dense<0.000000e+00> : vector<500x2xf32>
    %dot_general3A_294 = tpu.matmul %add3A_14, %mul3A_292, %dot_general3A_293 {dimension_numbers = #tpu.dot_dimension_numbers<[1], [0], [0], [1], [0, 0, 1, 1], [], []>, transpose_lhs_hint = false} : vector<500x500xf32>, vector<500x2xf32>, vector<500x2xf32> -> vector<500x2xf32>
    %mul3A_295 = vector.broadcast %rsqrt3A : vector<500x1xf32> to vector<500x2xf32>
    %mul3A_296 = arith.mulf %dot_general3A_294, %mul3A_295 : vector<500x2xf32>
    %get3A_297 = arith.constant 0 : index
    %get3A_298 = arith.constant 0 : index
    %get3A_299 = vector.load %arg28[%get3A_297, %get3A_298] : memref<1x2xf32, #tpu.memory_space<vmem>>, vector<1x2xf32>
    %add3A_300 = vector.broadcast %get3A_299 : vector<1x2xf32> to vector<500x2xf32>
    %add3A_301 = arith.addf %mul3A_296, %add3A_300 : vector<500x2xf32>
    %reduce_max3A = arith.constant dense<0xFF800000> : vector<500xf32>
    %reduce_max3A_302 = vector.multi_reduction <maximumf>, %add3A_301, %reduce_max3A [1] : vector<500x2xf32> to vector<500xf32>
    %broadcast_in_dim3A_303 = vector.shape_cast %reduce_max3A_302 : vector<500xf32> to vector<500x1xf32>
    %sub3A = vector.broadcast %broadcast_in_dim3A_303 : vector<500x1xf32> to vector<500x2xf32>
    %sub3A_304 = arith.subf %add3A_301, %sub3A : vector<500x2xf32>
    %exp3A_305 = math.exp %sub3A_304 : vector<500x2xf32>
    %reduce_sum3A_306 = arith.constant dense<0.000000e+00> : vector<500xf32>
    %reduce_sum3A_307 = vector.multi_reduction <add>, %exp3A_305, %reduce_sum3A_306 [1] : vector<500x2xf32> to vector<500xf32>
    %broadcast_in_dim3A_308 = vector.shape_cast %reduce_sum3A_307 : vector<500xf32> to vector<500x1xf32>
    %div3A_309 = vector.broadcast %broadcast_in_dim3A_308 : vector<500x1xf32> to vector<500x2xf32>
    %div3A_310 = arith.divf %exp3A_305, %div3A_309 : vector<500x2xf32>
    %swap3A_311 = arith.constant 0 : index
    %swap3A_312 = arith.constant 0 : index
    %swap3A_313 = vector.load %arg34[%swap3A_311, %swap3A_312] : memref<500x2xf32, #tpu.memory_space<vmem>>, vector<500x2xf32>
    tpu.vector_store %arg34[%swap3A_311, %swap3A_312], %div3A_310 {strides = array<i32>} : memref<500x2xf32, #tpu.memory_space<vmem>>, vector<500x2xf32>,
    %get3A_314 = arith.constant 0 : index
    %get3A_315 = arith.constant 0 : index
    %get3A_316 = vector.load %arg29[%get3A_314, %get3A_315] : memref<128x512xf32, #tpu.memory_space<vmem>>, vector<128x512xf32>
    %dot_general3A_317 = arith.constant dense<0.000000e+00> : vector<500x512xf32>
    %dot_general3A_318 = tpu.matmul %add3A_254, %get3A_316, %dot_general3A_317 {dimension_numbers = #tpu.dot_dimension_numbers<[1], [0], [0], [1], [0, 0, 1, 1], [], []>, transpose_lhs_hint = false} : vector<500x128xf32>, vector<128x512xf32>, vector<500x512xf32> -> vector<500x512xf32>
    %mul3A_319 = vector.broadcast %rsqrt3A : vector<500x1xf32> to vector<500x512xf32>
    %mul3A_320 = arith.mulf %dot_general3A_318, %mul3A_319 : vector<500x512xf32>
    %dot_general3A_321 = arith.constant dense<0.000000e+00> : vector<500x512xf32>
    %dot_general3A_322 = tpu.matmul %add3A_14, %mul3A_320, %dot_general3A_321 {dimension_numbers = #tpu.dot_dimension_numbers<[1], [0], [0], [1], [0, 0, 1, 1], [], []>, transpose_lhs_hint = false} : vector<500x500xf32>, vector<500x512xf32>, vector<500x512xf32> -> vector<500x512xf32>
    %mul3A_323 = vector.broadcast %rsqrt3A : vector<500x1xf32> to vector<500x512xf32>
    %mul3A_324 = arith.mulf %dot_general3A_322, %mul3A_323 : vector<500x512xf32>
    %get3A_325 = arith.constant 0 : index
    %get3A_326 = arith.constant 0 : index
    %get3A_327 = vector.load %arg30[%get3A_325, %get3A_326] : memref<1x512xf32, #tpu.memory_space<vmem>>, vector<1x512xf32>
    %add3A_328 = vector.broadcast %get3A_327 : vector<1x512xf32> to vector<500x512xf32>
    %add3A_329 = arith.addf %mul3A_324, %add3A_328 : vector<500x512xf32>
    %max3A_330 = arith.constant 0.000000e+00 : f32
    %max3A_331 = vector.broadcast %max3A_330 : f32 to vector<500x512xf32>
    %max3A_332 = arith.maximumf %add3A_329, %max3A_331 : vector<500x512xf32>
    %get3A_333 = arith.constant 0 : index
    %get3A_334 = arith.constant 0 : index
    %get3A_335 = vector.load %arg31[%get3A_333, %get3A_334] : memref<2x512xf32, #tpu.memory_space<vmem>>, vector<2x512xf32>
    %dot_general3A_336 = arith.constant dense<0.000000e+00> : vector<500x2xf32>
    %dot_general3A_337 = tpu.matmul %max3A_332, %get3A_335, %dot_general3A_336 {dimension_numbers = #tpu.dot_dimension_numbers<[1], [1], [0], [0], [0, 0, 1, 0], [], []>, transpose_lhs_hint = false} : vector<500x512xf32>, vector<2x512xf32>, vector<500x2xf32> -> vector<500x2xf32>
    %mul3A_338 = vector.broadcast %rsqrt3A : vector<500x1xf32> to vector<500x2xf32>
    %mul3A_339 = arith.mulf %dot_general3A_337, %mul3A_338 : vector<500x2xf32>
    %dot_general3A_340 = arith.constant dense<0.000000e+00> : vector<500x2xf32>
    %dot_general3A_341 = tpu.matmul %add3A_14, %mul3A_339, %dot_general3A_340 {dimension_numbers = #tpu.dot_dimension_numbers<[1], [0], [0], [1], [0, 0, 1, 1], [], []>, transpose_lhs_hint = false} : vector<500x500xf32>, vector<500x2xf32>, vector<500x2xf32> -> vector<500x2xf32>
    %mul3A_342 = vector.broadcast %rsqrt3A : vector<500x1xf32> to vector<500x2xf32>
    %mul3A_343 = arith.mulf %dot_general3A_341, %mul3A_342 : vector<500x2xf32>
    %get3A_344 = arith.constant 0 : index
    %get3A_345 = arith.constant 0 : index
    %get3A_346 = vector.load %arg32[%get3A_344, %get3A_345] : memref<1x2xf32, #tpu.memory_space<vmem>>, vector<1x2xf32>
    %add3A_347 = vector.broadcast %get3A_346 : vector<1x2xf32> to vector<500x2xf32>
    %add3A_348 = arith.addf %mul3A_343, %add3A_347 : vector<500x2xf32>
    %reduce_max3A_349 = arith.constant dense<0xFF800000> : vector<500xf32>
    %reduce_max3A_350 = vector.multi_reduction <maximumf>, %add3A_348, %reduce_max3A_349 [1] : vector<500x2xf32> to vector<500xf32>
    %broadcast_in_dim3A_351 = vector.shape_cast %reduce_max3A_350 : vector<500xf32> to vector<500x1xf32>
    %sub3A_352 = vector.broadcast %broadcast_in_dim3A_351 : vector<500x1xf32> to vector<500x2xf32>
    %sub3A_353 = arith.subf %add3A_348, %sub3A_352 : vector<500x2xf32>
    %exp3A_354 = math.exp %sub3A_353 : vector<500x2xf32>
    %reduce_sum3A_355 = arith.constant dense<0.000000e+00> : vector<500xf32>
    %reduce_sum3A_356 = vector.multi_reduction <add>, %exp3A_354, %reduce_sum3A_355 [1] : vector<500x2xf32> to vector<500xf32>
    %broadcast_in_dim3A_357 = vector.shape_cast %reduce_sum3A_356 : vector<500xf32> to vector<500x1xf32>
    %div3A_358 = vector.broadcast %broadcast_in_dim3A_357 : vector<500x1xf32> to vector<500x2xf32>
    %div3A_359 = arith.divf %exp3A_354, %div3A_358 : vector<500x2xf32>
    %swap3A_360 = arith.constant 0 : index
    %swap3A_361 = arith.constant 0 : index
    %swap3A_362 = vector.load %arg35[%swap3A_360, %swap3A_361] : memref<500x2xf32, #tpu.memory_space<vmem>>, vector<500x2xf32>
    tpu.vector_store %arg35[%swap3A_360, %swap3A_361], %div3A_359 {strides = array<i32>} : memref<500x2xf32, #tpu.memory_space<vmem>>, vector<500x2xf32>,
    return
  }
}

module attributes {stable_mosaic.version = 14 : i64} {
  func.func @_al_body(%arg0: i32, %arg1: memref<8x2000xf32, #tpu.memory_space<vmem>>, %arg2: memref<2000x512xf32, #tpu.memory_space<vmem>>, %arg3: memref<1x512xf32, #tpu.memory_space<vmem>>, %arg4: memref<4096x512xf32, #tpu.memory_space<vmem>>, %arg5: memref<4096xf32, #tpu.memory_space<vmem>>, %arg6: memref<4096xf32, #tpu.memory_space<vmem>>, %arg7: memref<4096xf32, #tpu.memory_space<vmem>>, %arg8: memref<1x512xf32, #tpu.memory_space<vmem>>) attributes {dimension_semantics = [#tpu.dimension_semantics<arbitrary>], iteration_bounds = array<i64: 39>, scalar_prefetch = 0 : i64, scratch_operands = 1 : i64, tpu.core_type = #tpu.core_type<tc>, window_params = [{pipeline_mode = #tpu.pipeline_mode<synchronous>, transform_indices = @transform_0, window_bounds = array<i64: 8, 2000>}, {transform_indices = @transform_1, window_bounds = array<i64: 2000, 512>}, {pipeline_mode = #tpu.pipeline_mode<synchronous>, transform_indices = @transform_2, window_bounds = array<i64: 1, 512>}, {transform_indices = @transform_3, window_bounds = array<i64: 4096, 512>}, {transform_indices = @transform_4, window_bounds = array<i64: 4096>}, {transform_indices = @transform_5, window_bounds = array<i64: 4096>}, {transform_indices = @transform_6, window_bounds = array<i64: 4096>}]} {
    %eq3A = arith.constant 0 : i32
    %eq3A_0 = arith.cmpi eq, %arg0, %eq3A : i32
    %convert_element_type3A = arith.extui %eq3A_0 : i1 to i32
    %cond3A = arith.constant 0 : i32
    %cond3A_1 = arith.cmpi ne, %convert_element_type3A, %cond3A : i32
    scf.if %cond3A_1 {
      %broadcast_in_dim3A = arith.constant 0.000000e+00 : f32
      %broadcast_in_dim3A_10 = vector.broadcast %broadcast_in_dim3A : f32 to vector<1x512xf32>
      %swap3A = arith.constant 0 : index
      %swap3A_11 = arith.constant 0 : index
      %swap3A_12 = vector.load %arg8[%swap3A, %swap3A_11] : memref<1x512xf32, #tpu.memory_space<vmem>>, vector<1x512xf32>
      tpu.vector_store %arg8[%swap3A, %swap3A_11], %broadcast_in_dim3A_10 {strides = array<i32>} : memref<1x512xf32, #tpu.memory_space<vmem>>, vector<1x512xf32>,
    } else {
    }
    %lt3A = arith.constant 8 : i32
    %lt3A_2 = arith.cmpi slt, %arg0, %lt3A : i32
    %convert_element_type3A_3 = arith.extui %lt3A_2 : i1 to i32
    %cond3A_4 = arith.constant 0 : i32
    %cond3A_5 = arith.cmpi ne, %convert_element_type3A_3, %cond3A_4 : i32
    scf.if %cond3A_5 {
      %get3A = arith.constant 0 : index
      %get3A_10 = arith.constant 0 : index
      %get3A_11 = vector.load %arg8[%get3A, %get3A_10] : memref<1x512xf32, #tpu.memory_space<vmem>>, vector<1x512xf32>
      %get3A_12 = arith.index_cast %arg0 : i32 to index
      %get3A_13 = arith.constant 0 : index
      %get3A_14 = vector.load %arg1[%get3A_12, %get3A_13] : memref<8x2000xf32, #tpu.memory_space<vmem>>, vector<1x2000xf32>
      %get3A_15 = arith.constant 0 : index
      %get3A_16 = arith.constant 0 : index
      %get3A_17 = vector.load %arg2[%get3A_15, %get3A_16] : memref<2000x512xf32, #tpu.memory_space<vmem>>, vector<2000x512xf32>
      %dot_general3A = arith.constant dense<0.000000e+00> : vector<1x512xf32>
      %dot_general3A_18 = tpu.matmul %get3A_14, %get3A_17, %dot_general3A {dimension_numbers = #tpu.dot_dimension_numbers<[1], [0], [0], [1], [0, 0, 1, 1], [], []>, transpose_lhs_hint = false} : vector<1x2000xf32>, vector<2000x512xf32>, vector<1x512xf32> -> vector<1x512xf32>
      %add3A = arith.addf %get3A_11, %dot_general3A_18 : vector<1x512xf32>
      %swap3A = arith.constant 0 : index
      %swap3A_19 = arith.constant 0 : index
      %swap3A_20 = vector.load %arg8[%swap3A, %swap3A_19] : memref<1x512xf32, #tpu.memory_space<vmem>>, vector<1x512xf32>
      tpu.vector_store %arg8[%swap3A, %swap3A_19], %add3A {strides = array<i32>} : memref<1x512xf32, #tpu.memory_space<vmem>>, vector<1x512xf32>,
    } else {
    }
    %ge3A = arith.constant 8 : i32
    %ge3A_6 = arith.cmpi sge, %arg0, %ge3A : i32
    %convert_element_type3A_7 = arith.extui %ge3A_6 : i1 to i32
    %cond3A_8 = arith.constant 0 : i32
    %cond3A_9 = arith.cmpi ne, %convert_element_type3A_7, %cond3A_8 : i32
    scf.if %cond3A_9 {
      %get3A = arith.constant 0 : index
      %get3A_10 = arith.constant 0 : index
      %get3A_11 = vector.load %arg8[%get3A, %get3A_10] : memref<1x512xf32, #tpu.memory_space<vmem>>, vector<1x512xf32>
      %get3A_12 = arith.constant 0 : index
      %get3A_13 = arith.constant 0 : index
      %get3A_14 = vector.load %arg3[%get3A_12, %get3A_13] : memref<1x512xf32, #tpu.memory_space<vmem>>, vector<1x512xf32>
      %add3A = arith.addf %get3A_11, %get3A_14 : vector<1x512xf32>
      %max3A = arith.constant 0.000000e+00 : f32
      %max3A_15 = vector.broadcast %max3A : f32 to vector<1x512xf32>
      %max3A_16 = arith.maximumf %add3A, %max3A_15 : vector<1x512xf32>
      %get3A_17 = arith.constant 0 : index
      %get3A_18 = arith.constant 0 : index
      %get3A_19 = vector.load %arg4[%get3A_17, %get3A_18] : memref<4096x512xf32, #tpu.memory_space<vmem>>, vector<4096x512xf32>
      %dot_general3A = arith.constant dense<0.000000e+00> : vector<1x4096xf32>
      %dot_general3A_20 = tpu.matmul %max3A_16, %get3A_19, %dot_general3A {dimension_numbers = #tpu.dot_dimension_numbers<[1], [1], [0], [0], [0, 0, 1, 0], [], []>, transpose_lhs_hint = false} : vector<1x512xf32>, vector<4096x512xf32>, vector<1x4096xf32> -> vector<1x4096xf32>
      %reshape3A = vector.shape_cast %dot_general3A_20 : vector<1x4096xf32> to vector<4096xf32>
      %get3A_21 = arith.constant 0 : index
      %get3A_22 = vector.load %arg5[%get3A_21] : memref<4096xf32, #tpu.memory_space<vmem>>, vector<4096xf32>
      %add3A_23 = arith.addf %reshape3A, %get3A_22 : vector<4096xf32>
      %swap3A = arith.constant 0 : index
      %swap3A_24 = vector.load %arg6[%swap3A] : memref<4096xf32, #tpu.memory_space<vmem>>, vector<4096xf32>
      tpu.vector_store %arg6[%swap3A], %add3A_23 {strides = array<i32>} : memref<4096xf32, #tpu.memory_space<vmem>>, vector<4096xf32>,
      %neg3A = arith.constant 0.000000e+00 : f32
      %neg3A_25 = vector.broadcast %neg3A : f32 to vector<4096xf32>
      %neg3A_26 = arith.subf %neg3A_25, %add3A_23 : vector<4096xf32>
      %exp3A = math.exp %neg3A_26 : vector<4096xf32>
      %add3A_27 = arith.constant 1.000000e+00 : f32
      %add3A_28 = vector.broadcast %add3A_27 : f32 to vector<4096xf32>
      %add3A_29 = arith.addf %add3A_28, %exp3A : vector<4096xf32>
      %div3A = arith.constant 1.000000e+00 : f32
      %div3A_30 = vector.broadcast %div3A : f32 to vector<4096xf32>
      %div3A_31 = arith.divf %div3A_30, %add3A_29 : vector<4096xf32>
      %swap3A_32 = arith.constant 0 : index
      %swap3A_33 = vector.load %arg7[%swap3A_32] : memref<4096xf32, #tpu.memory_space<vmem>>, vector<4096xf32>
      tpu.vector_store %arg7[%swap3A_32], %div3A_31 {strides = array<i32>} : memref<4096xf32, #tpu.memory_space<vmem>>, vector<4096xf32>,
    } else {
    }
    return
  }
  func.func @transform_0(%arg0: i32) -> (i32, i32) {
    %c0_i32 = arith.constant 0 : i32
    %c0_i32_0 = arith.constant 0 : i32
    %c0_i32_1 = arith.constant 0 : i32
    return %c0_i32, %c0_i32_0 : i32, i32
  }
  func.func @transform_1(%arg0: i32) -> (i32, i32) {
    %min3A = arith.constant 7 : i32
    %min3A_0 = arith.minsi %arg0, %min3A : i32
    %c0_i32 = arith.constant 0 : i32
    %c0_i32_1 = arith.constant 0 : i32
    return %min3A_0, %c0_i32 : i32, i32
  }
  func.func @transform_2(%arg0: i32) -> (i32, i32) {
    %c0_i32 = arith.constant 0 : i32
    %c0_i32_0 = arith.constant 0 : i32
    %c0_i32_1 = arith.constant 0 : i32
    return %c0_i32, %c0_i32_0 : i32, i32
  }
  func.func @transform_3(%arg0: i32) -> (i32, i32) {
    %sub3A = arith.constant 8 : i32
    %sub3A_0 = arith.subi %arg0, %sub3A : i32
    %max3A = arith.constant 0 : i32
    %max3A_1 = arith.maxsi %sub3A_0, %max3A : i32
    %c0_i32 = arith.constant 0 : i32
    %c0_i32_2 = arith.constant 0 : i32
    return %max3A_1, %c0_i32 : i32, i32
  }
  func.func @transform_4(%arg0: i32) -> i32 {
    %sub3A = arith.constant 8 : i32
    %sub3A_0 = arith.subi %arg0, %sub3A : i32
    %max3A = arith.constant 0 : i32
    %max3A_1 = arith.maxsi %sub3A_0, %max3A : i32
    %c0_i32 = arith.constant 0 : i32
    return %max3A_1 : i32
  }
  func.func @transform_5(%arg0: i32) -> i32 {
    %sub3A = arith.constant 8 : i32
    %sub3A_0 = arith.subi %arg0, %sub3A : i32
    %max3A = arith.constant 0 : i32
    %max3A_1 = arith.maxsi %sub3A_0, %max3A : i32
    %c0_i32 = arith.constant 0 : i32
    return %max3A_1 : i32
  }
  func.func @transform_6(%arg0: i32) -> i32 {
    %sub3A = arith.constant 8 : i32
    %sub3A_0 = arith.subi %arg0, %sub3A : i32
    %max3A = arith.constant 0 : i32
    %max3A_1 = arith.maxsi %sub3A_0, %max3A : i32
    %c0_i32 = arith.constant 0 : i32
    return %max3A_1 : i32
  }
}

</mosaic_0001>

<sc_bundles>
// kernel: kernel.6.cloned.1.call-start
scs
__scs_entry_jumppad:
0x0: {  	(pc) =	sbr.rel $0x88, $3  }
0x1: {  	(tag) =	ssettag $0x0;
	lr =	simm.s32 $0x1  }
0x2: {  	[smem:$0x3F7E] =	sst lr;
	_ =	strace $0xD0000000  }
0x3: {  	_ = 	snop  }
0x4: {  	_ = 	snop  }
0x5: {  	_ = 	snop  }
0x6: {  	_ = 	snop  }
0x7: {  	_ = 	snop  }
__scs_overlays_trampoline_lowered:
0x8: {  	[smem:$0x3F8D] =	sst s0  }
0x9: {  	[smem:$0x3F8E] =	sst s1  }
0xa: {  	[smem:$0x3F8F] =	sst s2  }
0xb: {  	[smem:$0x3F90] =	sst s3  }
0xc: {  	[smem:$0x3F91] =	sst s4  }
0xd: {  	[smem:$0x3F92] =	sst s5  }
0xe: {  	[smem:$0x3F93] =	sst s6  }
0xf: {  	[smem:$0x3F94] =	sst s7  }
0x10: {  	[smem:$0x3F95] =	sst s8  }
0x11: {  	[smem:$0x3F96] =	sst s9;
	s0 =	simm.s32 @!p0 $0x0  }
0x12: {  	s1 =	sld [smem:$0x3F7C];
	s0 =	simm.s32 @p0 $0x1  }
0x13: {  	[smem:$0x3F97] =	sst s0;
	s0 =	simm.s32 @!p1 $0x0  }
0x14: {  	s2 =	sld [smem:$0x3F7B];
	s0 =	simm.s32 @p1 $0x1  }
0x15: {  	[smem:$0x3F98] =	sst s0;
	s0 =	simm.s32 @!p2 $0x0  }
0x16: {  	s3 =	sld [smem:$0x3FDB];
	s0 =	simm.s32 @p2 $0x1  }
0x17: {  	s4 =	simm.s32 $0x1BF5;
	[smem:$0x3F9A] =	sst s0  }
0x18: {  	s0 =	sld [smem:$0x3F7D];
	_ =	swait.ge [sflag:s4], $0x0  }
0x19: {  	s7 =	sld [smem:$0x3F7E]  }
0x1a: {  	s8 =	sadd.s32 $0xFFFFE003, lr  }
0x1b: {  	s9 =	sadd.s32 $0xFFFFFEF7, lr;
	s5 =	simm.s32 $0xFFFFFFFF;
	p2 =	slt.u32 s8, $0xFFFFF086  }
0x1c: {  	p1 =	slt.u32 s9, $0xF7A;
	s5 =	simm.s32 @!p2 $0x0  }
0x1d: {  	s5 =	simm.s32 @p1 $0x1;
	p0 =	seq.s32 s7, s2  }
0x1e: {  	s7 =	smul.u32 @!p0 $0xF7A, s2;
	p2 =	seq.s32 @!p0 s5, $0x0  }
0x1f: {  	s9 =	smul.u32 $0xF7A, s1;
	s8 =	simm.s32 @!p0 $0x1BF5;
	p2 =	por !p2, p0  }
0x20: {  	[sflag:s8] =	ssyncset.s32 @!p0 $0xFFFFF086;
	s6 =	sadd.s32 @!p0 s3, s7;
	s7 =	simm.s32 @!p0 $0x108  }
0x21: {  	s3 =	sadd.s32 s3, s9;
	s6 =	sadd.s32 @!p0 $0x88, s6;
	s7 =	simm.s32 @p2 $0x1082  }
0x22: {  	[simem:s7], [sflag:s8] =	dma.local @!p0 [hbm:s6], $0xF7A  }
0x23: {  	s9 =	sor.u32 $0xD0000000, s2;
	s6 =	simm.s32 $0x108;
	_ =	swait.ge @!p0 [sflag:s8], $0x0  }
0x24: {  	s3 =	sadd.s32 $0x88, s3;
	s6 =	simm.s32 @!p1 $0x1082;
	[sflag:s4] =	ssyncset.s32 $0xFFFFF086  }
0x25: {  	[simem:s6], [sflag:s4] =	dma.local [hbm:s3], $0xF7A  }
0x26: {  	[smem:$0x3F7E] =	sst s1;
	(tag) =	ssettag s2;
	_ =	strace s9  }
0x27: {  	s1 =	sld [smem:$0x3F8E]  }
0x28: {  	s2 =	sld [smem:$0x3F8F]  }
0x29: {  	s4 =	sld [smem:$0x3F91]  }
0x2a: {  	p0 =	seq.s32 s5, $0x0;
	s5 =	sld [smem:$0x3F92]  }
0x2b: {  	s6 =	sld [smem:$0x3F93]  }
0x2c: {  	s7 =	sld [smem:$0x3F94]  }
0x2d: {  	s3 =	simm.s32 $0x108;
	s8 =	sld [smem:$0x3F95]  }
0x2e: {  	s3 =	simm.s32 @!p0 $0x1082;
	s9 =	sld [smem:$0x3F96]  }
0x2f: {  	lr =	sadd.s32 s0, s3;
	s0 =	sld [smem:$0x3F8D]  }
0x30: {  	s3 =	sld [smem:$0x3F90]  }
0x31: {  	[smem:$0x3F99] =	sst s10  }
0x32: {  	s10 =	sld [smem:$0x3F97];
	_ =	sdelay $0x3  }
0x33: {  	p0 =	seq.s32 s10, $0x1;
	s10 =	sld [smem:$0x3F99];
	_ =	sdelay $0x3  }
0x34: {  	[smem:$0x3F99] =	sst s10  }
0x35: {  	s10 =	sld [smem:$0x3F98];
	_ =	sdelay $0x3  }
0x36: {  	p1 =	seq.s32 s10, $0x1;
	s10 =	sld [smem:$0x3F99];
	_ =	sdelay $0x3  }
0x37: {  	[smem:$0x3F99] =	sst s10  }
0x38: {  	s10 =	sld [smem:$0x3F9A]  }
0x39: {  	_ = 	snop;
	(pc) =	sbr.ind lr, $3  }
0x3a: {  	_ = 	snop  }
0x3b: {  	_ = 	snop  }
0x3c: {  	p2 =	seq.s32 s10, $0x1;
	s10 =	sld [smem:$0x3F99]  }
0x3d: {  	_ =	shalt  }
0x3e: {  	_ =	shalt  }
0x3f: {  	_ =	shalt  }
0x40: {  	_ =	shalt  }
0x41: {  	_ =	shalt  }
0x42: {  	_ =	shalt  }
0x43: {  	_ =	shalt  }
0x44: {  	_ =	shalt  }
0x45: {  	_ =	shalt  }
0x46: {  	_ =	shalt  }
0x47: {  	_ =	shalt  }
0x48: {  	_ =	shalt  }
0x49: {  	_ =	shalt  }
0x4a: {  	_ =	shalt  }
0x4b: {  	_ =	shalt  }
0x4c: {  	_ =	shalt  }
0x4d: {  	_ =	shalt  }
0x4e: {  	_ =	shalt  }
0x4f: {  	_ =	shalt  }
0x50: {  	_ =	shalt  }
0x51: {  	_ =	shalt  }
0x52: {  	_ =	shalt  }
0x53: {  	_ =	shalt  }
0x54: {  	_ =	shalt  }
0x55: {  	_ =	shalt  }
0x56: {  	_ =	shalt  }
0x57: {  	_ =	shalt  }
0x58: {  	_ =	shalt  }
0x59: {  	_ =	shalt  }
0x5a: {  	_ =	shalt  }
0x5b: {  	_ =	shalt  }
0x5c: {  	_ =	shalt  }
0x5d: {  	_ =	shalt  }
0x5e: {  	_ =	shalt  }
0x5f: {  	_ =	shalt  }
0x60: {  	_ =	shalt  }
0x61: {  	_ =	shalt  }
0x62: {  	_ =	shalt  }
0x63: {  	_ =	shalt  }
0x64: {  	_ =	shalt  }
0x65: {  	_ =	shalt  }
0x66: {  	_ =	shalt  }
0x67: {  	_ =	shalt  }
0x68: {  	_ =	shalt  }
0x69: {  	_ =	shalt  }
0x6a: {  	_ =	shalt  }
0x6b: {  	_ =	shalt  }
0x6c: {  	_ =	shalt  }
0x6d: {  	_ =	shalt  }
0x6e: {  	_ =	shalt  }
0x6f: {  	_ =	shalt  }
0x70: {  	_ =	shalt  }
0x71: {  	_ =	shalt  }
0x72: {  	_ =	shalt  }
0x73: {  	_ =	shalt  }
0x74: {  	_ =	shalt  }
0x75: {  	_ =	shalt  }
0x76: {  	_ =	shalt  }
0x77: {  	_ =	shalt  }
0x78: {  	_ =	shalt  }
0x79: {  	_ =	shalt  }
0x7a: {  	_ =	shalt  }
0x7b: {  	_ =	shalt  }
0x7c: {  	_ =	shalt  }
0x7d: {  	_ =	shalt  }
0x7e: {  	_ =	shalt  }
0x7f: {  	_ =	shalt  }
0x80: {  	_ =	shalt  }
0x81: {  	_ =	shalt  }
0x82: {  	_ =	shalt  }
0x83: {  	_ =	shalt  }
0x84: {  	_ =	shalt  }
0x85: {  	_ =	shalt  }
0x86: {  	_ =	shalt  }
0x87: {  	_ =	shalt  }
.Lfunc_end0:
.L_simem_size_0:
called_computation_lowered:
.L_overlay_start_0:
0x88: {  	s2 =	sld [smem:$0x3FD9]  }
0x89: {  	s3 =	sld [smem:$0x3FFE];
	_ =	sdelay $0x1  }
0x8a: {  	s1 =	srdreg.scid  }
0x8b: {  	s0 =	sand.u32 $0x1, s1  }
0x8c: {  	s14 =	sshll.u32 s0, $0xA;
	s2 =	sadd.s32 s3, s2  }
0x8d: {  	s2 =	sadd.s32 s2, s14  }
0x8e: {  	[smem:$0x3FA5] =	sst s2  }
0x8f: {  	_ = 	snop  }
0x90: {  	s2 =	sld [smem:$0x3FD0];
	_ =	sdelay $0x2  }
0x91: {  	s15 =	simm.s32 $0xA;
	s4 =	simm.s32 $0x10  }
0x92: {  	[smem:s4], [sflag:s15] =	dma.local [hbm:s2], $0x1  }
0x93: {  	_ =	swait.eq [sflag:s15], $0x1  }
0x94: {  	[sflag:s15] =	ssyncset.done $0x0  }
0x95: {  	s16 =	sld [smem:$0x10];
	[sflag:s15] =	ssyncadd.s32 $0xFFFFFFFF  }
0x96: {  	s17 =	sld [smem:$0x12];
	(tm) =	ssettm $0x1  }
0x97: {  	s18 =	sld [smem:$0x3FFB];
	_ =	sdelay $0x3  }
0x98: {  	_ =	strace s18  }
0x99: {  	s4 =	sld [smem:$0x3FFC];
	_ =	sdelay $0x3  }
0x9a: {  	_ =	strace s4  }
0x9b: {  	s4 =	sld [smem:$0x3FFD];
	_ =	sdelay $0x3  }
0x9c: {  	_ =	strace s4  }
0x9d: {  	_ =	strace $0x8FFFFFFF  }
0x9e: {  	s19 =	sld [smem:$0x3FDB];
	_ =	sdelay $0x1  }
0x9f: {  	s5 =	simm.s32 $_scs_section_size  }
0xa0: {  	s6 =	simm.s32 $_size__tile_overlayer_lowered;
	s7 =	simm.s32 $_tile_overlayer_lowered  }
0xa1: {  	s22 =	simm.s32 $0x1BFF;
	s21 =	sshll.u32 s7, $0x1;
	s4 =	sadd.s32 s5, s19  }
0xa2: {  	s8 =	simm.s32 $0x0;
	s20 =	sshll.u32 s6, $0x1;
	s6 =	sadd.s32 s21, s4  }
0xa3: {  	[timem:s8], [sflag:s22] =	dma.local [hbm:s6], s20  }
0xa4: {  	_ =	swait.ge [sflag:s22], s20  }
0xa5: {  	s5 =	ssub.s32 $0x0, s20;
	[sflag:s22] =	ssyncset.done $0x0  }
0xa6: {  	[sflag:s22] =	ssyncadd.s32 s5;
	_ =	sdelay $0x1  }
0xa7: {  	s23 =	simm.s32 $0x1B8B  }
0xa8: {  	_ =	swait.ge [sflag:s23], $0x1  }
0xa9: {  	[sflag:s23] =	ssyncset.done $0x0  }
0xaa: {  	s25 =	simm.s32 $0x1B8E;
	s24 =	sld [smem:$0x3FFE];
	[sflag:s23] =	ssyncadd.s32 $0xFFFFFFFF  }
0xab: {  	s26 =	simm.s32 $execute0_lowered;
	[smem:$0x3FD2] =	sst s25  }
0xac: {  	s6 =	sshll.u32 s26, $0x1;
	_ =	strace $0x80000046;
	[dreg:$0x1] =	wrdreg $0xFFFFFFFF  }
0xad: {  	s28 =	simm.s32 $_size_execute0_lowered;
	s4 =	sadd.s32 s4, s6;
	[dreg:$0x0] =	wrdreg $0x0  }
0xae: {  	s6 =	sshll.u32 s28, $0x1;
	[dreg:$0x2] =	wrdreg s4  }
0xaf: {  	[dreg:$0x3] =	wrdreg s6  }
0xb0: {  	[dreg:$0x4] =	wrdreg $0xC0  }
0xb1: {  	_ =	task [dreg:s8], $0x5FFFF  }
0xb2: {  	[dreg:$0x1] =	wrdreg $0xFFFFFFFF  }
0xb3: {  	[dreg:$0x0] =	wrdreg $0x60  }
0xb4: {  	[dreg:$0x2] =	wrdreg s16  }
0xb5: {  	[dreg:$0x3] =	wrdreg s17  }
0xb6: {  	[dreg:$0x4] =	wrdreg s24  }
0xb7: {  	[dreg:$0x5] =	wrdreg $0xF000  }
0xb8: {  	[dreg:$0x6] =	wrdreg $0x9  }
0xb9: {  	_ =	task.clear_ibuf [dreg:s8], $0x7FFFF;
	_ =	strace $0x90000046  }
0xba: {  	s29 =	simm.s32 $0x9;
	_ =	strace $0x80000048  }
0xbb: {  	_ =	swait.ge [sflag:s29], $0x1  }
0xbc: {  	[sflag:s29] =	ssyncadd.s32 $0xFFFFFFFF  }
0xbd: {  	_ =	strace $0x90000048  }
0xbe: {  	_ =	sfence  }
0xbf: {  	s30 =	sld [smem:$0x0];
	_ =	sdelay $0x2  }
0xc0: {  	s31 =	sshll.u32 s1, $0xD;
	s1 =	sshrl.u32 s1, $0x2  }
0xc1: {  	s3 =	sand.u32 $0x4000, s31;
	s1 =	sadd.s32 s1, s30  }
0xc2: {  	s0 =	sor.u32 s3, s0;
	s1 =	sshll.u32 s1, $0x11  }
0xc3: {  	s0 =	sor.u32 s1, s0  }
0xc4: {  	s0 =	sadd.s32 $0x8F2B, s0  }
0xc5: {  	[sflag:s0] =	ssyncadd.remote.s32 $0x1  }
0xc6: {  	_ =	sfence.sel $0xFFFF  }
0xc7: {  	[dreg:$0x0] =	wrdreg $0xFFFFFFFF;
	(pc) =	sbr.abs _section_cstart, $3  }
0xc8: {  	[dreg:$0x1] =	wrdreg $0xFFFFFFFF  }
0xc9: {  	_ =	task.clear_ibuf [dreg:s8], $0x2FFFF;
	_ =	strace $0x9FFFFFFF  }
0xca: {  	(tm) =	ssettm $0x7FFFFFFF  }
0xcb: {  	_ =	shalt  }
tec
execute0_lowered:
.L_overlay_start_1:
0x0: {  	(tag) =	ssettag $0x1  }
0x1: {  	s5 =	rddreg [dreg:$0x0]  }
0x2: {  	s1 =	rddreg [dreg:$0x1]  }
0x3: {  	s6 =	rddreg [dreg:$0x2]  }
0x4: {  	s3 =	rddreg [dreg:$0x3]  }
0x5: {  	s0 =	rddreg [dreg:$0x4]  }
0x6: {  	s4 =	simm.s32 $0x0;
	s2 =	stileid.u32;
	s7 =	srdreg.scid  }
0x7: {  	s13 =	simm.s32 $0x80;
	s14 =	simm.s32 $0x700;
	s15 =	simm.s32 $0xB00  }
0x8: {  	s16 =	simm.s32 $0x780;
	s17 =	simm.s32 $0xB80;
	s18 =	simm.s32 $0x800  }
0x9: {  	s19 =	simm.s32 $0xC00;
	s20 =	simm.s32 $0x880;
	s21 =	simm.s32 $0xC80  }
0xa: {  	s22 =	simm.s32 $0x900;
	s23 =	simm.s32 $0xD00;
	s24 =	simm.s32 $0x980  }
0xb: {  	s25 =	simm.s32 $0xD80;
	s28 =	simm.s32 $0xE00;
	[smem:$0x7FF] =	sst s4  }
0xc: {  	s7 =	sand.u32 $0x1, s7;
	s8 =	sshll.u32 s2, $0x1;
	s9 =	sshll.u32 s2, $0xB  }
0xd: {  	s11 =	sshll.u32 s2, $0xE;
	s30 =	sshll.u32 s2, $0x6;
	p0 =	sgt.u32 s2, $0x9  }
0xe: {  	_ =	strace $0x80000047;
	s8 =	sor.u32 s7, s8;
	s10 =	ssub.s32 $0x2, s7  }
0xf: {  	s9 =	sadd.s32 s9, s6;
	s11 =	sadd.s32 s11, s3;
	s8 =	smul.u32 $0x320, s8  }
.Ltmp0:
0x10: {  	s12 =	sshll.u32 s7, $0xF;
	s6 =	sor.u32 $0x1C01, s30;
	(pc) =	sbr.rel .LBB2_1-.Ltmp0, $4  }
0x11: {  	s26 =	sshrl.u32 s10, $0x1;
	s31 =	sadd.s32 s12, s9;
	s12 =	simm.s32 $0x380  }
0x12: {  	s10 =	ssub.s32 s10, s26;
	s26 =	simm.s32 $0xA00;
	s29 =	sshrl.u32 s8, $0x3  }
0x13: {  	s8 =	sadd.s32 $0x4E00, s31;
	s9 =	smax.u32 s10, $0x1;
	s5 =	sadd.s32 s5, s29  }
0x14: {  	v0 =	vimm.f32 $1.000000000e+00;
	v1 =	vimm.s32 $0x3FFFF;
	v2 =	vimm.f32 $0.0e+00;
	s10 =	sshrl.u32 s11, $0x3;
	s11 =	simm.s32 $0x1;
	s7 =	sadd.s32 $0x7D0, s5  }
.LBB2_3:
0x15: {  	s9 =	sadd.s32 $0xFFFFFFFF, s9  }
0x16: {  	p1 =	sne.s32 s9, $0x0  }
.Ltmp1:
0x17: {  	[bflag:$0x0] =	sbarrier.arrive $0xFFFF;
	(pc) =	sbr.rel @!p1 .LBB2_4-.Ltmp1, $4  }
0x18: {  	[hbm:s8], [sflag:s6] =	dma.local [spmem:s10], $0x800  }
0x19: {  	_ =	swait.ge [sflag:s11], $0x800  }
0x1a: {  	[sflag:s11] =	ssyncset.done $0x0  }
0x1b: {  	[sflag:s11] =	ssyncadd.s32 $0xFFFFF800  }
.LBB2_1:
0x1c: {  	[spmem:s10], [sflag:s6] =	dma.local [hbm:s1], $0x800  }
.Ltmp2:
0x1d: {  	_ =	swait.ge [sflag:s11], $0x800;
	(pc) =	sbr.rel @p0 .LBB2_3-.Ltmp2, $3  }
0x1e: {  	[sflag:s11] =	ssyncset.done $0x0  }
0x1f: {  	[sflag:s11] =	ssyncadd.s32 $0xFFFFF800  }
0x20: {  	[bflag:$0x0] =	sbarrier.arrive $0xFFFF;
	_ =	sdelay $0x1  }
0x21: {  	[tilespmem:s4], [sflag:$0x1] =	stream.linear.gather [hbm4b:s5+s4], $0x320, $0x38;
	[tilespmem:$0x4F00] =	vst v63  }
0x22: {  	_ =	swait.ge [sflag:s11], $0x320  }
0x23: {  	[sflag:s11] =	ssyncset.done $0x0  }
0x24: {  	[sflag:s11] =	ssyncadd.s32 $0xFFFFFCE0  }
0x25: {  	[tilespmem:s12], [sflag:$0x1] =	stream.linear.gather [hbm4b:s7+s4], $0x320, $0x38;
	[tilespmem:$0x4F00] =	vst v63  }
0x26: {  	_ =	swait.ge [sflag:s11], $0x320  }
0x27: {  	[sflag:s11] =	ssyncset.done $0x0  }
0x28: {  	[sflag:s11] =	ssyncadd.s32 $0xFFFFFCE0  }
0x29: {  	v3 =	vld [tilespmem:$0x0]  }
0x2a: {  	v4 =	vld [tilespmem:$0x380]  }
0x2b: {  	v5 =	vld [tilespmem:$0x10]  }
0x2c: {  	v6 =	vld [tilespmem:$0x390]  }
0x2d: {  	v7 =	vld [tilespmem:$0x20]  }
0x2e: {  	v8 =	vld [tilespmem:$0x3A0]  }
0x2f: {  	v9 =	vld [tilespmem:$0x30]  }
0x30: {  	v10 =	vld [tilespmem:$0x3B0]  }
0x31: {  	v11 =	vld [tilespmem:$0x40]  }
0x32: {  	v12 =	vld [tilespmem:$0x3C0]  }
0x33: {  	v13 =	vld [tilespmem:$0x50]  }
0x34: {  	v14 =	vld [tilespmem:$0x3D0]  }
0x35: {  	v15 =	vld [tilespmem:$0x60]  }
0x36: {  	v16 =	vld [tilespmem:$0x3E0]  }
0x37: {  	v17 =	vld [tilespmem:$0x70]  }
0x38: {  	v18 =	vld [tilespmem:$0x3F0]  }
0x39: {  	v19 =	vld [tilespmem:$0x80]  }
0x3a: {  	v20 =	vld [tilespmem:$0x400]  }
0x3b: {  	v21 =	vld [tilespmem:$0x90]  }
0x3c: {  	v22 =	vld [tilespmem:$0x410]  }
0x3d: {  	v23 =	vld [tilespmem:$0xA0]  }
0x3e: {  	v24 =	vld [tilespmem:$0x420]  }
0x3f: {  	v25 =	vld [tilespmem:$0xB0]  }
0x40: {  	v26 =	vld [tilespmem:$0x430]  }
0x41: {  	v27 =	vld [tilespmem:$0xC0]  }
0x42: {  	v28 =	vld [tilespmem:$0x440]  }
0x43: {  	v29 =	vld [tilespmem:$0xD0]  }
0x44: {  	v30 =	vld [tilespmem:$0x450]  }
0x45: {  	v31 =	vld [tilespmem:$0xE0]  }
0x46: {  	v32 =	vld [tilespmem:$0x460]  }
0x47: {  	v33 =	vld [tilespmem:$0xF0];
	[tilespmem:$0xB00] =	vst v0  }
0x48: {  	v34 =	vld [tilespmem:$0x470];
	[tilespmem:$0xB10] =	vst v0  }
0x49: {  	v35 =	vld [tilespmem:$0x100];
	[tilespmem:$0xB20] =	vst v0  }
0x4a: {  	v36 =	vld [tilespmem:$0x480];
	[tilespmem:$0xB30] =	vst v0  }
0x4b: {  	v37 =	vld [tilespmem:$0x110];
	[tilespmem:$0xB40] =	vst v0  }
0x4c: {  	v38 =	vld [tilespmem:$0x490];
	[tilespmem:$0xB50] =	vst v0  }
0x4d: {  	v39 =	vld [tilespmem:$0x120];
	[tilespmem:$0xB60] =	vst v0  }
0x4e: {  	v40 =	vld [tilespmem:$0x4A0];
	[tilespmem:$0xB70] =	vst v0  }
0x4f: {  	v41 =	vld [tilespmem:$0x130];
	[tilespmem:$0xB80] =	vst v0  }
0x50: {  	v42 =	vld [tilespmem:$0x4B0];
	[tilespmem:$0xB90] =	vst v0  }
0x51: {  	v43 =	vld [tilespmem:$0x140];
	[tilespmem:$0xBA0] =	vst v0  }
0x52: {  	v44 =	vld [tilespmem:$0x4C0];
	[tilespmem:$0xBB0] =	vst v0  }
0x53: {  	v45 =	vld [tilespmem:$0x150];
	[tilespmem:$0xBC0] =	vst v0  }
0x54: {  	v46 =	vld [tilespmem:$0x4D0];
	[tilespmem:$0xBD0] =	vst v0  }
0x55: {  	v47 =	vld [tilespmem:$0x160];
	[tilespmem:$0xBE0] =	vst v0;
	v4 =	vshll.u32 v4, $0x9  }
0x56: {  	v60 =	vld [tilespmem:$0x4E0];
	[tilespmem:$0xBF0] =	vst v0;
	v59 =	vshll.u32 v6, $0x9;
	v3 =	vadd.s32 v3, v4  }
0x57: {  	v63 =	vld [tilespmem:$0x4F0];
	v61 =	vshll.u32 v8, $0x9;
	[tilespmem:$0x700] =	vst v3;
	v3 =	vadd.s32 v5, v59  }
0x58: {  	v49 =	vld [tilespmem:$0x1E0];
	v62 =	vshll.u32 v10, $0x9;
	[tilespmem:$0x710] =	vst v3;
	v3 =	vadd.s32 v7, v61  }
0x59: {  	v51 =	vld [tilespmem:$0x560];
	v12 =	vshll.u32 v12, $0x9;
	[tilespmem:$0x720] =	vst v3;
	v3 =	vadd.s32 v9, v62  }
0x5a: {  	v53 =	vld [tilespmem:$0x1F0];
	v14 =	vshll.u32 v14, $0x9;
	[tilespmem:$0x730] =	vst v3;
	v3 =	vadd.s32 v11, v12  }
0x5b: {  	v55 =	vld [tilespmem:$0x570];
	v16 =	vshll.u32 v16, $0x9;
	[tilespmem:$0x740] =	vst v3;
	v3 =	vadd.s32 v13, v14  }
0x5c: {  	v57 =	vld [tilespmem:$0x200];
	v18 =	vshll.u32 v18, $0x9;
	[tilespmem:$0x750] =	vst v3;
	v3 =	vadd.s32 v15, v16  }
0x5d: {  	v8 =	vld [tilespmem:$0x180];
	v20 =	vshll.u32 v20, $0x9;
	[tilespmem:$0x760] =	vst v3;
	v3 =	vadd.s32 v17, v18  }
0x5e: {  	v10 =	vld [tilespmem:$0x190];
	v22 =	vshll.u32 v22, $0x9;
	[tilespmem:$0x770] =	vst v3;
	v3 =	vadd.s32 v19, v20  }
0x5f: {  	v24 =	vshll.u32 v24, $0x9;
	v48 =	vshll.u32 v36, $0x9;
	v36 =	vld [tilespmem:$0x5C0];
	[tilespmem:$0x780] =	vst v3;
	v3 =	vadd.s32 v21, v22  }
0x60: {  	v26 =	vshll.u32 v26, $0x9;
	v50 =	vshll.u32 v38, $0x9;
	v38 =	vld [tilespmem:$0x250];
	[tilespmem:$0x790] =	vst v3;
	v3 =	vadd.s32 v23, v24  }
0x61: {  	v28 =	vshll.u32 v28, $0x9;
	v52 =	vshll.u32 v40, $0x9;
	v40 =	vld [tilespmem:$0x5D0];
	[tilespmem:$0x7A0] =	vst v3;
	v3 =	vadd.s32 v25, v26  }
0x62: {  	v30 =	vshll.u32 v30, $0x9;
	v54 =	vshll.u32 v42, $0x9;
	v42 =	vld [tilespmem:$0x260];
	[tilespmem:$0x7B0] =	vst v3;
	v3 =	vadd.s32 v27, v28  }
0x63: {  	v32 =	vshll.u32 v32, $0x9;
	v5 =	vld [tilespmem:$0x170];
	[tilespmem:$0x7C0] =	vst v3;
	v3 =	vadd.s32 v29, v30  }
0x64: {  	v34 =	vshll.u32 v34, $0x9;
	v59 =	vld [tilespmem:$0x580];
	[tilespmem:$0x7D0] =	vst v3;
	v3 =	vadd.s32 v31, v32  }
0x65: {  	v9 =	vld [tilespmem:$0x500];
	[tilespmem:$0x7E0] =	vst v3;
	v3 =	vadd.s32 v33, v34  }
0x66: {  	v11 =	vld [tilespmem:$0x510];
	[tilespmem:$0x7F0] =	vst v3;
	v3 =	vadd.s32 v35, v48  }
0x67: {  	v12 =	vld [tilespmem:$0x1A0];
	[tilespmem:$0x800] =	vst v3;
	v3 =	vadd.s32 v37, v50  }
0x68: {  	v13 =	vld [tilespmem:$0x520];
	[tilespmem:$0x810] =	vst v3;
	v3 =	vadd.s32 v39, v52  }
0x69: {  	v56 =	vshll.u32 v44, $0x9;
	v14 =	vld [tilespmem:$0x1B0];
	[tilespmem:$0x820] =	vst v3;
	v3 =	vadd.s32 v41, v54  }
0x6a: {  	v58 =	vshll.u32 v46, $0x9;
	v15 =	vld [tilespmem:$0x530];
	[tilespmem:$0x830] =	vst v3;
	v3 =	vadd.s32 v43, v56  }
0x6b: {  	v60 =	vshll.u32 v60, $0x9;
	v16 =	vld [tilespmem:$0x1C0];
	[tilespmem:$0x840] =	vst v3;
	v3 =	vadd.s32 v45, v58  }
0x6c: {  	v62 =	vshll.u32 v63, $0x9;
	v17 =	vld [tilespmem:$0x540];
	[tilespmem:$0x850] =	vst v3;
	v3 =	vadd.s32 v47, v60  }
0x6d: {  	v19 =	vld [tilespmem:$0x550];
	v9 =	vshll.u32 v9, $0x9;
	[tilespmem:$0x860] =	vst v3;
	v3 =	vadd.s32 v5, v62  }
0x6e: {  	v18 =	vld [tilespmem:$0x1D0];
	v27 =	vshll.u32 v11, $0x9;
	[tilespmem:$0x870] =	vst v3;
	v3 =	vadd.s32 v8, v9  }
0x6f: {  	v61 =	vld [tilespmem:$0x210];
	v29 =	vshll.u32 v13, $0x9;
	[tilespmem:$0x880] =	vst v3;
	v3 =	vadd.s32 v10, v27  }
0x70: {  	v63 =	vld [tilespmem:$0x590];
	v31 =	vshll.u32 v15, $0x9;
	[tilespmem:$0x890] =	vst v3;
	v3 =	vadd.s32 v12, v29  }
0x71: {  	v26 =	vld [tilespmem:$0x220];
	v33 =	vshll.u32 v17, $0x9;
	[tilespmem:$0x8A0] =	vst v3;
	v3 =	vadd.s32 v14, v31  }
0x72: {  	v28 =	vld [tilespmem:$0x5A0];
	v35 =	vshll.u32 v19, $0x9;
	[tilespmem:$0x8B0] =	vst v3;
	v3 =	vadd.s32 v16, v33  }
0x73: {  	v32 =	vld [tilespmem:$0x5B0];
	v37 =	vshll.u32 v51, $0x9;
	[tilespmem:$0x8C0] =	vst v3;
	v3 =	vadd.s32 v18, v35  }
0x74: {  	v30 =	vld [tilespmem:$0x230];
	v39 =	vshll.u32 v55, $0x9;
	[tilespmem:$0x8D0] =	vst v3;
	v3 =	vadd.s32 v49, v37  }
0x75: {  	v34 =	vld [tilespmem:$0x240];
	v41 =	vshll.u32 v59, $0x9;
	[tilespmem:$0x8E0] =	vst v3;
	v3 =	vadd.s32 v53, v39  }
0x76: {  	v44 =	vld [tilespmem:$0x5E0];
	v43 =	vshll.u32 v63, $0x9;
	[tilespmem:$0x8F0] =	vst v3;
	v3 =	vadd.s32 v57, v41  }
0x77: {  	v46 =	vld [tilespmem:$0x5F0];
	v45 =	vshll.u32 v28, $0x9;
	[tilespmem:$0x900] =	vst v3;
	v3 =	vadd.s32 v61, v43  }
0x78: {  	v48 =	vld [tilespmem:$0x270];
	v47 =	vshll.u32 v32, $0x9;
	[tilespmem:$0x910] =	vst v3;
	v3 =	vadd.s32 v26, v45  }
0x79: {  	v49 =	vshll.u32 v36, $0x9;
	v53 =	vld [tilespmem:$0x600];
	[tilespmem:$0x920] =	vst v3;
	v3 =	vadd.s32 v30, v47  }
0x7a: {  	v50 =	vshll.u32 v40, $0x9;
	v54 =	vld [tilespmem:$0x280];
	[tilespmem:$0x930] =	vst v3;
	v3 =	vadd.s32 v34, v49  }
0x7b: {  	v51 =	vshll.u32 v44, $0x9;
	[tilespmem:$0x940] =	vst v3;
	v3 =	vadd.s32 v38, v50  }
0x7c: {  	v52 =	vshll.u32 v46, $0x9;
	[tilespmem:$0x950] =	vst v3;
	v3 =	vadd.s32 v42, v51  }
0x7d: {  	[tilespmem:$0x960] =	vst v3;
	v3 =	vadd.s32 v48, v52  }
0x7e: {  	[tilespmem:$0x970] =	vst v3;
	v3 =	vshll.u32 v53, $0x9  }
0x7f: {  	[tilespmem:$0xC00] =	vst v0;
	v55 =	vld [tilespmem:$0x610];
	v3 =	vadd.s32 v54, v3  }
0x80: {  	[tilespmem:$0x980] =	vst v3;
	v3 =	vld [tilespmem:$0x290]  }
0x81: {  	[tilespmem:$0xC10] =	vst v0  }
0x82: {  	[tilespmem:$0xC20] =	vst v0  }
0x83: {  	[tilespmem:$0xC30] =	vst v0  }
0x84: {  	[tilespmem:$0xC40] =	vst v0;
	v4 =	vshll.u32 v55, $0x9  }
0x85: {  	[tilespmem:$0xC50] =	vst v0;
	v56 =	vld [tilespmem:$0x620];
	v3 =	vadd.s32 v3, v4  }
0x86: {  	[tilespmem:$0x990] =	vst v3;
	v3 =	vld [tilespmem:$0x2A0]  }
0x87: {  	[tilespmem:$0xC60] =	vst v0  }
0x88: {  	[tilespmem:$0xC70] =	vst v0  }
0x89: {  	[tilespmem:$0xC80] =	vst v0  }
0x8a: {  	[tilespmem:$0xC90] =	vst v0;
	v4 =	vshll.u32 v56, $0x9  }
0x8b: {  	[tilespmem:$0xCA0] =	vst v0;
	v57 =	vld [tilespmem:$0x630];
	v3 =	vadd.s32 v3, v4  }
0x8c: {  	[tilespmem:$0x9A0] =	vst v3;
	v3 =	vld [tilespmem:$0x2B0]  }
0x8d: {  	[tilespmem:$0xCB0] =	vst v0  }
0x8e: {  	[tilespmem:$0xCC0] =	vst v0  }
0x8f: {  	[tilespmem:$0xCD0] =	vst v0  }
0x90: {  	[tilespmem:$0xCE0] =	vst v0;
	v4 =	vshll.u32 v57, $0x9  }
0x91: {  	[tilespmem:$0xCF0] =	vst v0;
	v58 =	vld [tilespmem:$0x640];
	v3 =	vadd.s32 v3, v4  }
0x92: {  	[tilespmem:$0x9B0] =	vst v3;
	v3 =	vld [tilespmem:$0x2C0]  }
0x93: {  	[tilespmem:$0xD00] =	vst v0  }
0x94: {  	[tilespmem:$0xD10] =	vst v0  }
0x95: {  	[tilespmem:$0xD20] =	vst v0  }
0x96: {  	[tilespmem:$0xD30] =	vst v0;
	v4 =	vshll.u32 v58, $0x9  }
0x97: {  	[tilespmem:$0xD40] =	vst v0;
	v59 =	vld [tilespmem:$0x650];
	v3 =	vadd.s32 v3, v4  }
0x98: {  	[tilespmem:$0x9C0] =	vst v3;
	v3 =	vld [tilespmem:$0x2D0]  }
0x99: {  	[tilespmem:$0xD50] =	vst v0  }
0x9a: {  	[tilespmem:$0xD60] =	vst v0  }
0x9b: {  	[tilespmem:$0xD70] =	vst v0  }
0x9c: {  	[tilespmem:$0xD80] =	vst v0;
	v4 =	vshll.u32 v59, $0x9  }
0x9d: {  	[tilespmem:$0xD90] =	vst v0;
	v60 =	vld [tilespmem:$0x660];
	v3 =	vadd.s32 v3, v4  }
0x9e: {  	[tilespmem:$0x9D0] =	vst v3;
	v3 =	vld [tilespmem:$0x2E0]  }
0x9f: {  	[tilespmem:$0xDA0] =	vst v0  }
0xa0: {  	[tilespmem:$0xDB0] =	vst v0  }
0xa1: {  	[tilespmem:$0xDC0] =	vst v0  }
0xa2: {  	[tilespmem:$0xDD0] =	vst v0;
	v4 =	vshll.u32 v60, $0x9  }
0xa3: {  	[tilespmem:$0xDE0] =	vst v0;
	v61 =	vld [tilespmem:$0x670];
	v3 =	vadd.s32 v3, v4  }
0xa4: {  	[tilespmem:$0x9E0] =	vst v3;
	v3 =	vld [tilespmem:$0x2F0]  }
0xa5: {  	[tilespmem:$0xDF0] =	vst v0  }
0xa6: {  	[tilespmem:$0xE00] =	vst v0  }
0xa7: {  	[tilespmem:$0xE10] =	vst v0  }
0xa8: {  	[tilespmem:$0xA20] =	vst v1;
	v4 =	vshll.u32 v61, $0x9  }
0xa9: {  	[tilespmem:$0xE20] =	vst v2;
	v62 =	vld [tilespmem:$0x680];
	v3 =	vadd.s32 v3, v4  }
0xaa: {  	[tilespmem:$0x9F0] =	vst v3;
	v3 =	vld [tilespmem:$0x300]  }
0xab: {  	[tilespmem:$0xA30] =	vst v1  }
0xac: {  	[tilespmem:$0xE30] =	vst v2  }
0xad: {  	[tilespmem:$0xA40] =	vst v1  }
0xae: {  	[tilespmem:$0xE40] =	vst v2;
	v4 =	vshll.u32 v62, $0x9  }
0xaf: {  	[tilespmem:$0xA50] =	vst v1;
	v63 =	vld [tilespmem:$0x690];
	v3 =	vadd.s32 v3, v4  }
0xb0: {  	[tilespmem:$0xA00] =	vst v3;
	v3 =	vld [tilespmem:$0x310]  }
0xb1: {  	[tilespmem:$0xE50] =	vst v2  }
0xb2: {  	[tilespmem:$0xA60] =	vst v1  }
0xb3: {  	[tilespmem:$0xE60] =	vst v2  }
0xb4: {  	[tilespmem:$0xA70] =	vst v1;
	v4 =	vshll.u32 v63, $0x9  }
0xb5: {  	[tilespmem:$0xE70] =	vst v2;
	v3 =	vadd.s32 v3, v4  }
0xb6: {  	[tilespmem:$0xA10] =	vst v3  }
0xb7: {  	[spmem:s3] =	stream.indirect.scatter.add.f32 [tilespmem:s15], [sflag:$0x1], $0x1, s14, s13, $0xb8;
	[tilespmem:$0x4F00] =	vst v63  }
0xb8: {  	_ =	swait.ge [sflag:s11], $0x80  }
0xb9: {  	[sflag:s11] =	ssyncset.done $0x0  }
0xba: {  	[sflag:s11] =	ssyncadd.s32 $0xFFFFFF80  }
0xbb: {  	[spmem:s3] =	stream.indirect.scatter.add.f32 [tilespmem:s17], [sflag:$0x1], $0x1, s16, s13, $0xb8;
	[tilespmem:$0x4F00] =	vst v63  }
0xbc: {  	_ =	swait.ge [sflag:s11], $0x80  }
0xbd: {  	[sflag:s11] =	ssyncset.done $0x0  }
0xbe: {  	[sflag:s11] =	ssyncadd.s32 $0xFFFFFF80  }
0xbf: {  	[spmem:s3] =	stream.indirect.scatter.add.f32 [tilespmem:s19], [sflag:$0x1], $0x1, s18, s13, $0xb8;
	[tilespmem:$0x4F00] =	vst v63  }
0xc0: {  	_ =	swait.ge [sflag:s11], $0x80  }
0xc1: {  	[sflag:s11] =	ssyncset.done $0x0  }
0xc2: {  	[sflag:s11] =	ssyncadd.s32 $0xFFFFFF80  }
0xc3: {  	[spmem:s3] =	stream.indirect.scatter.add.f32 [tilespmem:s21], [sflag:$0x1], $0x1, s20, s13, $0xb8;
	[tilespmem:$0x4F00] =	vst v63  }
0xc4: {  	_ =	swait.ge [sflag:s11], $0x80  }
0xc5: {  	[sflag:s11] =	ssyncset.done $0x0  }
0xc6: {  	[sflag:s11] =	ssyncadd.s32 $0xFFFFFF80  }
0xc7: {  	[spmem:s3] =	stream.indirect.scatter.add.f32 [tilespmem:s23], [sflag:$0x1], $0x1, s22, s13, $0xb8;
	[tilespmem:$0x4F00] =	vst v63  }
0xc8: {  	_ =	swait.ge [sflag:s11], $0x80  }
0xc9: {  	[sflag:s11] =	ssyncset.done $0x0  }
0xca: {  	[sflag:s11] =	ssyncadd.s32 $0xFFFFFF80  }
0xcb: {  	[spmem:s3] =	stream.indirect.scatter.add.f32 [tilespmem:s25], [sflag:$0x1], $0x1, s24, s13, $0xb8;
	[tilespmem:$0x4F00] =	vst v63  }
0xcc: {  	_ =	swait.ge [sflag:s11], $0x80  }
0xcd: {  	[sflag:s11] =	ssyncset.done $0x0  }
.Ltmp3:
0xce: {  	[sflag:s11] =	ssyncadd.s32 $0xFFFFFF80;
	(pc) =	sbr.rel .LBB2_3-.Ltmp3, $4  }
0xcf: {  	[spmem:s3] =	stream.indirect.scatter.add.f32 [tilespmem:s28], [sflag:$0x1], $0x1, s26, s13, $0xb8;
	[tilespmem:$0x4F00] =	vst v63  }
0xd0: {  	_ =	swait.ge [sflag:s11], $0x80  }
0xd1: {  	[sflag:s11] =	ssyncset.done $0x0  }
0xd2: {  	[sflag:s11] =	ssyncadd.s32 $0xFFFFFF80  }
.LBB2_4:
0xd3: {  	_ =	sfence.sel $0x180000  }
0xd4: {  	[bflag:$0x0] =	sbarrier.arrive $0xFFFF  }
0xd5: {  	p0 =	sne.s32 s2, $0x0;
	_ =	strace $0x90000047  }
0xd6: {  	s0 =	sadd.s32 @!p0 $0x100000, s0;
	[bflag:$0x2] =	sbarrier.arrive $0xFFFF  }
0xd7: {  	[sflag:s0] =	ssyncadd.tile.s32 @!p0 $0x1;
	_ =	shalt  }
.Lfunc_end2:
_tile_overlayer_lowered:
.L_overlay_start_2:
0xd8: {  	(tag) =	ssettag $0x2  }
0xd9: {  	s0 =	rddreg [dreg:$0x0];
	s2 =	stileid.u32  }
0xda: {  	s1 =	rddreg [dreg:$0x1];
	p0 =	sne.s32 s2, $0x0  }
0xdb: {  	s3 =	rddreg [dreg:$0x2];
	[bflag:$0x3] =	sbarrier.arrive $0xFFFF;
	s2 =	simm.s32 @!p0 $0x1C01  }
0xdc: {  	[timem:s3], [sflag:s2] =	dma.local @!p0 [hbm:s0], s1  }
0xdd: {  	s0 =	simm.s32 @!p0 $0x1  }
0xde: {  	_ =	swait.ge @!p0 [sflag:s0], s1  }
0xdf: {  	s1 =	ssub.s32 @!p0 $0x0, s1;
	[sflag:s0] =	ssyncset.done @!p0 $0x0  }
0xe0: {  	[sflag:s0] =	ssyncadd.s32 @!p0 s1  }
0xe1: {  	[bflag:$0x3] =	sbarrier.arrive $0xFFFF  }
0xe2: {  	_ =	shalt  }

// kernel: kernel.9.cloned.1.call-start
scs
__scs_entry_jumppad:
0x0: {  	(pc) =	sbr.rel $0x88, $3  }
0x1: {  	(tag) =	ssettag $0x0;
	lr =	simm.s32 $0x1  }
0x2: {  	[smem:$0x3F7E] =	sst lr;
	_ =	strace $0xD0000000  }
0x3: {  	_ = 	snop  }
0x4: {  	_ = 	snop  }
0x5: {  	_ = 	snop  }
0x6: {  	_ = 	snop  }
0x7: {  	_ = 	snop  }
__scs_overlays_trampoline_lowered:
0x8: {  	[smem:$0x3F8D] =	sst s0  }
0x9: {  	[smem:$0x3F8E] =	sst s1  }
0xa: {  	[smem:$0x3F8F] =	sst s2  }
0xb: {  	[smem:$0x3F90] =	sst s3  }
0xc: {  	[smem:$0x3F91] =	sst s4  }
0xd: {  	[smem:$0x3F92] =	sst s5  }
0xe: {  	[smem:$0x3F93] =	sst s6  }
0xf: {  	[smem:$0x3F94] =	sst s7  }
0x10: {  	[smem:$0x3F95] =	sst s8  }
0x11: {  	[smem:$0x3F96] =	sst s9;
	s0 =	simm.s32 @!p0 $0x0  }
0x12: {  	s1 =	sld [smem:$0x3F7C];
	s0 =	simm.s32 @p0 $0x1  }
0x13: {  	[smem:$0x3F97] =	sst s0;
	s0 =	simm.s32 @!p1 $0x0  }
0x14: {  	s2 =	sld [smem:$0x3F7B];
	s0 =	simm.s32 @p1 $0x1  }
0x15: {  	[smem:$0x3F98] =	sst s0;
	s0 =	simm.s32 @!p2 $0x0  }
0x16: {  	s3 =	sld [smem:$0x3FDB];
	s0 =	simm.s32 @p2 $0x1  }
0x17: {  	s4 =	simm.s32 $0x1BF5;
	[smem:$0x3F9A] =	sst s0  }
0x18: {  	s0 =	sld [smem:$0x3F7D];
	_ =	swait.ge [sflag:s4], $0x0  }
0x19: {  	s7 =	sld [smem:$0x3F7E]  }
0x1a: {  	s8 =	sadd.s32 $0xFFFFE003, lr  }
0x1b: {  	s9 =	sadd.s32 $0xFFFFFEF7, lr;
	s5 =	simm.s32 $0xFFFFFFFF;
	p2 =	slt.u32 s8, $0xFFFFF086  }
0x1c: {  	p1 =	slt.u32 s9, $0xF7A;
	s5 =	simm.s32 @!p2 $0x0  }
0x1d: {  	s5 =	simm.s32 @p1 $0x1;
	p0 =	seq.s32 s7, s2  }
0x1e: {  	s7 =	smul.u32 @!p0 $0xF7A, s2;
	p2 =	seq.s32 @!p0 s5, $0x0  }
0x1f: {  	s9 =	smul.u32 $0xF7A, s1;
	s8 =	simm.s32 @!p0 $0x1BF5;
	p2 =	por !p2, p0  }
0x20: {  	[sflag:s8] =	ssyncset.s32 @!p0 $0xFFFFF086;
	s6 =	sadd.s32 @!p0 s3, s7;
	s7 =	simm.s32 @!p0 $0x108  }
0x21: {  	s3 =	sadd.s32 s3, s9;
	s6 =	sadd.s32 @!p0 $0x88, s6;
	s7 =	simm.s32 @p2 $0x1082  }
0x22: {  	[simem:s7], [sflag:s8] =	dma.local @!p0 [hbm:s6], $0xF7A  }
0x23: {  	s9 =	sor.u32 $0xD0000000, s2;
	s6 =	simm.s32 $0x108;
	_ =	swait.ge @!p0 [sflag:s8], $0x0  }
0x24: {  	s3 =	sadd.s32 $0x88, s3;
	s6 =	simm.s32 @!p1 $0x1082;
	[sflag:s4] =	ssyncset.s32 $0xFFFFF086  }
0x25: {  	[simem:s6], [sflag:s4] =	dma.local [hbm:s3], $0xF7A  }
0x26: {  	[smem:$0x3F7E] =	sst s1;
	(tag) =	ssettag s2;
	_ =	strace s9  }
0x27: {  	s1 =	sld [smem:$0x3F8E]  }
0x28: {  	s2 =	sld [smem:$0x3F8F]  }
0x29: {  	s4 =	sld [smem:$0x3F91]  }
0x2a: {  	p0 =	seq.s32 s5, $0x0;
	s5 =	sld [smem:$0x3F92]  }
0x2b: {  	s6 =	sld [smem:$0x3F93]  }
0x2c: {  	s7 =	sld [smem:$0x3F94]  }
0x2d: {  	s3 =	simm.s32 $0x108;
	s8 =	sld [smem:$0x3F95]  }
0x2e: {  	s3 =	simm.s32 @!p0 $0x1082;
	s9 =	sld [smem:$0x3F96]  }
0x2f: {  	lr =	sadd.s32 s0, s3;
	s0 =	sld [smem:$0x3F8D]  }
0x30: {  	s3 =	sld [smem:$0x3F90]  }
0x31: {  	[smem:$0x3F99] =	sst s10  }
0x32: {  	s10 =	sld [smem:$0x3F97];
	_ =	sdelay $0x3  }
0x33: {  	p0 =	seq.s32 s10, $0x1;
	s10 =	sld [smem:$0x3F99];
	_ =	sdelay $0x3  }
0x34: {  	[smem:$0x3F99] =	sst s10  }
0x35: {  	s10 =	sld [smem:$0x3F98];
	_ =	sdelay $0x3  }
0x36: {  	p1 =	seq.s32 s10, $0x1;
	s10 =	sld [smem:$0x3F99];
	_ =	sdelay $0x3  }
0x37: {  	[smem:$0x3F99] =	sst s10  }
0x38: {  	s10 =	sld [smem:$0x3F9A]  }
0x39: {  	_ = 	snop;
	(pc) =	sbr.ind lr, $3  }
0x3a: {  	_ = 	snop  }
0x3b: {  	_ = 	snop  }
0x3c: {  	p2 =	seq.s32 s10, $0x1;
	s10 =	sld [smem:$0x3F99]  }
0x3d: {  	_ =	shalt  }
0x3e: {  	_ =	shalt  }
0x3f: {  	_ =	shalt  }
0x40: {  	_ =	shalt  }
0x41: {  	_ =	shalt  }
0x42: {  	_ =	shalt  }
0x43: {  	_ =	shalt  }
0x44: {  	_ =	shalt  }
0x45: {  	_ =	shalt  }
0x46: {  	_ =	shalt  }
0x47: {  	_ =	shalt  }
0x48: {  	_ =	shalt  }
0x49: {  	_ =	shalt  }
0x4a: {  	_ =	shalt  }
0x4b: {  	_ =	shalt  }
0x4c: {  	_ =	shalt  }
0x4d: {  	_ =	shalt  }
0x4e: {  	_ =	shalt  }
0x4f: {  	_ =	shalt  }
0x50: {  	_ =	shalt  }
0x51: {  	_ =	shalt  }
0x52: {  	_ =	shalt  }
0x53: {  	_ =	shalt  }
0x54: {  	_ =	shalt  }
0x55: {  	_ =	shalt  }
0x56: {  	_ =	shalt  }
0x57: {  	_ =	shalt  }
0x58: {  	_ =	shalt  }
0x59: {  	_ =	shalt  }
0x5a: {  	_ =	shalt  }
0x5b: {  	_ =	shalt  }
0x5c: {  	_ =	shalt  }
0x5d: {  	_ =	shalt  }
0x5e: {  	_ =	shalt  }
0x5f: {  	_ =	shalt  }
0x60: {  	_ =	shalt  }
0x61: {  	_ =	shalt  }
0x62: {  	_ =	shalt  }
0x63: {  	_ =	shalt  }
0x64: {  	_ =	shalt  }
0x65: {  	_ =	shalt  }
0x66: {  	_ =	shalt  }
0x67: {  	_ =	shalt  }
0x68: {  	_ =	shalt  }
0x69: {  	_ =	shalt  }
0x6a: {  	_ =	shalt  }
0x6b: {  	_ =	shalt  }
0x6c: {  	_ =	shalt  }
0x6d: {  	_ =	shalt  }
0x6e: {  	_ =	shalt  }
0x6f: {  	_ =	shalt  }
0x70: {  	_ =	shalt  }
0x71: {  	_ =	shalt  }
0x72: {  	_ =	shalt  }
0x73: {  	_ =	shalt  }
0x74: {  	_ =	shalt  }
0x75: {  	_ =	shalt  }
0x76: {  	_ =	shalt  }
0x77: {  	_ =	shalt  }
0x78: {  	_ =	shalt  }
0x79: {  	_ =	shalt  }
0x7a: {  	_ =	shalt  }
0x7b: {  	_ =	shalt  }
0x7c: {  	_ =	shalt  }
0x7d: {  	_ =	shalt  }
0x7e: {  	_ =	shalt  }
0x7f: {  	_ =	shalt  }
0x80: {  	_ =	shalt  }
0x81: {  	_ =	shalt  }
0x82: {  	_ =	shalt  }
0x83: {  	_ =	shalt  }
0x84: {  	_ =	shalt  }
0x85: {  	_ =	shalt  }
0x86: {  	_ =	shalt  }
0x87: {  	_ =	shalt  }
.Lfunc_end0:
.L_simem_size_0:
called_computation.1_lowered:
.L_overlay_start_0:
0x88: {  	s2 =	sld [smem:$0x3FD9]  }
0x89: {  	s3 =	sld [smem:$0x3FFE];
	_ =	sdelay $0x1  }
0x8a: {  	s1 =	srdreg.scid  }
0x8b: {  	s0 =	sand.u32 $0x1, s1  }
0x8c: {  	s14 =	sshll.u32 s0, $0xA;
	s2 =	sadd.s32 s3, s2  }
0x8d: {  	s2 =	sadd.s32 s2, s14  }
0x8e: {  	[smem:$0x3FA5] =	sst s2  }
0x8f: {  	_ = 	snop  }
0x90: {  	s2 =	sld [smem:$0x3FD0];
	_ =	sdelay $0x2  }
0x91: {  	s15 =	simm.s32 $0xA;
	s4 =	simm.s32 $0x10  }
0x92: {  	[smem:s4], [sflag:s15] =	dma.local [hbm:s2], $0x1  }
0x93: {  	_ =	swait.eq [sflag:s15], $0x1  }
0x94: {  	[sflag:s15] =	ssyncset.done $0x0  }
0x95: {  	[sflag:s15] =	ssyncadd.s32 $0xFFFFFFFF  }
0x96: {  	s16 =	sld [smem:$0x11];
	(tm) =	ssettm $0x1  }
0x97: {  	s17 =	sld [smem:$0x3FFB];
	_ =	sdelay $0x3  }
0x98: {  	_ =	strace s17  }
0x99: {  	s3 =	sld [smem:$0x3FFC];
	_ =	sdelay $0x3  }
0x9a: {  	_ =	strace s3  }
0x9b: {  	s3 =	sld [smem:$0x3FFD];
	_ =	sdelay $0x3  }
0x9c: {  	_ =	strace s3  }
0x9d: {  	_ =	strace $0x8FFFFFFF  }
0x9e: {  	s18 =	sld [smem:$0x3FDB];
	_ =	sdelay $0x1  }
0x9f: {  	s19 =	simm.s32 $_scs_section_size  }
0xa0: {  	s5 =	simm.s32 $_size__tile_overlayer_lowered;
	s6 =	simm.s32 $_tile_overlayer_lowered  }
0xa1: {  	s22 =	simm.s32 $0x1BFF;
	s21 =	sshll.u32 s6, $0x1;
	s3 =	sadd.s32 s19, s18  }
0xa2: {  	s7 =	simm.s32 $0x0;
	s20 =	sshll.u32 s5, $0x1;
	s5 =	sadd.s32 s21, s3  }
0xa3: {  	[timem:s7], [sflag:s22] =	dma.local [hbm:s5], s20  }
0xa4: {  	_ =	swait.ge [sflag:s22], s20  }
0xa5: {  	s4 =	ssub.s32 $0x0, s20;
	[sflag:s22] =	ssyncset.done $0x0  }
0xa6: {  	[sflag:s22] =	ssyncadd.s32 s4;
	_ =	sdelay $0x1  }
0xa7: {  	s23 =	simm.s32 $0x1B8B  }
0xa8: {  	_ =	swait.ge [sflag:s23], $0x1  }
0xa9: {  	[sflag:s23] =	ssyncset.done $0x0  }
0xaa: {  	s25 =	simm.s32 $0x1B8E;
	s24 =	sld [smem:$0x3FFE];
	[sflag:s23] =	ssyncadd.s32 $0xFFFFFFFF  }
0xab: {  	s26 =	simm.s32 $execute0_lowered;
	[smem:$0x3FD2] =	sst s25  }
0xac: {  	s5 =	sshll.u32 s26, $0x1;
	_ =	strace $0x80000049;
	[dreg:$0x1] =	wrdreg $0xFFFFFFFF  }
0xad: {  	s28 =	simm.s32 $_size_execute0_lowered;
	s3 =	sadd.s32 s3, s5;
	[dreg:$0x0] =	wrdreg $0x0  }
0xae: {  	s5 =	sshll.u32 s28, $0x1;
	[dreg:$0x2] =	wrdreg s3  }
0xaf: {  	[dreg:$0x3] =	wrdreg s5  }
0xb0: {  	[dreg:$0x4] =	wrdreg $0xC0  }
0xb1: {  	_ =	task [dreg:s7], $0x5FFFF  }
0xb2: {  	[dreg:$0x1] =	wrdreg $0xFFFFFFFF  }
0xb3: {  	[dreg:$0x0] =	wrdreg $0x60  }
0xb4: {  	[dreg:$0x2] =	wrdreg s16  }
0xb5: {  	[dreg:$0x3] =	wrdreg s24  }
0xb6: {  	[dreg:$0x4] =	wrdreg $0x9  }
0xb7: {  	_ =	task.clear_ibuf [dreg:s7], $0x5FFFF;
	_ =	strace $0x90000049  }
0xb8: {  	s29 =	simm.s32 $0x9;
	_ =	strace $0x8000004B  }
0xb9: {  	_ =	swait.ge [sflag:s29], $0x1  }
0xba: {  	[sflag:s29] =	ssyncadd.s32 $0xFFFFFFFF  }
0xbb: {  	_ =	strace $0x9000004B  }
0xbc: {  	_ =	sfence  }
0xbd: {  	s30 =	sld [smem:$0x0];
	_ =	sdelay $0x2  }
0xbe: {  	s31 =	sshll.u32 s1, $0xD;
	s1 =	sshrl.u32 s1, $0x2  }
0xbf: {  	s3 =	sand.u32 $0x4000, s31;
	s1 =	sadd.s32 s1, s30  }
0xc0: {  	s0 =	sor.u32 s3, s0;
	s1 =	sshll.u32 s1, $0x11  }
0xc1: {  	s0 =	sor.u32 s1, s0  }
0xc2: {  	s0 =	sadd.s32 $0x8F2B, s0  }
0xc3: {  	[sflag:s0] =	ssyncadd.remote.s32 $0x1  }
0xc4: {  	_ =	sfence.sel $0xFFFF  }
0xc5: {  	[dreg:$0x0] =	wrdreg $0xFFFFFFFF;
	(pc) =	sbr.abs _section_cstart, $3  }
0xc6: {  	[dreg:$0x1] =	wrdreg $0xFFFFFFFF  }
0xc7: {  	_ =	task.clear_ibuf [dreg:s7], $0x2FFFF;
	_ =	strace $0x9FFFFFFF  }
0xc8: {  	(tm) =	ssettm $0x7FFFFFFF  }
0xc9: {  	_ =	shalt  }
tec
execute0_lowered:
.L_overlay_start_1:
0x0: {  	(tag) =	ssettag $0x1  }
0x1: {  	s2 =	rddreg [dreg:$0x0]  }
0x2: {  	s0 =	rddreg [dreg:$0x1]  }
0x3: {  	s1 =	srdreg.scid;
	s4 =	stileid.u32  }
0x4: {  	s3 =	simm.s32 $0x0;
	s1 =	sand.u32 $0x1, s1;
	s4 =	sshll.u32 s4, $0x1  }
0x5: {  	s22 =	simm.s32 $0x80;
	s23 =	simm.s32 $0x1;
	s4 =	sor.u32 s1, s4  }
0x6: {  	[smem:$0x7FF] =	sst s3;
	s1 =	ssub.s32 $0x2, s1;
	s5 =	sshll.u32 s4, $0xA  }
0x7: {  	_ =	strace $0x8000004A;
	s6 =	sshrl.u32 s1, $0x1;
	s0 =	sadd.s32 s5, s0  }
0x8: {  	s4 =	sshll.u32 s4, $0x4;
	s1 =	ssub.s32 s1, s6;
	s5 =	sadd.s32 $0x4E00, s0  }
0x9: {  	s1 =	smax.u32 s1, $0x1;
	s30 =	sadd.s32 $0x4E40, s0;
	s31 =	sadd.s32 $0x4E80, s0  }
0xa: {  	s9 =	sadd.s32 $0x4EC0, s0;
	s10 =	sadd.s32 $0x4F00, s0;
	s11 =	sadd.s32 $0x4F40, s0  }
0xb: {  	s12 =	sadd.s32 $0x4F80, s0;
	s13 =	sadd.s32 $0x4FC0, s0;
	s14 =	sadd.s32 $0x5000, s0  }
0xc: {  	s15 =	sadd.s32 $0x5040, s0;
	s16 =	sadd.s32 $0x5080, s0;
	[dreg:$0x3] =	wrdreg s5  }
0xd: {  	s17 =	sadd.s32 $0x50C0, s0;
	s18 =	sadd.s32 $0x5100, s0;
	[dreg:$0x4] =	wrdreg s1  }
0xe: {  	s19 =	sadd.s32 $0x5140, s0;
	s20 =	sadd.s32 $0x5180, s0;
	[dreg:$0x5] =	wrdreg s30  }
0xf: {  	v0 =	vlaneseq.u32;
	s21 =	sadd.s32 $0x51C0, s0;
	s0 =	simm.s32 $0x0;
	[dreg:$0x6] =	wrdreg s31  }
.LBB2_1:
0x10: {  	s1 =	sand.u32 $0x180, s3  }
0x11: {  	s24 =	sor.u32 $0x10, s1;
	s25 =	sor.u32 $0x20, s1  }
0x12: {  	s26 =	sadd.s32 $0x0, s4;
	v1 =	vor.u32 s1, v0;
	s28 =	sor.u32 $0x40, s1;
	s29 =	sor.u32 $0x50, s1;
	v2 =	vor.u32 s24, v0;
	v3 =	vor.u32 s25, v0  }
0x13: {  	s30 =	sor.u32 $0x70, s1;
	s31 =	sor.u32 $0x60, s1;
	s1 =	sor.u32 $0x30, s1;
	v4 =	vor.u32 s28, v0;
	v5 =	vor.u32 s29, v0;
	v6 =	vmin.u32 v1, s26  }
0x14: {  	v8 =	vor.u32 s30, v0;
	v19 =	vor.u32 s31, v0;
	v23 =	vor.u32 s1, v0  }
0x15: {  	v7 =	vmax.u32 v3, s26;
	v9 =	vmin.u32 v5, s26;
	v10 =	vmin.u32 v2, s26  }
0x16: {  	v11 =	vmin.u32 v4, s26;
	v13 =	vmax.u32 v2, s26;
	v3 =	vmin.u32 v3, s26  }
0x17: {  	v14 =	vmin.u32 v8, s26;
	v8 =	vmax.u32 v8, s26;
	v17 =	vmul.u32 $0x1F4, v6  }
0x18: {  	v4 =	vmax.u32 v4, s26;
	v59 =	vadd.s32 $0xFFFFFFFF, v6;
	v25 =	vmin.u32 v23, s26  }
0x19: {  	v12 =	vadd.s32 $0xFFFFFFFF, v9;
	v2 =	vadd.s32 $0xFFFFFFFF, v11;
	v15 =	vadd.s32 $0xFFFFFFFF, v3  }
0x1a: {  	v16 =	vadd.s32 $0xFFFFFFFF, v10;
	v20 =	vmul.u32 $0x1F4, v14;
	v21 =	vmul.u32 $0x1F4, v3  }
0x1b: {  	v22 =	vmul.u32 $0x1F4, v10;
	v60 =	vmul.u32 v6, v59;
	v2 =	vmul.u32 v11, v2  }
0x1c: {  	v61 =	vadd.s32 $0xFFFFFFFF, v25;
	v12 =	vmul.u32 v9, v12;
	v15 =	vmul.u32 v3, v15  }
0x1d: {  	v16 =	vmul.u32 v10, v16;
	v63 =	vadd.s32 v20, v8;
	v2 =	vshrl.u32 v2, $0x1  }
0x1e: {  	v12 =	vshrl.u32 v12, $0x1;
	v15 =	vshrl.u32 v15, $0x1;
	v18 =	vadd.s32 v2, v11  }
0x1f: {  	v2 =	vmax.u32 v5, s26;
	v5 =	vmax.u32 v1, s26;
	v1 =	vmul.u32 $0x1F4, v11  }
0x20: {  	v62 =	vshrl.u32 v16, $0x1;
	v12 =	vadd.s32 v12, v9;
	v11 =	vadd.s32 $0xFFFFFFFF, v14  }
0x21: {  	v9 =	vmul.u32 $0x1F4, v9;
	v24 =	vadd.s32 v1, v4;
	v4 =	vmin.u32 v19, s26  }
0x22: {  	v11 =	vmul.u32 v14, v11;
	v1 =	vadd.s32 v15, v3;
	v3 =	vadd.s32 $0xFFFFFFFF, v4  }
0x23: {  	v5 =	vadd.s32 v17, v5;
	v9 =	vadd.s32 v9, v2;
	v58 =	vmul.u32 v4, v3  }
0x24: {  	v2 =	vadd.s32 v21, v7;
	v19 =	vmax.u32 v19, s26;
	v7 =	vmul.u32 $0x1F4, v4  }
0x25: {  	v11 =	vshrl.u32 v11, $0x1;
	v8 =	vsub.s32 v9, v12;
	v15 =	vshrl.u32 v58, $0x1  }
0x26: {  	v9 =	vadd.s32 v62, v10;
	v7 =	vadd.s32 v7, v19;
	v4 =	vadd.s32 v15, v4  }
0x27: {  	v3 =	vmax.u32 v23, s26;
	v15 =	vmul.u32 v25, v61;
	v7 =	vsub.s32 v7, v4  }
0x28: {  	v10 =	vadd.s32 v11, v14;
	v4 =	vshrl.u32 v60, $0x1;
	vm0 =	vlt.s32 v7, $0x1E941  }
0x29: {  	v6 =	vadd.s32 v4, v6;
	v4 =	vmul.u32 $0x1F4, v25;
	v15 =	vshrl.u32 v15, $0x1  }
0x2a: {  	v7 =	vnsel vm0, $0x1E941, v7;
	v5 =	vsub.s32 v5, v6;
	v6 =	vadd.s32 v22, v13  }
0x2b: {  	vm0 =	vlt.s32 v5, $0x1E941;
	v6 =	vsub.s32 v6, v9;
	v9 =	vsub.s32 v63, v10  }
0x2c: {  	s25 =	simm.s32 $0x1;
	s1 =	simm.s32 $0x0;
	s28 =	simm.s32 $0x0;
	[tilespmem:s3+$0x60] =	vst v7;
	v7 =	vsub.s32 v24, v18;
	v5 =	vnsel vm0, $0x1E941, v5;
	vm0 =	vlt.s32 v8, $0x1E941  }
0x2d: {  	s29 =	simm.s32 $0x2000;
	s24 =	simm.s32 $0x2000;
	s26 =	simm.s32 $0x80;
	v8 =	vnsel vm0, $0x1E941, v8;
	[tilespmem:s3+$0x0] =	vst v5;
	v5 =	vadd.s32 v15, v25;
	vm0 =	vlt.s32 v9, $0x1E941  }
.LBB2_2:
0x2e: {  	s31 =	sand.u32 $0x180, s26;
	vm1 =	vlt.s32 v6, $0x1E941;
	v3 =	vadd.s32 v4, v3;
	[tilespmem:s1+$0x50] =	vst v8;
	v4 =	vnsel vm0, $0x1E941, v9;
	s28 =	sadd.s32 $0x80, s28;
	s29 =	sadd.s32 $0x80, s29  }
0x2f: {  	s30 =	sshrl.u32 s25, $0x2;
	v1 =	vsub.s32 v2, v1;
	vm0 =	vlt.s32 v7, $0x1E941;
	s5 =	sor.u32 $0x10, s31;
	s6 =	sor.u32 $0x20, s31;
	v6 =	vnsel vm1, $0x1E941, v6  }
0x30: {  	s30 =	sadd.s32 s4, s30;
	v2 =	vor.u32 s31, v0;
	s7 =	sor.u32 $0x40, s31;
	s8 =	sor.u32 $0x50, s31;
	vm1 =	vlt.s32 v1, $0x1E941;
	v7 =	vnsel vm0, $0x1E941, v7;
	[tilespmem:s1+$0x70] =	vst v4  }
0x31: {  	p0 =	sne.s32 s25, $0x3F;
	s25 =	sadd.s32 $0x1, s25;
	v4 =	vor.u32 s5, v0;
	v8 =	vor.u32 s6, v0;
	s5 =	sor.u32 $0x70, s31;
	v1 =	vnsel vm1, $0x1E941, v1;
	[tilespmem:s1+$0x40] =	vst v7  }
0x32: {  	v3 =	vsub.s32 v3, v5;
	v9 =	vor.u32 s8, v0;
	v7 =	vor.u32 s7, v0  }
0x33: {  	v5 =	vmin.u32 v2, s30;
	v10 =	vmax.u32 v8, s30;
	v11 =	vor.u32 s5, v0  }
0x34: {  	vm0 =	vlt.s32 v3, $0x1E941;
	v12 =	vmin.u32 v4, s30;
	v13 =	vmin.u32 v9, s30;
	[tilespmem:s1+$0x10] =	vst v6  }
0x35: {  	v14 =	vadd.s32 $0xFFFFFFFF, v13;
	v6 =	vmin.u32 v7, s30;
	[tilespmem:s1+$0x20] =	vst v1;
	v1 =	vnsel vm0, $0x1E941, v3  }
0x36: {  	v15 =	vmax.u32 v4, s30;
	v4 =	vmul.u32 v13, v14;
	v3 =	vadd.s32 $0xFFFFFFFF, v6;
	[tilespmem:s1+$0x30] =	vst v1  }
0x37: {  	v1 =	vmin.u32 v8, s30;
	v3 =	vmul.u32 v6, v3;
	v8 =	vmin.u32 v11, s30;
	[tilespmem:s24], [sflag:$0x1] =	stream.indirect.gather [hbm4b:s2+s22], $0x1, s1, s22, $0xb8;
	[tilespmem:$0x4000] =	vst v63  }
0x38: {  	v4 =	vshrl.u32 v4, $0x1;
	v11 =	vmax.u32 v11, s30;
	v14 =	vadd.s32 $0xFFFFFFFF, v1;
	s1 =	smov.u32 s28;
	s24 =	smov.u32 s29  }
0x39: {  	s5 =	sor.u32 $0x30, s31;
	v16 =	vadd.s32 $0xFFFFFFFF, v12;
	v17 =	vadd.s32 v4, v13;
	v3 =	vshrl.u32 v3, $0x1  }
0x3a: {  	v4 =	vmul.u32 $0x1F4, v5;
	v18 =	vadd.s32 v3, v6;
	v3 =	vmax.u32 v9, s30  }
0x3b: {  	s6 =	sor.u32 $0x60, s31;
	v9 =	vmax.u32 v2, s30;
	v2 =	vmul.u32 $0x1F4, v6;
	v6 =	vadd.s32 $0xFFFFFFFF, v8  }
0x3c: {  	v19 =	vor.u32 s6, v0;
	v20 =	vmul.u32 $0x1F4, v8;
	v14 =	vmul.u32 v1, v14  }
0x3d: {  	v16 =	vmul.u32 v12, v16;
	v7 =	vmax.u32 v7, s30;
	v21 =	vmul.u32 $0x1F4, v1  }
0x3e: {  	v22 =	vmul.u32 $0x1F4, v12;
	v13 =	vmul.u32 $0x1F4, v13;
	v14 =	vshrl.u32 v14, $0x1  }
0x3f: {  	v23 =	vor.u32 s5, v0;
	v24 =	vmin.u32 v19, s30;
	v7 =	vadd.s32 v2, v7  }
0x40: {  	v13 =	vadd.s32 v13, v3;
	v3 =	vadd.s32 $0xFFFFFFFF, v24;
	v1 =	vadd.s32 v14, v1  }
0x41: {  	v2 =	vadd.s32 v21, v10;
	v10 =	vmul.u32 $0x1F4, v24;
	v14 =	vmul.u32 v24, v3  }
0x42: {  	v19 =	vmax.u32 v19, s30;
	v25 =	vmin.u32 v23, s30;
	v21 =	vadd.s32 $0xFFFFFFFF, v5  }
0x43: {  	v3 =	vmax.u32 v23, s30;
	v14 =	vshrl.u32 v14, $0x1;
	v10 =	vadd.s32 v10, v19  }
0x44: {  	v6 =	vmul.u32 v8, v6;
	v19 =	vmul.u32 v5, v21;
	v14 =	vadd.s32 v14, v24  }
0x45: {  	v9 =	vadd.s32 v4, v9;
	v4 =	vadd.s32 $0xFFFFFFFF, v25;
	v10 =	vsub.s32 v10, v14  }
0x46: {  	v14 =	vshrl.u32 v19, $0x1;
	v19 =	vmul.u32 v25, v4;
	vm0 =	vlt.s32 v10, $0x1E941  }
0x47: {  	v4 =	vmul.u32 $0x1F4, v25;
	v5 =	vadd.s32 v14, v5;
	v10 =	vnsel vm0, $0x1E941, v10  }
0x48: {  	v6 =	vshrl.u32 v6, $0x1;
	v5 =	vsub.s32 v9, v5;
	v9 =	vadd.s32 v22, v15;
	[tilespmem:s28+$0x60] =	vst v10  }
.Ltmp0:
0x49: {  	v11 =	vadd.s32 v20, v11;
	vm0 =	vlt.s32 v5, $0x1E941;
	v10 =	vshrl.u32 v16, $0x1;
	(pc) =	sbr.rel @p0 .LBB2_2-.Ltmp0, $4  }
0x4a: {  	v13 =	vsub.s32 v13, v17;
	v14 =	vshrl.u32 v19, $0x1;
	v5 =	vnsel vm0, $0x1E941, v5  }
0x4b: {  	vm0 =	vlt.s32 v13, $0x1E941;
	v10 =	vadd.s32 v10, v12;
	v12 =	vadd.s32 v6, v8  }
0x4c: {  	v8 =	vnsel vm0, $0x1E941, v13;
	v6 =	vsub.s32 v9, v10;
	v9 =	vsub.s32 v11, v12;
	[tilespmem:s28+$0x0] =	vst v5  }
0x4d: {  	s26 =	sadd.s32 $0x80, s26;
	v7 =	vsub.s32 v7, v18;
	vm0 =	vlt.s32 v9, $0x1E941;
	v5 =	vadd.s32 v14, v25  }
0x4e: {  	vm1 =	vlt.s32 v6, $0x1E941;
	[tilespmem:s1+$0x50] =	vst v8;
	v62 =	vnsel vm0, $0x1E941, v9;
	vm13 =	vlt.s32 v7, $0x1E941  }
0x4f: {  	v3 =	vadd.s32 v4, v3;
	v1 =	vsub.s32 v2, v1;
	v2 =	vnsel vm13, $0x1E941, v7;
	[tilespmem:s1+$0x70] =	vst v62  }
0x50: {  	v63 =	vnsel vm1, $0x1E941, v6;
	vm14 =	vlt.s32 v1, $0x1E941;
	[tilespmem:s1+$0x40] =	vst v2;
	v2 =	vsub.s32 v3, v5  }
0x51: {  	v1 =	vnsel vm14, $0x1E941, v1;
	[tilespmem:s1+$0x10] =	vst v63;
	vm15 =	vlt.s32 v2, $0x1E941  }
0x52: {  	[tilespmem:s1+$0x20] =	vst v1;
	v1 =	vnsel vm15, $0x1E941, v2  }
0x53: {  	[tilespmem:s1+$0x30] =	vst v1  }
0x54: {  	[tilespmem:s24], [sflag:$0x1] =	stream.indirect.gather [hbm4b:s2+s22], $0x1, s1, s22, $0xb8;
	[tilespmem:$0x4000] =	vst v63  }
0x55: {  	_ =	swait.ge [sflag:s23], $0x80  }
0x56: {  	s1 =	simm.s32 $0x3F;
	[sflag:s23] =	ssyncset.done $0x0  }
.LBB2_4:
0x57: {  	p0 =	sne.s32 s1, $0x1;
	s1 =	sadd.s32 $0xFFFFFFFF, s1;
	[sflag:s23] =	ssyncadd.s32 $0xFFFFFF80  }
.Ltmp1:
0x58: {  	(pc) =	sbr.rel @p0 .LBB2_4-.Ltmp1, $3  }
0x59: {  	_ =	sdelay $0x1  }
0x5a: {  	_ =	swait.ge [sflag:s23], $0x80  }
0x5b: {  	[sflag:s23] =	ssyncset.done $0x0  }
0x5c: {  	[sflag:s23] =	ssyncadd.s32 $0xFFFFFF80;
	s1 =	rddreg [dreg:$0x3];
	s5 =	simm.s32 $0x2000  }
0x5d: {  	[hbm4b:s1+s3] =	stream.linear.scatter [tilespmem:s5], [sflag:$0x1], $0x200, $0x38;
	[tilespmem:$0x4000] =	vst v63  }
0x5e: {  	s24 =	rddreg [dreg:$0x5];
	s25 =	simm.s32 $0x2200  }
0x5f: {  	[hbm4b:s24+s3] =	stream.linear.scatter [tilespmem:s25], [sflag:$0x1], $0x200, $0x38;
	[tilespmem:$0x4000] =	vst v63  }
0x60: {  	s26 =	rddreg [dreg:$0x6];
	s28 =	simm.s32 $0x2400  }
0x61: {  	[hbm4b:s26+s3] =	stream.linear.scatter [tilespmem:s28], [sflag:$0x1], $0x200, $0x38;
	[tilespmem:$0x4000] =	vst v63  }
0x62: {  	s29 =	simm.s32 $0x2600  }
0x63: {  	[hbm4b:s9+s3] =	stream.linear.scatter [tilespmem:s29], [sflag:$0x1], $0x200, $0x38;
	[tilespmem:$0x4000] =	vst v63  }
0x64: {  	s30 =	simm.s32 $0x2800  }
0x65: {  	[hbm4b:s10+s3] =	stream.linear.scatter [tilespmem:s30], [sflag:$0x1], $0x200, $0x38;
	[tilespmem:$0x4000] =	vst v63  }
0x66: {  	s31 =	simm.s32 $0x2A00  }
0x67: {  	[hbm4b:s11+s3] =	stream.linear.scatter [tilespmem:s31], [sflag:$0x1], $0x200, $0x38;
	[tilespmem:$0x4000] =	vst v63  }
0x68: {  	s5 =	simm.s32 $0x2C00  }
0x69: {  	[hbm4b:s12+s3] =	stream.linear.scatter [tilespmem:s5], [sflag:$0x1], $0x200, $0x38;
	[tilespmem:$0x4000] =	vst v63  }
0x6a: {  	s6 =	simm.s32 $0x2E00  }
0x6b: {  	[hbm4b:s13+s3] =	stream.linear.scatter [tilespmem:s6], [sflag:$0x1], $0x200, $0x38;
	[tilespmem:$0x4000] =	vst v63  }
0x6c: {  	s7 =	simm.s32 $0x3000  }
0x6d: {  	[hbm4b:s14+s3] =	stream.linear.scatter [tilespmem:s7], [sflag:$0x1], $0x200, $0x38;
	[tilespmem:$0x4000] =	vst v63  }
0x6e: {  	s8 =	simm.s32 $0x3200  }
0x6f: {  	[hbm4b:s15+s3] =	stream.linear.scatter [tilespmem:s8], [sflag:$0x1], $0x200, $0x38;
	[tilespmem:$0x4000] =	vst v63  }
0x70: {  	s24 =	simm.s32 $0x3400  }
0x71: {  	[hbm4b:s16+s3] =	stream.linear.scatter [tilespmem:s24], [sflag:$0x1], $0x200, $0x38;
	[tilespmem:$0x4000] =	vst v63  }
0x72: {  	s25 =	simm.s32 $0x3600  }
0x73: {  	[hbm4b:s17+s3] =	stream.linear.scatter [tilespmem:s25], [sflag:$0x1], $0x200, $0x38;
	[tilespmem:$0x4000] =	vst v63  }
0x74: {  	s26 =	simm.s32 $0x3800  }
0x75: {  	[hbm4b:s18+s3] =	stream.linear.scatter [tilespmem:s26], [sflag:$0x1], $0x200, $0x38;
	[tilespmem:$0x4000] =	vst v63  }
0x76: {  	s28 =	simm.s32 $0x3A00  }
0x77: {  	[hbm4b:s19+s3] =	stream.linear.scatter [tilespmem:s28], [sflag:$0x1], $0x200, $0x38;
	[tilespmem:$0x4000] =	vst v63  }
0x78: {  	s29 =	simm.s32 $0x3C00  }
0x79: {  	[hbm4b:s20+s3] =	stream.linear.scatter [tilespmem:s29], [sflag:$0x1], $0x200, $0x38;
	[tilespmem:$0x4000] =	vst v63  }
0x7a: {  	s30 =	simm.s32 $0x3E00  }
0x7b: {  	[hbm4b:s21+s3] =	stream.linear.scatter [tilespmem:s30], [sflag:$0x1], $0x200, $0x38;
	[tilespmem:$0x4000] =	vst v63  }
0x7c: {  	_ =	swait.ge [sflag:s23], $0x200  }
0x7d: {  	[sflag:s23] =	ssyncset.done $0x0  }
0x7e: {  	[sflag:s23] =	ssyncadd.s32 $0xFFFFFE00  }
0x7f: {  	_ =	swait.ge [sflag:s23], $0x200  }
0x80: {  	[sflag:s23] =	ssyncset.done $0x0  }
0x81: {  	[sflag:s23] =	ssyncadd.s32 $0xFFFFFE00  }
0x82: {  	_ =	swait.ge [sflag:s23], $0x200  }
0x83: {  	[sflag:s23] =	ssyncset.done $0x0  }
0x84: {  	[sflag:s23] =	ssyncadd.s32 $0xFFFFFE00  }
0x85: {  	_ =	swait.ge [sflag:s23], $0x200  }
0x86: {  	[sflag:s23] =	ssyncset.done $0x0  }
0x87: {  	[sflag:s23] =	ssyncadd.s32 $0xFFFFFE00  }
0x88: {  	_ =	swait.ge [sflag:s23], $0x200  }
0x89: {  	[sflag:s23] =	ssyncset.done $0x0  }
0x8a: {  	[sflag:s23] =	ssyncadd.s32 $0xFFFFFE00  }
0x8b: {  	_ =	swait.ge [sflag:s23], $0x200  }
0x8c: {  	[sflag:s23] =	ssyncset.done $0x0  }
0x8d: {  	[sflag:s23] =	ssyncadd.s32 $0xFFFFFE00  }
0x8e: {  	_ =	swait.ge [sflag:s23], $0x200  }
0x8f: {  	[sflag:s23] =	ssyncset.done $0x0  }
0x90: {  	[sflag:s23] =	ssyncadd.s32 $0xFFFFFE00  }
0x91: {  	_ =	swait.ge [sflag:s23], $0x200  }
0x92: {  	[sflag:s23] =	ssyncset.done $0x0  }
0x93: {  	[sflag:s23] =	ssyncadd.s32 $0xFFFFFE00  }
0x94: {  	_ =	swait.ge [sflag:s23], $0x200  }
0x95: {  	[sflag:s23] =	ssyncset.done $0x0  }
0x96: {  	[sflag:s23] =	ssyncadd.s32 $0xFFFFFE00  }
0x97: {  	_ =	swait.ge [sflag:s23], $0x200  }
0x98: {  	[sflag:s23] =	ssyncset.done $0x0  }
0x99: {  	[sflag:s23] =	ssyncadd.s32 $0xFFFFFE00  }
0x9a: {  	_ =	swait.ge [sflag:s23], $0x200  }
0x9b: {  	[sflag:s23] =	ssyncset.done $0x0  }
0x9c: {  	[sflag:s23] =	ssyncadd.s32 $0xFFFFFE00  }
0x9d: {  	_ =	swait.ge [sflag:s23], $0x200  }
0x9e: {  	[sflag:s23] =	ssyncset.done $0x0  }
0x9f: {  	[sflag:s23] =	ssyncadd.s32 $0xFFFFFE00  }
0xa0: {  	_ =	swait.ge [sflag:s23], $0x200  }
0xa1: {  	[sflag:s23] =	ssyncset.done $0x0  }
0xa2: {  	[sflag:s23] =	ssyncadd.s32 $0xFFFFFE00  }
0xa3: {  	_ =	swait.ge [sflag:s23], $0x200  }
0xa4: {  	[sflag:s23] =	ssyncset.done $0x0  }
0xa5: {  	[sflag:s23] =	ssyncadd.s32 $0xFFFFFE00  }
0xa6: {  	_ =	swait.ge [sflag:s23], $0x200  }
0xa7: {  	[sflag:s23] =	ssyncset.done $0x0  }
0xa8: {  	[sflag:s23] =	ssyncadd.s32 $0xFFFFFE00  }
0xa9: {  	_ =	swait.ge [sflag:s23], $0x200  }
0xaa: {  	s0 =	sadd.s32 $0x1, s0;
	s31 =	rddreg [dreg:$0x4]  }
0xab: {  	p0 =	sne.s32 s0, s31  }
.Ltmp2:
0xac: {  	_ = 	snop;
	(pc) =	sbr.rel @p0 .LBB2_1-.Ltmp2, $3  }
0xad: {  	_ =	sdelay $0x1  }
0xae: {  	[sflag:s23] =	ssyncset.done $0x0  }
0xaf: {  	[sflag:s23] =	ssyncadd.s32 $0xFFFFFE00  }
0xb0: {  	_ =	sfence.sel $0x180000  }
0xb1: {  	[bflag:$0x0] =	sbarrier.arrive $0xFFFF  }
0xb2: {  	_ =	strace $0x9000004A  }
0xb3: {  	s0 =	stileid.u32;
	[bflag:$0x2] =	sbarrier.arrive $0xFFFF  }
0xb4: {  	p0 =	sne.s32 s0, $0x0;
	s0 =	rddreg [dreg:$0x2]  }
0xb5: {  	s0 =	sadd.s32 @!p0 $0x100000, s0  }
0xb6: {  	[sflag:s0] =	ssyncadd.tile.s32 @!p0 $0x1;
	_ =	shalt  }
.Lfunc_end2:
_tile_overlayer_lowered:
.L_overlay_start_2:
0xb7: {  	(tag) =	ssettag $0x2  }
0xb8: {  	s0 =	rddreg [dreg:$0x0];
	s2 =	stileid.u32  }
0xb9: {  	s1 =	rddreg [dreg:$0x1];
	p0 =	sne.s32 s2, $0x0  }
0xba: {  	s3 =	rddreg [dreg:$0x2];
	[bflag:$0x3] =	sbarrier.arrive $0xFFFF;
	s2 =	simm.s32 @!p0 $0x1C02  }
0xbb: {  	[timem:s3], [sflag:s2] =	dma.local @!p0 [hbm:s0], s1  }
0xbc: {  	s0 =	simm.s32 @!p0 $0x2  }
0xbd: {  	_ =	swait.ge @!p0 [sflag:s0], s1  }
0xbe: {  	s1 =	ssub.s32 @!p0 $0x0, s1;
	[sflag:s0] =	ssyncset.done @!p0 $0x0  }
0xbf: {  	[sflag:s0] =	ssyncadd.s32 @!p0 s1  }
0xc0: {  	[bflag:$0x3] =	sbarrier.arrive $0xFFFF  }
0xc1: {  	_ =	shalt  }

</sc_bundles>
